<compile_context>
chip_gen: v7x
topology: tpu7x:2x2x1
jax: 0.10.2.dev20260603
libtpu: 0.0.44.dev20260713+nightly
codegen_flags: <defaults>
</compile_context>

<pallas_src>
import functools

import jax
import jax.numpy as jnp
from jax import lax
from jax.experimental import pallas as pl
from jax.experimental.pallas import tpu as pltpu
from jax.experimental.pallas import tpu_sc as plsc

C = 384
HW = 50176
K_SP = 196
TOPK = 64
NH = 8
HD = C // NH
SCALE = HD ** (-0.5)

TILE = 512
N_TILES = HW // TILE

KB = 4
TB = KB * TOPK
N_ATT = K_SP // KB



NBINS = 2048
NCOARSE = NBINS // 16
CAND_CAP = 2048
NW = 32
ROWS_PER_W = (K_SP + NW - 1) // NW
NVREG = HW // 16
I32_MIN = -2147483648
I32_MAX = 2147483647


def _mono_flip(b):
    s = lax.shift_right_arithmetic(b, 31)
    return b ^ (s & jnp.int32(0x7FFFFFFF))


def _topk_body(aff_hbm, vals_hbm, idx_hbm, row_v, hist_v, chist_v,
               cu_v, ci_v, ou_v, oi_v):
    cid = lax.axis_index("c")
    sid = lax.axis_index("s")
    wid = sid * 2 + cid
    lane = lax.iota(jnp.int32, 16)
    zeros16 = jnp.zeros((16,), jnp.int32)

    def do_row(j, _carry):
        r = wid + j * NW

        @pl.when(r < K_SP)
        def _():
            pltpu.sync_copy(aff_hbm.at[r], row_v)

            @plsc.parallel_loop(0, NBINS * 16 // 64, unroll=4)
            def _zero_hist(i):
                hist_v[pl.ds(i * 64, 16)] = zeros16
                hist_v[pl.ds(i * 64 + 16, 16)] = zeros16
                hist_v[pl.ds(i * 64 + 32, 16)] = zeros16
                hist_v[pl.ds(i * 64 + 48, 16)] = zeros16

            @plsc.parallel_loop(0, NCOARSE * 16 // 64, unroll=4)
            def _zero_chist(i):
                chist_v[pl.ds(i * 64, 16)] = zeros16
                chist_v[pl.ds(i * 64 + 16, 16)] = zeros16
                chist_v[pl.ds(i * 64 + 32, 16)] = zeros16
                chist_v[pl.ds(i * 64 + 48, 16)] = zeros16

            ones16 = jnp.ones((16,), jnp.int32)

            @plsc.parallel_loop(0, NVREG, unroll=8)
            def _p1(i):
                us = _mono_flip(row_v[pl.ds(i * 16, 16)])
                row_v[pl.ds(i * 16, 16)] = us
                k = lax.shift_right_arithmetic(us, 21) + jnp.int32(NBINS // 2)
                plsc.addupdate_scatter(
                    hist_v, [lax.shift_left(k, 4) + lane], ones16)
                kc = lax.shift_right_logical(k, 4)
                plsc.addupdate_scatter(
                    chist_v, [lax.shift_left(kc, 4) + lane], ones16)

            def cscan(i, carry):
                acc, cb, ca = carry
                h = jnp.int32(NCOARSE - 1) - i
                s = jnp.sum(chist_v[pl.ds(h * 16, 16)])
                hit = (cb < 0) & (acc + s >= TOPK)
                cb = jnp.where(hit, h, cb)
                ca = jnp.where(hit, acc, ca)
                return acc + s, cb, ca
            _, cb, ca = lax.fori_loop(
                0, NCOARSE, cscan, (jnp.int32(0), jnp.int32(-1), jnp.int32(0)))

            def fscan(i, carry):
                acc, b = carry
                h = cb * 16 + jnp.int32(15) - i
                s = jnp.sum(hist_v[pl.ds(h * 16, 16)])
                b = jnp.where((b < 0) & (acc + s >= TOPK), h, b)
                return acc + s, b
            _, bfin = lax.fori_loop(0, 16, fscan, (ca, jnp.int32(-1)))

            thr = lax.shift_left(bfin - jnp.int32(NBINS // 2), 21)

            @plsc.parallel_loop(0, NVREG, unroll=8, carry=zeros16)
            def _p2(i, n_vec):
                us = row_v[pl.ds(i * 16, 16)]
                m = us >= thr
                cum = jnp.cumsum(m.astype(jnp.int32))
                pos = n_vec + cum - 1
                mw = m & (pos < CAND_CAP)
                plsc.store_scatter(cu_v, [pos], us, mask=mw)
                plsc.store_scatter(ci_v, [pos], i * 16 + lane, mask=mw)
                return n_vec + plsc.all_reduce_population_count(m)
            n_cand = jnp.minimum(jnp.max(_p2), jnp.int32(CAND_CAP))

            plsc.store_scatter(cu_v, [n_cand + lane],
                               jnp.full((16,), I32_MIN, jnp.int32))
            plsc.store_scatter(ci_v, [n_cand + lane],
                               jnp.full((16,), I32_MAX, jnp.int32))
            nv = lax.shift_right_logical(n_cand + jnp.int32(15), 4)

            def extract(t, _):
                def scan_c(v, carry):
                    bu, bi, bp = carry
                    u = cu_v[pl.ds(v * 16, 16)]
                    ii = ci_v[pl.ds(v * 16, 16)]
                    pos = v * 16 + lane
                    better = (u > bu) | ((u == bu) & (ii < bi))
                    return (jnp.where(better, u, bu),
                            jnp.where(better, ii, bi),
                            jnp.where(better, pos, bp))
                bu, bi, bp = lax.fori_loop(
                    0, nv, scan_c,
                    (jnp.full((16,), I32_MIN, jnp.int32),
                     jnp.full((16,), I32_MAX, jnp.int32), zeros16))
                mval = jnp.max(bu)
                selv = bu == mval
                midx = jnp.min(jnp.where(selv, bi, I32_MAX))
                selp = selv & (bi == midx)
                mpos = jnp.min(jnp.where(selp, bp, I32_MAX))
                first = lane == 0
                plsc.store_scatter(ou_v, [jnp.full((16,), t)],
                                   jnp.full((16,), mval), mask=first)
                plsc.store_scatter(oi_v, [jnp.full((16,), t)],
                                   jnp.full((16,), midx), mask=first)
                plsc.store_scatter(cu_v, [jnp.full((16,), mpos)],
                                   jnp.full((16,), I32_MIN, jnp.int32),
                                   mask=first)
                return 0
            lax.fori_loop(0, TOPK, extract, 0)

            for v in range(TOPK // 16):
                ou_v[pl.ds(v * 16, 16)] = _mono_flip(ou_v[pl.ds(v * 16, 16)])
            pltpu.sync_copy(ou_v, vals_hbm.at[r])
            pltpu.sync_copy(oi_v, idx_hbm.at[r])
        return 0

    lax.fori_loop(0, ROWS_PER_W, do_row, 0)


_topk_call = functools.partial(
    pl.kernel,
    out_type=[jax.ShapeDtypeStruct((K_SP, TOPK), jnp.int32),
              jax.ShapeDtypeStruct((K_SP, TOPK), jnp.int32)],
    mesh=plsc.VectorSubcoreMesh(core_axis_name="c", subcore_axis_name="s"),
    compiler_params=pltpu.CompilerParams(needs_layout_passes=False),
    scratch_types=[
        pltpu.VMEM((HW,), jnp.int32),
        pltpu.VMEM((NBINS * 16,), jnp.int32),
        pltpu.VMEM((NCOARSE * 16,), jnp.int32),
        pltpu.VMEM((CAND_CAP + 16,), jnp.int32),
        pltpu.VMEM((CAND_CAP + 16,), jnp.int32),
        pltpu.VMEM((TOPK,), jnp.int32),
        pltpu.VMEM((TOPK,), jnp.int32),
    ],
)(_topk_body)


def _ln_v_body(xt_ref, wvt_ref, g_ref, b_ref, vt_ref, xnt_ref):
    xb = xt_ref[...]
    mu = jnp.mean(xb, axis=1, keepdims=True)
    var = jnp.mean((xb - mu) ** 2, axis=1, keepdims=True)
    xn = (xb - mu) * jax.lax.rsqrt(var + 1e-6)
    xn = xn * g_ref[...] + b_ref[...]
    xnt_ref[...] = xn
    vt_ref[...] = jnp.dot(xn, wvt_ref[...], preferred_element_type=jnp.float32)


def _attn_body(xg_ref, s_ref, w_ref, out_ref):
    xg = xg_ref[...]
    srow = s_ref[0]
    scol = srow.reshape(TB, 1)
    qkv = jnp.dot(xg, w_ref[...], preferred_element_type=jnp.float32)
    q = qkv[:, :C]
    k = qkv[:, C:2 * C]
    vw = qkv[:, 2 * C:] * scol
    t_id = jax.lax.broadcasted_iota(jnp.int32, (TB, TB), 0) // TOPK
    s_id = jax.lax.broadcasted_iota(jnp.int32, (TB, TB), 1) // TOPK
    bias = jnp.where(t_id == s_id, 0.0, -1e30)
    outs = []
    for h in range(NH):
        sl = slice(h * HD, (h + 1) * HD)
        logits = jax.lax.dot_general(
            q[:, sl], k[:, sl], (((1,), (1,)), ((), ())),
            preferred_element_type=jnp.float32) * SCALE
        p = jnp.exp(jnp.clip(logits, -80.0, 80.0) + bias)
        p = p * (1.0 / jnp.sum(p, axis=1, keepdims=True))
        outs.append(jnp.dot(p, vw[:, sl], preferred_element_type=jnp.float32))
    out_ref[...] = jnp.concatenate(outs, axis=1) * scol


def kernel(x, affinity_matrix, num_spixels, Wq, Wk, Wv, ln_gamma, ln_beta):
    x2 = x.reshape(C, HW)
    aff = affinity_matrix.reshape(K_SP, HW)

    sims_bits, indices = _topk_call(
        lax.bitcast_convert_type(aff, jnp.int32))
    sims = lax.bitcast_convert_type(sims_bits, jnp.float32)

    vt_map, xnt = pl.pallas_call(
        _ln_v_body,
        grid=(N_TILES,),
        in_specs=[
            pl.BlockSpec((TILE, C), lambda i: (i, 0)),
            pl.BlockSpec((C, C), lambda i: (0, 0)),
            pl.BlockSpec((1, C), lambda i: (0, 0)),
            pl.BlockSpec((1, C), lambda i: (0, 0)),
        ],
        out_specs=[
            pl.BlockSpec((TILE, C), lambda i: (i, 0)),
            pl.BlockSpec((TILE, C), lambda i: (i, 0)),
        ],
        out_shape=[
            jax.ShapeDtypeStruct((HW, C), jnp.float32),
            jax.ShapeDtypeStruct((HW, C), jnp.float32),
        ],
    )(x2.T, Wv.T, ln_gamma.reshape(1, C), ln_beta.reshape(1, C))

    idx_flat = indices.reshape(K_SP * TOPK)
    xg = xnt[idx_flat]

    w_all = jnp.concatenate([Wq.T, Wk.T, Wv.T], axis=1)
    contrib = pl.pallas_call(
        _attn_body,
        grid=(N_ATT,),
        in_specs=[
            pl.BlockSpec((TB, C), lambda i: (i, 0)),
            pl.BlockSpec((1, 1, TB), lambda i: (i, 0, 0)),
            pl.BlockSpec((C, 3 * C), lambda i: (0, 0)),
        ],
        out_specs=pl.BlockSpec((TB, C), lambda i: (i, 0)),
        out_shape=jax.ShapeDtypeStruct((K_SP * TOPK, C), jnp.float32),
    )(xg, sims.reshape(N_ATT, 1, TB), w_all)

    res_t = vt_map.at[idx_flat, :].add(contrib)
    return res_t.T.reshape(1, C, 224, 224)

# --- scband reference (transcript-rebuilt; emitter-appended) ---
"""Pipeline reference for scband-spintra-att-module-v2-33346126086740 (READ-ONLY COPY).

The authoritative reference and input builder live on the scoring server;
editing this copy changes nothing except your own understanding.
"""

import jax, jax.numpy as jnp
import numpy as np

B, C, H, W = 1, 384, 224, 224
K_SP = 196
QK_DIM = 384
NUM_HEADS = 8
TOPK = 64
SCALE = (QK_DIM // NUM_HEADS) ** (-0.5)


def setup_inputs(seed: int = 0):
    key = jax.random.key(seed)
    ks = jax.random.split(key, 6)
    x = jax.random.normal(ks[0], (B, C, H, W), dtype=jnp.float32)
    affinity_matrix = jax.random.normal(ks[1], (B, K_SP, H * W), dtype=jnp.float32)
    Wq = jax.random.normal(ks[2], (QK_DIM, C), dtype=jnp.float32) * 0.02
    Wk = jax.random.normal(ks[3], (QK_DIM, C), dtype=jnp.float32) * 0.02
    Wv = jax.random.normal(ks[4], (C, C), dtype=jnp.float32) * 0.02
    ln_gamma = jnp.ones((C,), dtype=jnp.float32)
    ln_beta = jnp.zeros((C,), dtype=jnp.float32)
    return {"x": x, "affinity_matrix": affinity_matrix, "num_spixels": K_SP,
            "Wq": Wq, "Wk": Wk, "Wv": Wv, "ln_gamma": ln_gamma, "ln_beta": ln_beta}


def _forward(x, affinity_matrix, Wq, Wk, Wv, ln_gamma, ln_beta, num_spixels):
    Bb, Cc, Hh, Ww = x.shape
    HW = Hh * Ww
    h = NUM_HEADS
    k_static = affinity_matrix.shape[1]
    # LayerNorm2d: normalize over channel dim per spatial location
    mu = jnp.mean(x, axis=1, keepdims=True)
    var = jnp.var(x, axis=1, keepdims=True)
    xn = (x - mu) / jnp.sqrt(var + 1e-6)
    xn = xn * ln_gamma[None, :, None, None] + ln_beta[None, :, None, None]
    # 1x1 convs
    q = jnp.einsum('oc,bchw->bohw', Wq, xn)
    k = jnp.einsum('oc,bchw->bohw', Wk, xn)
    v = jnp.einsum('oc,bchw->bohw', Wv, xn)
    # topk pixels per superpixel by affinity
    sims, indices = jax.lax.top_k(affinity_matrix, TOPK)  # [B, K, topk]

    def sample(t, d):
        tf = t.reshape(Bb, d, HW)
        # out[b, c, k, t] = tf[b, c, indices[b, k, t]]
        g = jax.vmap(lambda tb, ib: tb[:, ib])(tf, indices)  # [B, d, K, topk]
        g = jnp.transpose(g, (0, 2, 1, 3))  # [B, K, d, topk]
        # 'b k (h c) t -> b k h t c'
        g = g.reshape(Bb, k_static, h, d // h, TOPK)
        return jnp.transpose(g, (0, 1, 2, 4, 3))

    q_sp = sample(q, QK_DIM)
    k_sp = sample(k, QK_DIM)
    v_sp = sample(v, Cc)
    attn = jnp.einsum('bkhtc,bkhsc->bkhts', q_sp, k_sp) * SCALE
    attn = jax.nn.softmax(attn, axis=-1)
    # attn_drop p=0.0 -> identity
    weight = jnp.broadcast_to(sims[:, :, None, :, None], v_sp.shape)
    v_w = weight * v_sp  # kweight=True
    out = jnp.einsum('bkhts,bkhsc->bkhtc', attn, v_w)

    def merge(t):
        # 'b k h t c -> b (h c) (k t)'
        tt = jnp.transpose(t, (0, 2, 4, 1, 3))
        return tt.reshape(Bb, Cc, k_static * TOPK)

    out = merge(out)
    wflat = merge(weight)
    out = wflat * out
    # weighted_scatter_mean with normz=False -> plain scatter-add onto v
    tgt = v.reshape(Bb, Cc, HW)
    idx_flat = indices.reshape(Bb, k_static * TOPK)
    b_idx = jnp.arange(Bb)[:, None, None]
    c_idx = jnp.arange(Cc)[None, :, None]
    res = tgt.at[b_idx, c_idx, idx_flat[:, None, :]].add(out)
    res = res * (num_spixels // k_static)
    return res.reshape(Bb, Cc, Hh, Ww)


def reference(x, affinity_matrix, num_spixels, Wq, Wk, Wv, ln_gamma, ln_beta):
    return _forward(x, affinity_matrix, Wq, Wk, Wv, ln_gamma, ln_beta, num_spixels)

if __name__ == "__main__":
    import jax
    _d = setup_inputs()
    print(jax.jit(kernel)(*tuple(_d.values())))

</pallas_src>

<mosaic_0001>
#map = affine_map<(d0, d1) -> (0, 0)>
module attributes {stable_mosaic.version = 14 : i64} {
  func.func @_topk_body(%arg0: i32, %arg1: i32, %arg2: memref<196x50176xi32, #tpu.memory_space<hbm>>, %arg3: memref<196x64xi32, #tpu.memory_space<hbm>>, %arg4: memref<196x64xi32, #tpu.memory_space<hbm>>, %arg5: memref<50176xi32, #tpu.memory_space<vmem>>, %arg6: memref<32768xi32, #tpu.memory_space<vmem>>, %arg7: memref<2048xi32, #tpu.memory_space<vmem>>, %arg8: memref<2064xi32, #tpu.memory_space<vmem>>, %arg9: memref<2064xi32, #tpu.memory_space<vmem>>, %arg10: memref<64xi32, #tpu.memory_space<vmem>>, %arg11: memref<64xi32, #tpu.memory_space<vmem>>) attributes {dimension_semantics = [#tpu.dimension_semantics<core_parallel>, #tpu.dimension_semantics<subcore_parallel>], iteration_bounds = array<i64: 2, 16>, scalar_prefetch = 0 : i64, scratch_operands = 7 : i64, tpu.core_type = #tpu.core_type<sc_vector_subcore>, window_params = [{transform_indices = #map}, {transform_indices = #map}, {transform_indices = #map}]} {
    %mul3A = arith.constant 2 : i32
    %mul3A_0 = arith.muli %arg1, %mul3A : i32
    %add3A = arith.addi %mul3A_0, %arg0 : i32
    %iota3A = tpu.iota {dimensions = array<i32: 0>} : vector<16xi32>
    %broadcast_in_dim3A = arith.constant 0 : i32
    %broadcast_in_dim3A_1 = vector.broadcast %broadcast_in_dim3A : i32 to vector<16xi32>
    %scan3A = arith.constant 0 : i32
    %scan3A_2 = arith.constant 0 : i32
    %scan3A_3 = arith.constant 7 : i32
    %scan3A_4 = arith.addi %scan3A_2, %scan3A_3 : i32
    %scan3A_5 = arith.constant 1 : i32
    %scan3A_6 = scf.for %scan3A_8 = %scan3A_2 to %scan3A_4 step %scan3A_5 iter_args(%scan3A_9 = %scan3A) -> (i32)  : i32 {
      %mul3A_10 = arith.constant 32 : i32
      %mul3A_11 = arith.muli %scan3A_8, %mul3A_10 : i32
      %add3A_12 = arith.addi %add3A, %mul3A_11 : i32
      %lt3A = arith.constant 196 : i32
      %lt3A_13 = arith.cmpi slt, %add3A_12, %lt3A : i32
      %convert_element_type3A = arith.extui %lt3A_13 : i1 to i32
      %cond3A = arith.constant 0 : i32
      %cond3A_14 = arith.cmpi ne, %convert_element_type3A, %cond3A : i32
      scf.if %cond3A_14 {
        "tpu.region"() ({
          %run_scoped3A = tpu.sem_alloc : memref<!tpu.dma_semaphore, #tpu.memory_space<semaphore_mem>>
          %dma_start3A = arith.constant 0 : i32
          %dma_start3A_113 = tpu.memref_slice %arg2[%add3A_12, %dma_start3A] : memref<196x50176xi32, #tpu.memory_space<hbm>> -> memref<1x50176xi32, #tpu.memory_space<hbm>>
          %dma_start3A_114 = tpu.memref_squeeze %dma_start3A_113 : memref<1x50176xi32, #tpu.memory_space<hbm>> -> memref<50176xi32, #tpu.memory_space<hbm>>
          %dma_start3A_115 = arith.constant 0 : i32
          %dma_start3A_116 = tpu.memref_slice %arg2[%add3A_12, %dma_start3A_115] : memref<196x50176xi32, #tpu.memory_space<hbm>> -> memref<1x50176xi32, #tpu.memory_space<hbm>>
          %dma_start3A_117 = tpu.memref_squeeze %dma_start3A_116 : memref<1x50176xi32, #tpu.memory_space<hbm>> -> memref<50176xi32, #tpu.memory_space<hbm>>
          tpu.enqueue_dma source(%dma_start3A_117 : memref<50176xi32, #tpu.memory_space<hbm>>) target(%arg5 : memref<50176xi32, #tpu.memory_space<vmem>>) target_semaphore(%run_scoped3A : memref<!tpu.dma_semaphore, #tpu.memory_space<semaphore_mem>>)
          %dma_wait3A = arith.constant 0 : i32
          %dma_wait3A_118 = tpu.memref_slice %arg2[%add3A_12, %dma_wait3A] : memref<196x50176xi32, #tpu.memory_space<hbm>> -> memref<1x50176xi32, #tpu.memory_space<hbm>>
          %dma_wait3A_119 = tpu.memref_squeeze %dma_wait3A_118 : memref<1x50176xi32, #tpu.memory_space<hbm>> -> memref<50176xi32, #tpu.memory_space<hbm>>
          %dma_wait3A_120 = arith.constant 0 : i32
          %dma_wait3A_121 = tpu.memref_slice %arg2[%add3A_12, %dma_wait3A_120] : memref<196x50176xi32, #tpu.memory_space<hbm>> -> memref<1x50176xi32, #tpu.memory_space<hbm>>
          %dma_wait3A_122 = tpu.memref_squeeze %dma_wait3A_121 : memref<1x50176xi32, #tpu.memory_space<hbm>> -> memref<50176xi32, #tpu.memory_space<hbm>>
          tpu.wait_dma2 semaphore(%run_scoped3A : memref<!tpu.dma_semaphore, #tpu.memory_space<semaphore_mem>>) src(%dma_wait3A_122 : memref<50176xi32, #tpu.memory_space<hbm>>) dst(%arg5 : memref<50176xi32, #tpu.memory_space<vmem>>)
          tpu.yield
        }) : () -> ()
        %parallel_loop3A = arith.constant 0 : i32
        %parallel_loop3A_16 = arith.constant 512 : i32
        %parallel_loop3A_17 = arith.constant 1 : i32
        scf.for %parallel_loop3A_113 = %parallel_loop3A to %parallel_loop3A_16 step %parallel_loop3A_17  : i32 {
          %parallel_loop3A_114 = arith.constant 64 : i32
          %parallel_loop3A_115 = arith.muli %parallel_loop3A_113, %parallel_loop3A_114 : i32
          %parallel_loop3A_116 = arith.index_cast %parallel_loop3A_115 : i32 to index
          %parallel_loop3A_117 = tpu.vector_load %arg6[%parallel_loop3A_116] {strides = array<i32>} : memref<32768xi32, #tpu.memory_space<vmem>>, vector<16xi32>,
          tpu.vector_store %arg6[%parallel_loop3A_116], %broadcast_in_dim3A_1 {strides = array<i32>} : memref<32768xi32, #tpu.memory_space<vmem>>, vector<16xi32>,
          %parallel_loop3A_118 = arith.constant 64 : i32
          %parallel_loop3A_119 = arith.muli %parallel_loop3A_113, %parallel_loop3A_118 : i32
          %parallel_loop3A_120 = arith.constant 16 : i32
          %parallel_loop3A_121 = arith.addi %parallel_loop3A_119, %parallel_loop3A_120 : i32
          %parallel_loop3A_122 = arith.index_cast %parallel_loop3A_121 : i32 to index
          %parallel_loop3A_123 = tpu.vector_load %arg6[%parallel_loop3A_122] {strides = array<i32>} : memref<32768xi32, #tpu.memory_space<vmem>>, vector<16xi32>,
          tpu.vector_store %arg6[%parallel_loop3A_122], %broadcast_in_dim3A_1 {strides = array<i32>} : memref<32768xi32, #tpu.memory_space<vmem>>, vector<16xi32>,
          %parallel_loop3A_124 = arith.constant 64 : i32
          %parallel_loop3A_125 = arith.muli %parallel_loop3A_113, %parallel_loop3A_124 : i32
          %parallel_loop3A_126 = arith.constant 32 : i32
          %parallel_loop3A_127 = arith.addi %parallel_loop3A_125, %parallel_loop3A_126 : i32
          %parallel_loop3A_128 = arith.index_cast %parallel_loop3A_127 : i32 to index
          %parallel_loop3A_129 = tpu.vector_load %arg6[%parallel_loop3A_128] {strides = array<i32>} : memref<32768xi32, #tpu.memory_space<vmem>>, vector<16xi32>,
          tpu.vector_store %arg6[%parallel_loop3A_128], %broadcast_in_dim3A_1 {strides = array<i32>} : memref<32768xi32, #tpu.memory_space<vmem>>, vector<16xi32>,
          %parallel_loop3A_130 = arith.constant 64 : i32
          %parallel_loop3A_131 = arith.muli %parallel_loop3A_113, %parallel_loop3A_130 : i32
          %parallel_loop3A_132 = arith.constant 48 : i32
          %parallel_loop3A_133 = arith.addi %parallel_loop3A_131, %parallel_loop3A_132 : i32
          %parallel_loop3A_134 = arith.index_cast %parallel_loop3A_133 : i32 to index
          %parallel_loop3A_135 = tpu.vector_load %arg6[%parallel_loop3A_134] {strides = array<i32>} : memref<32768xi32, #tpu.memory_space<vmem>>, vector<16xi32>,
          tpu.vector_store %arg6[%parallel_loop3A_134], %broadcast_in_dim3A_1 {strides = array<i32>} : memref<32768xi32, #tpu.memory_space<vmem>>, vector<16xi32>,
        } {sc.loop_unroll_factor = 4 : i64, sc.parallel_access}
        %parallel_loop3A_18 = arith.constant 0 : i32
        %parallel_loop3A_19 = arith.constant 32 : i32
        %parallel_loop3A_20 = arith.constant 1 : i32
        scf.for %parallel_loop3A_113 = %parallel_loop3A_18 to %parallel_loop3A_19 step %parallel_loop3A_20  : i32 {
          %parallel_loop3A_114 = arith.constant 64 : i32
          %parallel_loop3A_115 = arith.muli %parallel_loop3A_113, %parallel_loop3A_114 : i32
          %parallel_loop3A_116 = arith.index_cast %parallel_loop3A_115 : i32 to index
          %parallel_loop3A_117 = tpu.vector_load %arg7[%parallel_loop3A_116] {strides = array<i32>} : memref<2048xi32, #tpu.memory_space<vmem>>, vector<16xi32>,
          tpu.vector_store %arg7[%parallel_loop3A_116], %broadcast_in_dim3A_1 {strides = array<i32>} : memref<2048xi32, #tpu.memory_space<vmem>>, vector<16xi32>,
          %parallel_loop3A_118 = arith.constant 64 : i32
          %parallel_loop3A_119 = arith.muli %parallel_loop3A_113, %parallel_loop3A_118 : i32
          %parallel_loop3A_120 = arith.constant 16 : i32
          %parallel_loop3A_121 = arith.addi %parallel_loop3A_119, %parallel_loop3A_120 : i32
          %parallel_loop3A_122 = arith.index_cast %parallel_loop3A_121 : i32 to index
          %parallel_loop3A_123 = tpu.vector_load %arg7[%parallel_loop3A_122] {strides = array<i32>} : memref<2048xi32, #tpu.memory_space<vmem>>, vector<16xi32>,
          tpu.vector_store %arg7[%parallel_loop3A_122], %broadcast_in_dim3A_1 {strides = array<i32>} : memref<2048xi32, #tpu.memory_space<vmem>>, vector<16xi32>,
          %parallel_loop3A_124 = arith.constant 64 : i32
          %parallel_loop3A_125 = arith.muli %parallel_loop3A_113, %parallel_loop3A_124 : i32
          %parallel_loop3A_126 = arith.constant 32 : i32
          %parallel_loop3A_127 = arith.addi %parallel_loop3A_125, %parallel_loop3A_126 : i32
          %parallel_loop3A_128 = arith.index_cast %parallel_loop3A_127 : i32 to index
          %parallel_loop3A_129 = tpu.vector_load %arg7[%parallel_loop3A_128] {strides = array<i32>} : memref<2048xi32, #tpu.memory_space<vmem>>, vector<16xi32>,
          tpu.vector_store %arg7[%parallel_loop3A_128], %broadcast_in_dim3A_1 {strides = array<i32>} : memref<2048xi32, #tpu.memory_space<vmem>>, vector<16xi32>,
          %parallel_loop3A_130 = arith.constant 64 : i32
          %parallel_loop3A_131 = arith.muli %parallel_loop3A_113, %parallel_loop3A_130 : i32
          %parallel_loop3A_132 = arith.constant 48 : i32
          %parallel_loop3A_133 = arith.addi %parallel_loop3A_131, %parallel_loop3A_132 : i32
          %parallel_loop3A_134 = arith.index_cast %parallel_loop3A_133 : i32 to index
          %parallel_loop3A_135 = tpu.vector_load %arg7[%parallel_loop3A_134] {strides = array<i32>} : memref<2048xi32, #tpu.memory_space<vmem>>, vector<16xi32>,
          tpu.vector_store %arg7[%parallel_loop3A_134], %broadcast_in_dim3A_1 {strides = array<i32>} : memref<2048xi32, #tpu.memory_space<vmem>>, vector<16xi32>,
        } {sc.loop_unroll_factor = 4 : i64, sc.parallel_access}
        %broadcast_in_dim3A_21 = arith.constant 1 : i32
        %broadcast_in_dim3A_22 = vector.broadcast %broadcast_in_dim3A_21 : i32 to vector<16xi32>
        %parallel_loop3A_23 = arith.constant 0 : i32
        %parallel_loop3A_24 = arith.constant 3136 : i32
        %parallel_loop3A_25 = arith.constant 1 : i32
        scf.for %parallel_loop3A_113 = %parallel_loop3A_23 to %parallel_loop3A_24 step %parallel_loop3A_25  : i32 {
          %parallel_loop3A_114 = arith.constant 16 : i32
          %parallel_loop3A_115 = arith.muli %parallel_loop3A_113, %parallel_loop3A_114 : i32
          %parallel_loop3A_116 = arith.index_cast %parallel_loop3A_115 : i32 to index
          %parallel_loop3A_117 = tpu.vector_load %arg5[%parallel_loop3A_116] {strides = array<i32>} : memref<50176xi32, #tpu.memory_space<vmem>>, vector<16xi32>,
          %parallel_loop3A_118 = arith.constant 31 : i32
          %parallel_loop3A_119 = vector.broadcast %parallel_loop3A_118 : i32 to vector<16xi32>
          %parallel_loop3A_120 = arith.shrsi %parallel_loop3A_117, %parallel_loop3A_119 : vector<16xi32>
          %parallel_loop3A_121 = arith.constant 2147483647 : i32
          %parallel_loop3A_122 = vector.broadcast %parallel_loop3A_121 : i32 to vector<16xi32>
          %parallel_loop3A_123 = arith.andi %parallel_loop3A_120, %parallel_loop3A_122 : vector<16xi32>
          %parallel_loop3A_124 = arith.xori %parallel_loop3A_117, %parallel_loop3A_123 : vector<16xi32>
          %parallel_loop3A_125 = arith.constant 16 : i32
          %parallel_loop3A_126 = arith.muli %parallel_loop3A_113, %parallel_loop3A_125 : i32
          %parallel_loop3A_127 = arith.index_cast %parallel_loop3A_126 : i32 to index
          %parallel_loop3A_128 = tpu.vector_load %arg5[%parallel_loop3A_127] {strides = array<i32>} : memref<50176xi32, #tpu.memory_space<vmem>>, vector<16xi32>,
          tpu.vector_store %arg5[%parallel_loop3A_127], %parallel_loop3A_124 {strides = array<i32>} : memref<50176xi32, #tpu.memory_space<vmem>>, vector<16xi32>,
          %parallel_loop3A_129 = arith.constant 21 : i32
          %parallel_loop3A_130 = vector.broadcast %parallel_loop3A_129 : i32 to vector<16xi32>
          %parallel_loop3A_131 = arith.shrsi %parallel_loop3A_124, %parallel_loop3A_130 : vector<16xi32>
          %parallel_loop3A_132 = arith.constant 1024 : i32
          %parallel_loop3A_133 = vector.broadcast %parallel_loop3A_132 : i32 to vector<16xi32>
          %parallel_loop3A_134 = arith.addi %parallel_loop3A_131, %parallel_loop3A_133 : vector<16xi32>
          %parallel_loop3A_135 = arith.constant 4 : i32
          %parallel_loop3A_136 = vector.broadcast %parallel_loop3A_135 : i32 to vector<16xi32>
          %parallel_loop3A_137 = arith.shli %parallel_loop3A_134, %parallel_loop3A_136 : vector<16xi32>
          %parallel_loop3A_138 = arith.addi %parallel_loop3A_137, %iota3A : vector<16xi32>
          tpu.vector_store_idx %arg6[%parallel_loop3A_138], %broadcast_in_dim3A_22 {add = true} : memref<32768xi32, #tpu.memory_space<vmem>>[vector<16xi32>], vector<16xi32>,
          %parallel_loop3A_139 = arith.constant 4 : i32
          %parallel_loop3A_140 = vector.broadcast %parallel_loop3A_139 : i32 to vector<16xi32>
          %parallel_loop3A_141 = arith.shrui %parallel_loop3A_134, %parallel_loop3A_140 : vector<16xi32>
          %parallel_loop3A_142 = arith.constant 4 : i32
          %parallel_loop3A_143 = vector.broadcast %parallel_loop3A_142 : i32 to vector<16xi32>
          %parallel_loop3A_144 = arith.shli %parallel_loop3A_141, %parallel_loop3A_143 : vector<16xi32>
          %parallel_loop3A_145 = arith.addi %parallel_loop3A_144, %iota3A : vector<16xi32>
          tpu.vector_store_idx %arg7[%parallel_loop3A_145], %broadcast_in_dim3A_22 {add = true} : memref<2048xi32, #tpu.memory_space<vmem>>[vector<16xi32>], vector<16xi32>,
        } {sc.loop_unroll_factor = 8 : i64, sc.parallel_access}
        %scan3A_26 = arith.constant 0 : i32
        %scan3A_27 = arith.constant -1 : i32
        %scan3A_28 = arith.constant 0 : i32
        %scan3A_29 = arith.constant 0 : i32
        %scan3A_30 = arith.constant 128 : i32
        %scan3A_31 = arith.addi %scan3A_29, %scan3A_30 : i32
        %scan3A_32 = arith.constant 1 : i32
        %scan3A_33:3 = scf.for %scan3A_113 = %scan3A_29 to %scan3A_31 step %scan3A_32 iter_args(%scan3A_114 = %scan3A_26, %scan3A_115 = %scan3A_27, %scan3A_116 = %scan3A_28) -> (i32, i32, i32)  : i32 {
          %sub3A_117 = arith.constant 127 : i32
          %sub3A_118 = arith.subi %sub3A_117, %scan3A_113 : i32
          %mul3A_119 = arith.constant 16 : i32
          %mul3A_120 = arith.muli %sub3A_118, %mul3A_119 : i32
          %get3A_121 = arith.index_cast %mul3A_120 : i32 to index
          %get3A_122 = tpu.vector_load %arg7[%get3A_121] {strides = array<i32>} : memref<2048xi32, #tpu.memory_space<vmem>>, vector<16xi32>,
          %reduce_sum3A = arith.constant true
          %reduce_sum3A_123 = vector.broadcast %reduce_sum3A : i1 to vector<16xi1>
          %reduce_sum3A_124 = tpu.scan <sum>, %get3A_122 masked %reduce_sum3A_123 : vector<16xi32>, vector<16xi1> -> vector<16xi32>
          %reduce_sum3A_125 = vector.extract %reduce_sum3A_124[15] : i32 from vector<16xi32>
          %lt3A_126 = arith.constant 0 : i32
          %lt3A_127 = arith.cmpi slt, %scan3A_115, %lt3A_126 : i32
          %add3A_128 = arith.addi %scan3A_114, %reduce_sum3A_125 : i32
          %ge3A = arith.constant 64 : i32
          %ge3A_129 = arith.cmpi sge, %add3A_128, %ge3A : i32
          %and3A_130 = arith.andi %lt3A_127, %ge3A_129 : i1
          %select_n3A = arith.select %and3A_130, %sub3A_118, %scan3A_115 : i32
          %select_n3A_131 = arith.select %and3A_130, %scan3A_114, %scan3A_116 : i32
          %add3A_132 = arith.addi %scan3A_114, %reduce_sum3A_125 : i32
          scf.yield %add3A_132, %select_n3A, %select_n3A_131 : i32, i32, i32
        }
        %scan3A_34 = arith.constant 128 : i32
        %scan3A_35 = arith.constant -1 : i32
        %scan3A_36 = arith.constant 0 : i32
        %scan3A_37 = arith.constant 16 : i32
        %scan3A_38 = arith.addi %scan3A_36, %scan3A_37 : i32
        %scan3A_39 = arith.constant 1 : i32
        %scan3A_40:2 = scf.for %scan3A_113 = %scan3A_36 to %scan3A_38 step %scan3A_39 iter_args(%scan3A_114 = %scan3A_33#2, %scan3A_115 = %scan3A_35) -> (i32, i32)  : i32 {
          %mul3A_116 = arith.constant 16 : i32
          %mul3A_117 = arith.muli %scan3A_33#1, %mul3A_116 : i32
          %add3A_118 = arith.constant 15 : i32
          %add3A_119 = arith.addi %mul3A_117, %add3A_118 : i32
          %sub3A_120 = arith.subi %add3A_119, %scan3A_113 : i32
          %mul3A_121 = arith.constant 16 : i32
          %mul3A_122 = arith.muli %sub3A_120, %mul3A_121 : i32
          %get3A_123 = arith.index_cast %mul3A_122 : i32 to index
          %get3A_124 = tpu.vector_load %arg6[%get3A_123] {strides = array<i32>} : memref<32768xi32, #tpu.memory_space<vmem>>, vector<16xi32>,
          %reduce_sum3A = arith.constant true
          %reduce_sum3A_125 = vector.broadcast %reduce_sum3A : i1 to vector<16xi1>
          %reduce_sum3A_126 = tpu.scan <sum>, %get3A_124 masked %reduce_sum3A_125 : vector<16xi32>, vector<16xi1> -> vector<16xi32>
          %reduce_sum3A_127 = vector.extract %reduce_sum3A_126[15] : i32 from vector<16xi32>
          %lt3A_128 = arith.constant 0 : i32
          %lt3A_129 = arith.cmpi slt, %scan3A_115, %lt3A_128 : i32
          %add3A_130 = arith.addi %scan3A_114, %reduce_sum3A_127 : i32
          %ge3A = arith.constant 64 : i32
          %ge3A_131 = arith.cmpi sge, %add3A_130, %ge3A : i32
          %and3A_132 = arith.andi %lt3A_129, %ge3A_131 : i1
          %select_n3A = arith.select %and3A_132, %sub3A_120, %scan3A_115 : i32
          %add3A_133 = arith.addi %scan3A_114, %reduce_sum3A_127 : i32
          scf.yield %add3A_133, %select_n3A : i32, i32
        }
        %scan3A_41 = arith.constant 16 : i32
        %sub3A = arith.constant 1024 : i32
        %sub3A_42 = arith.subi %scan3A_40#1, %sub3A : i32
        %shift_left3A = arith.constant 21 : i32
        %shift_left3A_43 = arith.shli %sub3A_42, %shift_left3A : i32
        %parallel_loop3A_44 = arith.constant 0 : i32
        %parallel_loop3A_45 = arith.constant 3136 : i32
        %parallel_loop3A_46 = arith.constant 1 : i32
        %parallel_loop3A_47 = scf.for %parallel_loop3A_113 = %parallel_loop3A_44 to %parallel_loop3A_45 step %parallel_loop3A_46 iter_args(%parallel_loop3A_114 = %broadcast_in_dim3A_1) -> (vector<16xi32>)  : i32 {
          %parallel_loop3A_115 = arith.constant 16 : i32
          %parallel_loop3A_116 = arith.muli %parallel_loop3A_113, %parallel_loop3A_115 : i32
          %parallel_loop3A_117 = arith.index_cast %parallel_loop3A_116 : i32 to index
          %parallel_loop3A_118 = tpu.vector_load %arg5[%parallel_loop3A_117] {strides = array<i32>} : memref<50176xi32, #tpu.memory_space<vmem>>, vector<16xi32>,
          %parallel_loop3A_119 = vector.broadcast %shift_left3A_43 : i32 to vector<16xi32>
          %parallel_loop3A_120 = arith.cmpi sge, %parallel_loop3A_118, %parallel_loop3A_119 : vector<16xi32>
          %parallel_loop3A_121 = arith.extui %parallel_loop3A_120 : vector<16xi1> to vector<16xi32>
          %parallel_loop3A_122 = arith.constant true
          %parallel_loop3A_123 = vector.broadcast %parallel_loop3A_122 : i1 to vector<16xi1>
          %parallel_loop3A_124 = tpu.scan <sum>, %parallel_loop3A_121 masked %parallel_loop3A_123 : vector<16xi32>, vector<16xi1> -> vector<16xi32>
          %parallel_loop3A_125 = arith.addi %parallel_loop3A_114, %parallel_loop3A_124 : vector<16xi32>
          %parallel_loop3A_126 = arith.constant 1 : i32
          %parallel_loop3A_127 = vector.broadcast %parallel_loop3A_126 : i32 to vector<16xi32>
          %parallel_loop3A_128 = arith.subi %parallel_loop3A_125, %parallel_loop3A_127 : vector<16xi32>
          %parallel_loop3A_129 = arith.constant 2048 : i32
          %parallel_loop3A_130 = vector.broadcast %parallel_loop3A_129 : i32 to vector<16xi32>
          %parallel_loop3A_131 = arith.cmpi slt, %parallel_loop3A_128, %parallel_loop3A_130 : vector<16xi32>
          %parallel_loop3A_132 = arith.andi %parallel_loop3A_120, %parallel_loop3A_131 : vector<16xi1>
          tpu.vector_store_idx %arg8[%parallel_loop3A_128], %parallel_loop3A_118 masked %parallel_loop3A_132 : memref<2064xi32, #tpu.memory_space<vmem>>[vector<16xi32>], vector<16xi32>, vector<16xi1>
          %parallel_loop3A_133 = arith.constant 16 : i32
          %parallel_loop3A_134 = arith.muli %parallel_loop3A_113, %parallel_loop3A_133 : i32
          %parallel_loop3A_135 = vector.broadcast %parallel_loop3A_134 : i32 to vector<16xi32>
          %parallel_loop3A_136 = arith.addi %parallel_loop3A_135, %iota3A : vector<16xi32>
          tpu.vector_store_idx %arg9[%parallel_loop3A_128], %parallel_loop3A_136 masked %parallel_loop3A_132 : memref<2064xi32, #tpu.memory_space<vmem>>[vector<16xi32>], vector<16xi32>, vector<16xi1>
          %parallel_loop3A_137 = tpu.all_reduce %parallel_loop3A_120 {dim = 0 : i64, kind = #tpu.reduction_kind<sum>} : vector<16xi1> -> vector<16xi32>
          %parallel_loop3A_138 = arith.addi %parallel_loop3A_114, %parallel_loop3A_137 : vector<16xi32>
          scf.yield %parallel_loop3A_138 : vector<16xi32>
        } {sc.loop_unroll_factor = 8 : i64, sc.parallel_access}
        %reduce_max3A = arith.constant true
        %reduce_max3A_48 = vector.broadcast %reduce_max3A : i1 to vector<16xi1>
        %reduce_max3A_49 = arith.constant -2147483648 : i32
        %reduce_max3A_50 = vector.broadcast %reduce_max3A_49 : i32 to vector<16xi32>
        %reduce_max3A_51 = arith.xori %parallel_loop3A_47, %reduce_max3A_50 : vector<16xi32>
        %reduce_max3A_52 = tpu.scan <max>, %reduce_max3A_51 masked %reduce_max3A_48 : vector<16xi32>, vector<16xi1> -> vector<16xi32>
        %reduce_max3A_53 = arith.xori %reduce_max3A_52, %reduce_max3A_50 : vector<16xi32>
        %reduce_max3A_54 = vector.extract %reduce_max3A_53[15] : i32 from vector<16xi32>
        %min3A = arith.constant 2048 : i32
        %min3A_55 = arith.minsi %reduce_max3A_54, %min3A : i32
        %add3A_56 = vector.broadcast %min3A_55 : i32 to vector<16xi32>
        %add3A_57 = arith.addi %add3A_56, %iota3A : vector<16xi32>
        %broadcast_in_dim3A_58 = arith.constant -2147483648 : i32
        %broadcast_in_dim3A_59 = vector.broadcast %broadcast_in_dim3A_58 : i32 to vector<16xi32>
        tpu.vector_store_idx %arg8[%add3A_57], %broadcast_in_dim3A_59 : memref<2064xi32, #tpu.memory_space<vmem>>[vector<16xi32>], vector<16xi32>,
        %add3A_60 = vector.broadcast %min3A_55 : i32 to vector<16xi32>
        %add3A_61 = arith.addi %add3A_60, %iota3A : vector<16xi32>
        %broadcast_in_dim3A_62 = arith.constant 2147483647 : i32
        %broadcast_in_dim3A_63 = vector.broadcast %broadcast_in_dim3A_62 : i32 to vector<16xi32>
        tpu.vector_store_idx %arg9[%add3A_61], %broadcast_in_dim3A_63 : memref<2064xi32, #tpu.memory_space<vmem>>[vector<16xi32>], vector<16xi32>,
        %add3A_64 = arith.constant 15 : i32
        %add3A_65 = arith.addi %min3A_55, %add3A_64 : i32
        %shift_right_logical3A = arith.constant 4 : i32
        %shift_right_logical3A_66 = arith.shrui %add3A_65, %shift_right_logical3A : i32
        %scan3A_67 = arith.constant 0 : i32
        %scan3A_68 = arith.constant 0 : i32
        %scan3A_69 = arith.constant 64 : i32
        %scan3A_70 = arith.addi %scan3A_68, %scan3A_69 : i32
        %scan3A_71 = arith.constant 1 : i32
        %scan3A_72 = scf.for %scan3A_113 = %scan3A_68 to %scan3A_70 step %scan3A_71 iter_args(%scan3A_114 = %scan3A_67) -> (i32)  : i32 {
          %broadcast_in_dim3A_115 = arith.constant -2147483648 : i32
          %broadcast_in_dim3A_116 = vector.broadcast %broadcast_in_dim3A_115 : i32 to vector<16xi32>
          %broadcast_in_dim3A_117 = arith.constant 2147483647 : i32
          %broadcast_in_dim3A_118 = vector.broadcast %broadcast_in_dim3A_117 : i32 to vector<16xi32>
          %while3A = arith.constant 0 : i32
          %while3A_119 = arith.subi %shift_right_logical3A_66, %while3A : i32
          %while3A_120 = arith.addi %while3A, %while3A_119 : i32
          %while3A_121 = arith.constant 1 : i32
          %while3A_122 = arith.divsi %while3A_119, %while3A_121 : i32
          %while3A_123 = arith.muli %while3A_122, %while3A_121 : i32
          %while3A_124 = arith.addi %while3A, %while3A_123 : i32
          %while3A_125 = arith.constant 1 : i32
          %while3A_126:3 = scf.for %while3A_171 = %while3A to %while3A_124 step %while3A_125 iter_args(%while3A_172 = %broadcast_in_dim3A_116, %while3A_173 = %broadcast_in_dim3A_118, %while3A_174 = %broadcast_in_dim3A_1) -> (vector<16xi32>, vector<16xi32>, vector<16xi32>)  : i32 {
            %mul3A_175 = arith.constant 16 : i32
            %mul3A_176 = arith.muli %while3A_171, %mul3A_175 : i32
            %get3A_177 = arith.index_cast %mul3A_176 : i32 to index
            %get3A_178 = tpu.vector_load %arg8[%get3A_177] {strides = array<i32>} : memref<2064xi32, #tpu.memory_space<vmem>>, vector<16xi32>,
            %mul3A_179 = arith.constant 16 : i32
            %mul3A_180 = arith.muli %while3A_171, %mul3A_179 : i32
            %get3A_181 = arith.index_cast %mul3A_180 : i32 to index
            %get3A_182 = tpu.vector_load %arg9[%get3A_181] {strides = array<i32>} : memref<2064xi32, #tpu.memory_space<vmem>>, vector<16xi32>,
            %mul3A_183 = arith.constant 16 : i32
            %mul3A_184 = arith.muli %while3A_171, %mul3A_183 : i32
            %add3A_185 = vector.broadcast %mul3A_184 : i32 to vector<16xi32>
            %add3A_186 = arith.addi %add3A_185, %iota3A : vector<16xi32>
            %gt3A = arith.cmpi sgt, %get3A_178, %while3A_172 : vector<16xi32>
            %eq3A_187 = arith.cmpi eq, %get3A_178, %while3A_172 : vector<16xi32>
            %lt3A_188 = arith.cmpi slt, %get3A_182, %while3A_173 : vector<16xi32>
            %and3A_189 = arith.andi %eq3A_187, %lt3A_188 : vector<16xi1>
            %or3A = arith.ori %gt3A, %and3A_189 : vector<16xi1>
            %select_n3A_190 = arith.select %or3A, %get3A_178, %while3A_172 : vector<16xi1>, vector<16xi32>
            %select_n3A_191 = arith.select %or3A, %get3A_182, %while3A_173 : vector<16xi1>, vector<16xi32>
            %select_n3A_192 = arith.select %or3A, %add3A_186, %while3A_174 : vector<16xi1>, vector<16xi32>
            scf.yield %select_n3A_190, %select_n3A_191, %select_n3A_192 : vector<16xi32>, vector<16xi32>, vector<16xi32>
          }
          %while3A_127 = arith.constant 1 : i32
          %while3A_128:3 = scf.for %while3A_171 = %while3A_124 to %while3A_120 step %while3A_127 iter_args(%while3A_172 = %while3A_126#0, %while3A_173 = %while3A_126#1, %while3A_174 = %while3A_126#2) -> (vector<16xi32>, vector<16xi32>, vector<16xi32>)  : i32 {
            %mul3A_175 = arith.constant 16 : i32
            %mul3A_176 = arith.muli %while3A_171, %mul3A_175 : i32
            %get3A_177 = arith.index_cast %mul3A_176 : i32 to index
            %get3A_178 = tpu.vector_load %arg8[%get3A_177] {strides = array<i32>} : memref<2064xi32, #tpu.memory_space<vmem>>, vector<16xi32>,
            %mul3A_179 = arith.constant 16 : i32
            %mul3A_180 = arith.muli %while3A_171, %mul3A_179 : i32
            %get3A_181 = arith.index_cast %mul3A_180 : i32 to index
            %get3A_182 = tpu.vector_load %arg9[%get3A_181] {strides = array<i32>} : memref<2064xi32, #tpu.memory_space<vmem>>, vector<16xi32>,
            %mul3A_183 = arith.constant 16 : i32
            %mul3A_184 = arith.muli %while3A_171, %mul3A_183 : i32
            %add3A_185 = vector.broadcast %mul3A_184 : i32 to vector<16xi32>
            %add3A_186 = arith.addi %add3A_185, %iota3A : vector<16xi32>
            %gt3A = arith.cmpi sgt, %get3A_178, %while3A_172 : vector<16xi32>
            %eq3A_187 = arith.cmpi eq, %get3A_178, %while3A_172 : vector<16xi32>
            %lt3A_188 = arith.cmpi slt, %get3A_182, %while3A_173 : vector<16xi32>
            %and3A_189 = arith.andi %eq3A_187, %lt3A_188 : vector<16xi1>
            %or3A = arith.ori %gt3A, %and3A_189 : vector<16xi1>
            %select_n3A_190 = arith.select %or3A, %get3A_178, %while3A_172 : vector<16xi1>, vector<16xi32>
            %select_n3A_191 = arith.select %or3A, %get3A_182, %while3A_173 : vector<16xi1>, vector<16xi32>
            %select_n3A_192 = arith.select %or3A, %add3A_186, %while3A_174 : vector<16xi1>, vector<16xi32>
            scf.yield %select_n3A_190, %select_n3A_191, %select_n3A_192 : vector<16xi32>, vector<16xi32>, vector<16xi32>
          }
          %reduce_max3A_129 = arith.constant true
          %reduce_max3A_130 = vector.broadcast %reduce_max3A_129 : i1 to vector<16xi1>
          %reduce_max3A_131 = arith.constant -2147483648 : i32
          %reduce_max3A_132 = vector.broadcast %reduce_max3A_131 : i32 to vector<16xi32>
          %reduce_max3A_133 = arith.xori %while3A_128#0, %reduce_max3A_132 : vector<16xi32>
          %reduce_max3A_134 = tpu.scan <max>, %reduce_max3A_133 masked %reduce_max3A_130 : vector<16xi32>, vector<16xi1> -> vector<16xi32>
          %reduce_max3A_135 = arith.xori %reduce_max3A_134, %reduce_max3A_132 : vector<16xi32>
          %reduce_max3A_136 = vector.extract %reduce_max3A_135[15] : i32 from vector<16xi32>
          %eq3A = vector.broadcast %reduce_max3A_136 : i32 to vector<16xi32>
          %eq3A_137 = arith.cmpi eq, %while3A_128#0, %eq3A : vector<16xi32>
          %jit3A = arith.constant 2147483647 : i32
          %broadcast_in_dim3A_138 = vector.broadcast %jit3A : i32 to vector<16xi32>
          %select_n3A = arith.select %eq3A_137, %while3A_128#1, %broadcast_in_dim3A_138 : vector<16xi1>, vector<16xi32>
          %reduce_min3A = arith.constant true
          %reduce_min3A_139 = vector.broadcast %reduce_min3A : i1 to vector<16xi1>
          %reduce_min3A_140 = arith.constant -2147483648 : i32
          %reduce_min3A_141 = vector.broadcast %reduce_min3A_140 : i32 to vector<16xi32>
          %reduce_min3A_142 = arith.xori %select_n3A, %reduce_min3A_141 : vector<16xi32>
          %reduce_min3A_143 = tpu.scan <min>, %reduce_min3A_142 masked %reduce_min3A_139 : vector<16xi32>, vector<16xi1> -> vector<16xi32>
          %reduce_min3A_144 = arith.xori %reduce_min3A_143, %reduce_min3A_141 : vector<16xi32>
          %reduce_min3A_145 = vector.extract %reduce_min3A_144[15] : i32 from vector<16xi32>
          %eq3A_146 = vector.broadcast %reduce_min3A_145 : i32 to vector<16xi32>
          %eq3A_147 = arith.cmpi eq, %while3A_128#1, %eq3A_146 : vector<16xi32>
          %and3A_148 = arith.andi %eq3A_137, %eq3A_147 : vector<16xi1>
          %jit3A_149 = arith.constant 2147483647 : i32
          %broadcast_in_dim3A_150 = vector.broadcast %jit3A_149 : i32 to vector<16xi32>
          %select_n3A_151 = arith.select %and3A_148, %while3A_128#2, %broadcast_in_dim3A_150 : vector<16xi1>, vector<16xi32>
          %reduce_min3A_152 = arith.constant true
          %reduce_min3A_153 = vector.broadcast %reduce_min3A_152 : i1 to vector<16xi1>
          %reduce_min3A_154 = arith.constant -2147483648 : i32
          %reduce_min3A_155 = vector.broadcast %reduce_min3A_154 : i32 to vector<16xi32>
          %reduce_min3A_156 = arith.xori %select_n3A_151, %reduce_min3A_155 : vector<16xi32>
          %reduce_min3A_157 = tpu.scan <min>, %reduce_min3A_156 masked %reduce_min3A_153 : vector<16xi32>, vector<16xi1> -> vector<16xi32>
          %reduce_min3A_158 = arith.xori %reduce_min3A_157, %reduce_min3A_155 : vector<16xi32>
          %reduce_min3A_159 = vector.extract %reduce_min3A_158[15] : i32 from vector<16xi32>
          %eq3A_160 = arith.constant 0 : i32
          %eq3A_161 = vector.broadcast %eq3A_160 : i32 to vector<16xi32>
          %eq3A_162 = arith.cmpi eq, %iota3A, %eq3A_161 : vector<16xi32>
          %broadcast_in_dim3A_163 = vector.broadcast %scan3A_113 : i32 to vector<16xi32>
          %broadcast_in_dim3A_164 = vector.broadcast %reduce_max3A_136 : i32 to vector<16xi32>
          tpu.vector_store_idx %arg10[%broadcast_in_dim3A_163], %broadcast_in_dim3A_164 masked %eq3A_162 : memref<64xi32, #tpu.memory_space<vmem>>[vector<16xi32>], vector<16xi32>, vector<16xi1>
          %broadcast_in_dim3A_165 = vector.broadcast %scan3A_113 : i32 to vector<16xi32>
          %broadcast_in_dim3A_166 = vector.broadcast %reduce_min3A_145 : i32 to vector<16xi32>
          tpu.vector_store_idx %arg11[%broadcast_in_dim3A_165], %broadcast_in_dim3A_166 masked %eq3A_162 : memref<64xi32, #tpu.memory_space<vmem>>[vector<16xi32>], vector<16xi32>, vector<16xi1>
          %broadcast_in_dim3A_167 = vector.broadcast %reduce_min3A_159 : i32 to vector<16xi32>
          %broadcast_in_dim3A_168 = arith.constant -2147483648 : i32
          %broadcast_in_dim3A_169 = vector.broadcast %broadcast_in_dim3A_168 : i32 to vector<16xi32>
          tpu.vector_store_idx %arg8[%broadcast_in_dim3A_167], %broadcast_in_dim3A_169 masked %eq3A_162 : memref<2064xi32, #tpu.memory_space<vmem>>[vector<16xi32>], vector<16xi32>, vector<16xi1>
          %scan3A_170 = arith.constant 0 : i32
          scf.yield %scan3A_170 : i32
        }
        %scan3A_73 = arith.constant 64 : i32
        %get3A = arith.constant 0 : index
        %get3A_74 = tpu.vector_load %arg10[%get3A] {strides = array<i32>} : memref<64xi32, #tpu.memory_space<vmem>>, vector<16xi32>,
        %shift_right_arithmetic3A = arith.constant 31 : i32
        %shift_right_arithmetic3A_75 = vector.broadcast %shift_right_arithmetic3A : i32 to vector<16xi32>
        %shift_right_arithmetic3A_76 = arith.shrsi %get3A_74, %shift_right_arithmetic3A_75 : vector<16xi32>
        %and3A = arith.constant 2147483647 : i32
        %and3A_77 = vector.broadcast %and3A : i32 to vector<16xi32>
        %and3A_78 = arith.andi %shift_right_arithmetic3A_76, %and3A_77 : vector<16xi32>
        %xor3A = arith.xori %get3A_74, %and3A_78 : vector<16xi32>
        %swap3A = arith.constant 0 : index
        %swap3A_79 = tpu.vector_load %arg10[%swap3A] {strides = array<i32>} : memref<64xi32, #tpu.memory_space<vmem>>, vector<16xi32>,
        tpu.vector_store %arg10[%swap3A], %xor3A {strides = array<i32>} : memref<64xi32, #tpu.memory_space<vmem>>, vector<16xi32>,
        %get3A_80 = arith.constant 16 : index
        %get3A_81 = tpu.vector_load %arg10[%get3A_80] {strides = array<i32>} : memref<64xi32, #tpu.memory_space<vmem>>, vector<16xi32>,
        %shift_right_arithmetic3A_82 = arith.constant 31 : i32
        %shift_right_arithmetic3A_83 = vector.broadcast %shift_right_arithmetic3A_82 : i32 to vector<16xi32>
        %shift_right_arithmetic3A_84 = arith.shrsi %get3A_81, %shift_right_arithmetic3A_83 : vector<16xi32>
        %and3A_85 = arith.constant 2147483647 : i32
        %and3A_86 = vector.broadcast %and3A_85 : i32 to vector<16xi32>
        %and3A_87 = arith.andi %shift_right_arithmetic3A_84, %and3A_86 : vector<16xi32>
        %xor3A_88 = arith.xori %get3A_81, %and3A_87 : vector<16xi32>
        %swap3A_89 = arith.constant 16 : index
        %swap3A_90 = tpu.vector_load %arg10[%swap3A_89] {strides = array<i32>} : memref<64xi32, #tpu.memory_space<vmem>>, vector<16xi32>,
        tpu.vector_store %arg10[%swap3A_89], %xor3A_88 {strides = array<i32>} : memref<64xi32, #tpu.memory_space<vmem>>, vector<16xi32>,
        %get3A_91 = arith.constant 32 : index
        %get3A_92 = tpu.vector_load %arg10[%get3A_91] {strides = array<i32>} : memref<64xi32, #tpu.memory_space<vmem>>, vector<16xi32>,
        %shift_right_arithmetic3A_93 = arith.constant 31 : i32
        %shift_right_arithmetic3A_94 = vector.broadcast %shift_right_arithmetic3A_93 : i32 to vector<16xi32>
        %shift_right_arithmetic3A_95 = arith.shrsi %get3A_92, %shift_right_arithmetic3A_94 : vector<16xi32>
        %and3A_96 = arith.constant 2147483647 : i32
        %and3A_97 = vector.broadcast %and3A_96 : i32 to vector<16xi32>
        %and3A_98 = arith.andi %shift_right_arithmetic3A_95, %and3A_97 : vector<16xi32>
        %xor3A_99 = arith.xori %get3A_92, %and3A_98 : vector<16xi32>
        %swap3A_100 = arith.constant 32 : index
        %swap3A_101 = tpu.vector_load %arg10[%swap3A_100] {strides = array<i32>} : memref<64xi32, #tpu.memory_space<vmem>>, vector<16xi32>,
        tpu.vector_store %arg10[%swap3A_100], %xor3A_99 {strides = array<i32>} : memref<64xi32, #tpu.memory_space<vmem>>, vector<16xi32>,
        %get3A_102 = arith.constant 48 : index
        %get3A_103 = tpu.vector_load %arg10[%get3A_102] {strides = array<i32>} : memref<64xi32, #tpu.memory_space<vmem>>, vector<16xi32>,
        %shift_right_arithmetic3A_104 = arith.constant 31 : i32
        %shift_right_arithmetic3A_105 = vector.broadcast %shift_right_arithmetic3A_104 : i32 to vector<16xi32>
        %shift_right_arithmetic3A_106 = arith.shrsi %get3A_103, %shift_right_arithmetic3A_105 : vector<16xi32>
        %and3A_107 = arith.constant 2147483647 : i32
        %and3A_108 = vector.broadcast %and3A_107 : i32 to vector<16xi32>
        %and3A_109 = arith.andi %shift_right_arithmetic3A_106, %and3A_108 : vector<16xi32>
        %xor3A_110 = arith.xori %get3A_103, %and3A_109 : vector<16xi32>
        %swap3A_111 = arith.constant 48 : index
        %swap3A_112 = tpu.vector_load %arg10[%swap3A_111] {strides = array<i32>} : memref<64xi32, #tpu.memory_space<vmem>>, vector<16xi32>,
        tpu.vector_store %arg10[%swap3A_111], %xor3A_110 {strides = array<i32>} : memref<64xi32, #tpu.memory_space<vmem>>, vector<16xi32>,
        "tpu.region"() ({
          %run_scoped3A = tpu.sem_alloc : memref<!tpu.dma_semaphore, #tpu.memory_space<semaphore_mem>>
          %dma_start3A = arith.constant 0 : i32
          %dma_start3A_113 = tpu.memref_slice %arg3[%add3A_12, %dma_start3A] : memref<196x64xi32, #tpu.memory_space<hbm>> -> memref<1x64xi32, #tpu.memory_space<hbm>>
          %dma_start3A_114 = tpu.memref_squeeze %dma_start3A_113 : memref<1x64xi32, #tpu.memory_space<hbm>> -> memref<64xi32, #tpu.memory_space<hbm>>
          %dma_start3A_115 = arith.constant 0 : i32
          %dma_start3A_116 = tpu.memref_slice %arg3[%add3A_12, %dma_start3A_115] : memref<196x64xi32, #tpu.memory_space<hbm>> -> memref<1x64xi32, #tpu.memory_space<hbm>>
          %dma_start3A_117 = tpu.memref_squeeze %dma_start3A_116 : memref<1x64xi32, #tpu.memory_space<hbm>> -> memref<64xi32, #tpu.memory_space<hbm>>
          tpu.enqueue_dma source(%arg10 : memref<64xi32, #tpu.memory_space<vmem>>) target(%dma_start3A_117 : memref<64xi32, #tpu.memory_space<hbm>>) target_semaphore(%run_scoped3A : memref<!tpu.dma_semaphore, #tpu.memory_space<semaphore_mem>>)
          %dma_wait3A = arith.constant 0 : i32
          %dma_wait3A_118 = tpu.memref_slice %arg3[%add3A_12, %dma_wait3A] : memref<196x64xi32, #tpu.memory_space<hbm>> -> memref<1x64xi32, #tpu.memory_space<hbm>>
          %dma_wait3A_119 = tpu.memref_squeeze %dma_wait3A_118 : memref<1x64xi32, #tpu.memory_space<hbm>> -> memref<64xi32, #tpu.memory_space<hbm>>
          %dma_wait3A_120 = arith.constant 0 : i32
          %dma_wait3A_121 = tpu.memref_slice %arg3[%add3A_12, %dma_wait3A_120] : memref<196x64xi32, #tpu.memory_space<hbm>> -> memref<1x64xi32, #tpu.memory_space<hbm>>
          %dma_wait3A_122 = tpu.memref_squeeze %dma_wait3A_121 : memref<1x64xi32, #tpu.memory_space<hbm>> -> memref<64xi32, #tpu.memory_space<hbm>>
          tpu.wait_dma2 semaphore(%run_scoped3A : memref<!tpu.dma_semaphore, #tpu.memory_space<semaphore_mem>>) src(%arg10 : memref<64xi32, #tpu.memory_space<vmem>>) dst(%dma_wait3A_122 : memref<64xi32, #tpu.memory_space<hbm>>)
          tpu.yield
        }) : () -> ()
        "tpu.region"() ({
          %run_scoped3A = tpu.sem_alloc : memref<!tpu.dma_semaphore, #tpu.memory_space<semaphore_mem>>
          %dma_start3A = arith.constant 0 : i32
          %dma_start3A_113 = tpu.memref_slice %arg4[%add3A_12, %dma_start3A] : memref<196x64xi32, #tpu.memory_space<hbm>> -> memref<1x64xi32, #tpu.memory_space<hbm>>
          %dma_start3A_114 = tpu.memref_squeeze %dma_start3A_113 : memref<1x64xi32, #tpu.memory_space<hbm>> -> memref<64xi32, #tpu.memory_space<hbm>>
          %dma_start3A_115 = arith.constant 0 : i32
          %dma_start3A_116 = tpu.memref_slice %arg4[%add3A_12, %dma_start3A_115] : memref<196x64xi32, #tpu.memory_space<hbm>> -> memref<1x64xi32, #tpu.memory_space<hbm>>
          %dma_start3A_117 = tpu.memref_squeeze %dma_start3A_116 : memref<1x64xi32, #tpu.memory_space<hbm>> -> memref<64xi32, #tpu.memory_space<hbm>>
          tpu.enqueue_dma source(%arg11 : memref<64xi32, #tpu.memory_space<vmem>>) target(%dma_start3A_117 : memref<64xi32, #tpu.memory_space<hbm>>) target_semaphore(%run_scoped3A : memref<!tpu.dma_semaphore, #tpu.memory_space<semaphore_mem>>)
          %dma_wait3A = arith.constant 0 : i32
          %dma_wait3A_118 = tpu.memref_slice %arg4[%add3A_12, %dma_wait3A] : memref<196x64xi32, #tpu.memory_space<hbm>> -> memref<1x64xi32, #tpu.memory_space<hbm>>
          %dma_wait3A_119 = tpu.memref_squeeze %dma_wait3A_118 : memref<1x64xi32, #tpu.memory_space<hbm>> -> memref<64xi32, #tpu.memory_space<hbm>>
          %dma_wait3A_120 = arith.constant 0 : i32
          %dma_wait3A_121 = tpu.memref_slice %arg4[%add3A_12, %dma_wait3A_120] : memref<196x64xi32, #tpu.memory_space<hbm>> -> memref<1x64xi32, #tpu.memory_space<hbm>>
          %dma_wait3A_122 = tpu.memref_squeeze %dma_wait3A_121 : memref<1x64xi32, #tpu.memory_space<hbm>> -> memref<64xi32, #tpu.memory_space<hbm>>
          tpu.wait_dma2 semaphore(%run_scoped3A : memref<!tpu.dma_semaphore, #tpu.memory_space<semaphore_mem>>) src(%arg11 : memref<64xi32, #tpu.memory_space<vmem>>) dst(%dma_wait3A_122 : memref<64xi32, #tpu.memory_space<hbm>>)
          tpu.yield
        }) : () -> ()
      } else {
      }
      %scan3A_15 = arith.constant 0 : i32
      scf.yield %scan3A_15 : i32
    }
    %scan3A_7 = arith.constant 7 : i32
    return
  }
}

module attributes {stable_mosaic.version = 14 : i64} {
  func.func @_ln_v_body(%arg0: i32, %arg1: memref<512x384xf32, #tpu.memory_space<vmem>>, %arg2: memref<384x384xf32, #tpu.memory_space<vmem>>, %arg3: memref<1x384xf32, #tpu.memory_space<vmem>>, %arg4: memref<1x384xf32, #tpu.memory_space<vmem>>, %arg5: memref<512x384xf32, #tpu.memory_space<vmem>>, %arg6: memref<512x384xf32, #tpu.memory_space<vmem>>) attributes {dimension_semantics = [#tpu.dimension_semantics<arbitrary>], iteration_bounds = array<i64: 98>, scalar_prefetch = 0 : i64, scratch_operands = 0 : i64, tpu.core_type = #tpu.core_type<tc>, window_params = [{transform_indices = @transform_0, window_bounds = array<i64: 512, 384>}, {pipeline_mode = #tpu.pipeline_mode<synchronous>, transform_indices = @transform_1, window_bounds = array<i64: 384, 384>}, {pipeline_mode = #tpu.pipeline_mode<synchronous>, transform_indices = @transform_2, window_bounds = array<i64: 1, 384>}, {pipeline_mode = #tpu.pipeline_mode<synchronous>, transform_indices = @transform_3, window_bounds = array<i64: 1, 384>}, {transform_indices = @transform_4, window_bounds = array<i64: 512, 384>}, {transform_indices = @transform_5, window_bounds = array<i64: 512, 384>}]} {
    %get3A = arith.constant 0 : index
    %get3A_0 = arith.constant 0 : index
    %get3A_1 = vector.load %arg1[%get3A, %get3A_0] : memref<512x384xf32, #tpu.memory_space<vmem>>, vector<512x384xf32>
    %reduce_sum3A = arith.constant dense<0.000000e+00> : vector<512xf32>
    %reduce_sum3A_2 = vector.multi_reduction <add>, %get3A_1, %reduce_sum3A [1] : vector<512x384xf32> to vector<512xf32>
    %broadcast_in_dim3A = vector.shape_cast %reduce_sum3A_2 : vector<512xf32> to vector<512x1xf32>
    %div3A = arith.constant 3.840000e+02 : f32
    %div3A_3 = vector.broadcast %div3A : f32 to vector<512x1xf32>
    %div3A_4 = arith.divf %broadcast_in_dim3A, %div3A_3 : vector<512x1xf32>
    %sub3A = vector.broadcast %div3A_4 : vector<512x1xf32> to vector<512x384xf32>
    %sub3A_5 = arith.subf %get3A_1, %sub3A : vector<512x384xf32>
    %integer_pow3A = arith.mulf %sub3A_5, %sub3A_5 : vector<512x384xf32>
    %reduce_sum3A_6 = arith.constant dense<0.000000e+00> : vector<512xf32>
    %reduce_sum3A_7 = vector.multi_reduction <add>, %integer_pow3A, %reduce_sum3A_6 [1] : vector<512x384xf32> to vector<512xf32>
    %broadcast_in_dim3A_8 = vector.shape_cast %reduce_sum3A_7 : vector<512xf32> to vector<512x1xf32>
    %div3A_9 = arith.constant 3.840000e+02 : f32
    %div3A_10 = vector.broadcast %div3A_9 : f32 to vector<512x1xf32>
    %div3A_11 = arith.divf %broadcast_in_dim3A_8, %div3A_10 : vector<512x1xf32>
    %sub3A_12 = vector.broadcast %div3A_4 : vector<512x1xf32> to vector<512x384xf32>
    %sub3A_13 = arith.subf %get3A_1, %sub3A_12 : vector<512x384xf32>
    %add3A = arith.constant 9.99999997E-7 : f32
    %add3A_14 = vector.broadcast %add3A : f32 to vector<512x1xf32>
    %add3A_15 = arith.addf %div3A_11, %add3A_14 : vector<512x1xf32>
    %rsqrt3A = math.rsqrt %add3A_15 : vector<512x1xf32>
    %mul3A = vector.broadcast %rsqrt3A : vector<512x1xf32> to vector<512x384xf32>
    %mul3A_16 = arith.mulf %sub3A_13, %mul3A : vector<512x384xf32>
    %get3A_17 = arith.constant 0 : index
    %get3A_18 = arith.constant 0 : index
    %get3A_19 = vector.load %arg3[%get3A_17, %get3A_18] : memref<1x384xf32, #tpu.memory_space<vmem>>, vector<1x384xf32>
    %mul3A_20 = vector.broadcast %get3A_19 : vector<1x384xf32> to vector<512x384xf32>
    %mul3A_21 = arith.mulf %mul3A_16, %mul3A_20 : vector<512x384xf32>
    %get3A_22 = arith.constant 0 : index
    %get3A_23 = arith.constant 0 : index
    %get3A_24 = vector.load %arg4[%get3A_22, %get3A_23] : memref<1x384xf32, #tpu.memory_space<vmem>>, vector<1x384xf32>
    %add3A_25 = vector.broadcast %get3A_24 : vector<1x384xf32> to vector<512x384xf32>
    %add3A_26 = arith.addf %mul3A_21, %add3A_25 : vector<512x384xf32>
    %swap3A = arith.constant 0 : index
    %swap3A_27 = arith.constant 0 : index
    %swap3A_28 = vector.load %arg6[%swap3A, %swap3A_27] : memref<512x384xf32, #tpu.memory_space<vmem>>, vector<512x384xf32>
    tpu.vector_store %arg6[%swap3A, %swap3A_27], %add3A_26 {strides = array<i32>} : memref<512x384xf32, #tpu.memory_space<vmem>>, vector<512x384xf32>,
    %get3A_29 = arith.constant 0 : index
    %get3A_30 = arith.constant 0 : index
    %get3A_31 = vector.load %arg2[%get3A_29, %get3A_30] : memref<384x384xf32, #tpu.memory_space<vmem>>, vector<384x384xf32>
    %dot_general3A = arith.constant dense<0.000000e+00> : vector<512x384xf32>
    %dot_general3A_32 = tpu.matmul %add3A_26, %get3A_31, %dot_general3A {dimension_numbers = #tpu.dot_dimension_numbers<[1], [0], [0], [1], [0, 0, 1, 1], [], []>, transpose_lhs_hint = false} : vector<512x384xf32>, vector<384x384xf32>, vector<512x384xf32> -> vector<512x384xf32>
    %swap3A_33 = arith.constant 0 : index
    %swap3A_34 = arith.constant 0 : index
    %swap3A_35 = vector.load %arg5[%swap3A_33, %swap3A_34] : memref<512x384xf32, #tpu.memory_space<vmem>>, vector<512x384xf32>
    tpu.vector_store %arg5[%swap3A_33, %swap3A_34], %dot_general3A_32 {strides = array<i32>} : memref<512x384xf32, #tpu.memory_space<vmem>>, vector<512x384xf32>,
    return
  }
  func.func @transform_0(%arg0: i32) -> (i32, i32) {
    %c0_i32 = arith.constant 0 : i32
    %c0_i32_0 = arith.constant 0 : i32
    return %arg0, %c0_i32 : i32, i32
  }
  func.func @transform_1(%arg0: i32) -> (i32, i32) {
    %c0_i32 = arith.constant 0 : i32
    %c0_i32_0 = arith.constant 0 : i32
    %c0_i32_1 = arith.constant 0 : i32
    return %c0_i32, %c0_i32_0 : i32, i32
  }
  func.func @transform_2(%arg0: i32) -> (i32, i32) {
    %c0_i32 = arith.constant 0 : i32
    %c0_i32_0 = arith.constant 0 : i32
    %c0_i32_1 = arith.constant 0 : i32
    return %c0_i32, %c0_i32_0 : i32, i32
  }
  func.func @transform_3(%arg0: i32) -> (i32, i32) {
    %c0_i32 = arith.constant 0 : i32
    %c0_i32_0 = arith.constant 0 : i32
    %c0_i32_1 = arith.constant 0 : i32
    return %c0_i32, %c0_i32_0 : i32, i32
  }
  func.func @transform_4(%arg0: i32) -> (i32, i32) {
    %c0_i32 = arith.constant 0 : i32
    %c0_i32_0 = arith.constant 0 : i32
    return %arg0, %c0_i32 : i32, i32
  }
  func.func @transform_5(%arg0: i32) -> (i32, i32) {
    %c0_i32 = arith.constant 0 : i32
    %c0_i32_0 = arith.constant 0 : i32
    return %arg0, %c0_i32 : i32, i32
  }
}

module attributes {stable_mosaic.version = 14 : i64} {
  func.func @_attn_body(%arg0: i32, %arg1: memref<256x384xf32, #tpu.memory_space<vmem>>, %arg2: memref<1x1x256xf32, #tpu.memory_space<vmem>>, %arg3: memref<384x1152xf32, #tpu.memory_space<vmem>>, %arg4: memref<256x384xf32, #tpu.memory_space<vmem>>) attributes {dimension_semantics = [#tpu.dimension_semantics<arbitrary>], iteration_bounds = array<i64: 49>, scalar_prefetch = 0 : i64, scratch_operands = 0 : i64, tpu.core_type = #tpu.core_type<tc>, window_params = [{transform_indices = @transform_0, window_bounds = array<i64: 256, 384>}, {transform_indices = @transform_1, window_bounds = array<i64: 1, 1, 256>}, {pipeline_mode = #tpu.pipeline_mode<synchronous>, transform_indices = @transform_2, window_bounds = array<i64: 384, 1152>}, {transform_indices = @transform_3, window_bounds = array<i64: 256, 384>}]} {
    %get3A = arith.constant 0 : index
    %get3A_0 = arith.constant 0 : index
    %get3A_1 = vector.load %arg1[%get3A, %get3A_0] : memref<256x384xf32, #tpu.memory_space<vmem>>, vector<256x384xf32>
    %get3A_2 = arith.constant 0 : index
    %get3A_3 = arith.constant 0 : index
    %get3A_4 = arith.constant 0 : index
    %get3A_5 = vector.load %arg2[%get3A_2, %get3A_3, %get3A_4] : memref<1x1x256xf32, #tpu.memory_space<vmem>>, vector<1x1x256xf32>
    %get3A_6 = vector.shape_cast %get3A_5 : vector<1x1x256xf32> to vector<1x256xf32>
    %reshape3A = vector.shape_cast %get3A_6 : vector<1x256xf32> to vector<256x1xf32>
    %get3A_7 = arith.constant 0 : index
    %get3A_8 = arith.constant 0 : index
    %get3A_9 = vector.load %arg3[%get3A_7, %get3A_8] : memref<384x1152xf32, #tpu.memory_space<vmem>>, vector<384x1152xf32>
    %dot_general3A = arith.constant dense<0.000000e+00> : vector<256x1152xf32>
    %dot_general3A_10 = tpu.matmul %get3A_1, %get3A_9, %dot_general3A {dimension_numbers = #tpu.dot_dimension_numbers<[1], [0], [0], [1], [0, 0, 1, 1], [], []>, transpose_lhs_hint = false} : vector<256x384xf32>, vector<384x1152xf32>, vector<256x1152xf32> -> vector<256x1152xf32>
    %slice3A = vector.extract_strided_slice %dot_general3A_10 {offsets = [0, 0], sizes = [256, 384], strides = [1, 1]} : vector<256x1152xf32> to vector<256x384xf32>
    %slice3A_11 = vector.extract_strided_slice %dot_general3A_10 {offsets = [0, 384], sizes = [256, 384], strides = [1, 1]} : vector<256x1152xf32> to vector<256x384xf32>
    %slice3A_12 = vector.extract_strided_slice %dot_general3A_10 {offsets = [0, 768], sizes = [256, 384], strides = [1, 1]} : vector<256x1152xf32> to vector<256x384xf32>
    %mul3A = vector.broadcast %reshape3A : vector<256x1xf32> to vector<256x384xf32>
    %mul3A_13 = arith.mulf %slice3A_12, %mul3A : vector<256x384xf32>
    %iota3A = tpu.iota {dimensions = array<i32: 0>} : vector<256x256xi32>
    %jit3A = arith.constant 64 : i32
    %div3A = vector.broadcast %jit3A : i32 to vector<256x256xi32>
    %div3A_14 = arith.divsi %iota3A, %div3A : vector<256x256xi32>
    %sign3A = arith.constant 0 : i32
    %sign3A_15 = vector.broadcast %sign3A : i32 to vector<256x256xi32>
    %sign3A_16 = arith.cmpi sgt, %iota3A, %sign3A_15 : vector<256x256xi32>
    %sign3A_17 = arith.extui %sign3A_16 : vector<256x256xi1> to vector<256x256xi32>
    %sign3A_18 = arith.constant 0 : i32
    %sign3A_19 = vector.broadcast %sign3A_18 : i32 to vector<256x256xi32>
    %sign3A_20 = arith.cmpi slt, %iota3A, %sign3A_19 : vector<256x256xi32>
    %sign3A_21 = arith.extui %sign3A_20 : vector<256x256xi1> to vector<256x256xi32>
    %sign3A_22 = arith.subi %sign3A_17, %sign3A_21 : vector<256x256xi32>
    %sign3A_23 = arith.constant 0 : i32
    %sign3A_24 = arith.cmpi sgt, %jit3A, %sign3A_23 : i32
    %sign3A_25 = arith.extui %sign3A_24 : i1 to i32
    %sign3A_26 = arith.constant 0 : i32
    %sign3A_27 = arith.cmpi slt, %jit3A, %sign3A_26 : i32
    %sign3A_28 = arith.extui %sign3A_27 : i1 to i32
    %sign3A_29 = arith.subi %sign3A_25, %sign3A_28 : i32
    %ne3A = vector.broadcast %sign3A_29 : i32 to vector<256x256xi32>
    %ne3A_30 = arith.cmpi ne, %sign3A_22, %ne3A : vector<256x256xi32>
    %rem3A = vector.broadcast %jit3A : i32 to vector<256x256xi32>
    %rem3A_31 = arith.remsi %iota3A, %rem3A : vector<256x256xi32>
    %ne3A_32 = arith.constant 0 : i32
    %ne3A_33 = vector.broadcast %ne3A_32 : i32 to vector<256x256xi32>
    %ne3A_34 = arith.cmpi ne, %rem3A_31, %ne3A_33 : vector<256x256xi32>
    %and3A = arith.andi %ne3A_30, %ne3A_34 : vector<256x256xi1>
    %sub3A = arith.constant 1 : i32
    %sub3A_35 = vector.broadcast %sub3A : i32 to vector<256x256xi32>
    %sub3A_36 = arith.subi %div3A_14, %sub3A_35 : vector<256x256xi32>
    %select_n3A = arith.select %and3A, %sub3A_36, %div3A_14 : vector<256x256xi1>, vector<256x256xi32>
    %iota3A_37 = tpu.iota {dimensions = array<i32: 1>} : vector<256x256xi32>
    %jit3A_38 = arith.constant 64 : i32
    %div3A_39 = vector.broadcast %jit3A_38 : i32 to vector<256x256xi32>
    %div3A_40 = arith.divsi %iota3A_37, %div3A_39 : vector<256x256xi32>
    %sign3A_41 = arith.constant 0 : i32
    %sign3A_42 = vector.broadcast %sign3A_41 : i32 to vector<256x256xi32>
    %sign3A_43 = arith.cmpi sgt, %iota3A_37, %sign3A_42 : vector<256x256xi32>
    %sign3A_44 = arith.extui %sign3A_43 : vector<256x256xi1> to vector<256x256xi32>
    %sign3A_45 = arith.constant 0 : i32
    %sign3A_46 = vector.broadcast %sign3A_45 : i32 to vector<256x256xi32>
    %sign3A_47 = arith.cmpi slt, %iota3A_37, %sign3A_46 : vector<256x256xi32>
    %sign3A_48 = arith.extui %sign3A_47 : vector<256x256xi1> to vector<256x256xi32>
    %sign3A_49 = arith.subi %sign3A_44, %sign3A_48 : vector<256x256xi32>
    %sign3A_50 = arith.constant 0 : i32
    %sign3A_51 = arith.cmpi sgt, %jit3A_38, %sign3A_50 : i32
    %sign3A_52 = arith.extui %sign3A_51 : i1 to i32
    %sign3A_53 = arith.constant 0 : i32
    %sign3A_54 = arith.cmpi slt, %jit3A_38, %sign3A_53 : i32
    %sign3A_55 = arith.extui %sign3A_54 : i1 to i32
    %sign3A_56 = arith.subi %sign3A_52, %sign3A_55 : i32
    %ne3A_57 = vector.broadcast %sign3A_56 : i32 to vector<256x256xi32>
    %ne3A_58 = arith.cmpi ne, %sign3A_49, %ne3A_57 : vector<256x256xi32>
    %rem3A_59 = vector.broadcast %jit3A_38 : i32 to vector<256x256xi32>
    %rem3A_60 = arith.remsi %iota3A_37, %rem3A_59 : vector<256x256xi32>
    %ne3A_61 = arith.constant 0 : i32
    %ne3A_62 = vector.broadcast %ne3A_61 : i32 to vector<256x256xi32>
    %ne3A_63 = arith.cmpi ne, %rem3A_60, %ne3A_62 : vector<256x256xi32>
    %and3A_64 = arith.andi %ne3A_58, %ne3A_63 : vector<256x256xi1>
    %sub3A_65 = arith.constant 1 : i32
    %sub3A_66 = vector.broadcast %sub3A_65 : i32 to vector<256x256xi32>
    %sub3A_67 = arith.subi %div3A_40, %sub3A_66 : vector<256x256xi32>
    %select_n3A_68 = arith.select %and3A_64, %sub3A_67, %div3A_40 : vector<256x256xi1>, vector<256x256xi32>
    %eq3A = arith.cmpi eq, %select_n3A, %select_n3A_68 : vector<256x256xi32>
    %jit3A_69 = arith.constant 0.000000e+00 : f32
    %jit3A_70 = arith.constant -1.000000e+30 : f32
    %broadcast_in_dim3A = vector.broadcast %jit3A_69 : f32 to vector<256x256xf32>
    %broadcast_in_dim3A_71 = vector.broadcast %jit3A_70 : f32 to vector<256x256xf32>
    %select_n3A_72 = arith.select %eq3A, %broadcast_in_dim3A, %broadcast_in_dim3A_71 : vector<256x256xi1>, vector<256x256xf32>
    %slice3A_73 = vector.extract_strided_slice %slice3A {offsets = [0, 0], sizes = [256, 48], strides = [1, 1]} : vector<256x384xf32> to vector<256x48xf32>
    %slice3A_74 = vector.extract_strided_slice %slice3A_11 {offsets = [0, 0], sizes = [256, 48], strides = [1, 1]} : vector<256x384xf32> to vector<256x48xf32>
    %dot_general3A_75 = arith.constant dense<0.000000e+00> : vector<256x256xf32>
    %dot_general3A_76 = tpu.matmul %slice3A_73, %slice3A_74, %dot_general3A_75 {dimension_numbers = #tpu.dot_dimension_numbers<[1], [1], [0], [0], [0, 0, 1, 0], [], []>, transpose_lhs_hint = false} : vector<256x48xf32>, vector<256x48xf32>, vector<256x256xf32> -> vector<256x256xf32>
    %mul3A_77 = arith.constant 0.144337565 : f32
    %mul3A_78 = vector.broadcast %mul3A_77 : f32 to vector<256x256xf32>
    %mul3A_79 = arith.mulf %dot_general3A_76, %mul3A_78 : vector<256x256xf32>
    %jit3A_80 = arith.constant -8.000000e+01 : f32
    %jit3A_81 = arith.constant 8.000000e+01 : f32
    %max3A = vector.broadcast %jit3A_80 : f32 to vector<256x256xf32>
    %max3A_82 = arith.maximumf %max3A, %mul3A_79 : vector<256x256xf32>
    %min3A = vector.broadcast %jit3A_81 : f32 to vector<256x256xf32>
    %min3A_83 = arith.minimumf %min3A, %max3A_82 : vector<256x256xf32>
    %add3A = arith.addf %min3A_83, %select_n3A_72 : vector<256x256xf32>
    %exp3A = math.exp %add3A : vector<256x256xf32>
    %reduce_sum3A = arith.constant dense<0.000000e+00> : vector<256xf32>
    %reduce_sum3A_84 = vector.multi_reduction <add>, %exp3A, %reduce_sum3A [1] : vector<256x256xf32> to vector<256xf32>
    %broadcast_in_dim3A_85 = vector.shape_cast %reduce_sum3A_84 : vector<256xf32> to vector<256x1xf32>
    %div3A_86 = arith.constant 1.000000e+00 : f32
    %div3A_87 = vector.broadcast %div3A_86 : f32 to vector<256x1xf32>
    %div3A_88 = arith.divf %div3A_87, %broadcast_in_dim3A_85 : vector<256x1xf32>
    %mul3A_89 = vector.broadcast %div3A_88 : vector<256x1xf32> to vector<256x256xf32>
    %mul3A_90 = arith.mulf %exp3A, %mul3A_89 : vector<256x256xf32>
    %slice3A_91 = vector.extract_strided_slice %mul3A_13 {offsets = [0, 0], sizes = [256, 48], strides = [1, 1]} : vector<256x384xf32> to vector<256x48xf32>
    %dot_general3A_92 = arith.constant dense<0.000000e+00> : vector<256x48xf32>
    %dot_general3A_93 = tpu.matmul %mul3A_90, %slice3A_91, %dot_general3A_92 {dimension_numbers = #tpu.dot_dimension_numbers<[1], [0], [0], [1], [0, 0, 1, 1], [], []>, transpose_lhs_hint = false} : vector<256x256xf32>, vector<256x48xf32>, vector<256x48xf32> -> vector<256x48xf32>
    %slice3A_94 = vector.extract_strided_slice %slice3A {offsets = [0, 48], sizes = [256, 48], strides = [1, 1]} : vector<256x384xf32> to vector<256x48xf32>
    %slice3A_95 = vector.extract_strided_slice %slice3A_11 {offsets = [0, 48], sizes = [256, 48], strides = [1, 1]} : vector<256x384xf32> to vector<256x48xf32>
    %dot_general3A_96 = arith.constant dense<0.000000e+00> : vector<256x256xf32>
    %dot_general3A_97 = tpu.matmul %slice3A_94, %slice3A_95, %dot_general3A_96 {dimension_numbers = #tpu.dot_dimension_numbers<[1], [1], [0], [0], [0, 0, 1, 0], [], []>, transpose_lhs_hint = false} : vector<256x48xf32>, vector<256x48xf32>, vector<256x256xf32> -> vector<256x256xf32>
    %mul3A_98 = arith.constant 0.144337565 : f32
    %mul3A_99 = vector.broadcast %mul3A_98 : f32 to vector<256x256xf32>
    %mul3A_100 = arith.mulf %dot_general3A_97, %mul3A_99 : vector<256x256xf32>
    %jit3A_101 = arith.constant -8.000000e+01 : f32
    %jit3A_102 = arith.constant 8.000000e+01 : f32
    %max3A_103 = vector.broadcast %jit3A_101 : f32 to vector<256x256xf32>
    %max3A_104 = arith.maximumf %max3A_103, %mul3A_100 : vector<256x256xf32>
    %min3A_105 = vector.broadcast %jit3A_102 : f32 to vector<256x256xf32>
    %min3A_106 = arith.minimumf %min3A_105, %max3A_104 : vector<256x256xf32>
    %add3A_107 = arith.addf %min3A_106, %select_n3A_72 : vector<256x256xf32>
    %exp3A_108 = math.exp %add3A_107 : vector<256x256xf32>
    %reduce_sum3A_109 = arith.constant dense<0.000000e+00> : vector<256xf32>
    %reduce_sum3A_110 = vector.multi_reduction <add>, %exp3A_108, %reduce_sum3A_109 [1] : vector<256x256xf32> to vector<256xf32>
    %broadcast_in_dim3A_111 = vector.shape_cast %reduce_sum3A_110 : vector<256xf32> to vector<256x1xf32>
    %div3A_112 = arith.constant 1.000000e+00 : f32
    %div3A_113 = vector.broadcast %div3A_112 : f32 to vector<256x1xf32>
    %div3A_114 = arith.divf %div3A_113, %broadcast_in_dim3A_111 : vector<256x1xf32>
    %mul3A_115 = vector.broadcast %div3A_114 : vector<256x1xf32> to vector<256x256xf32>
    %mul3A_116 = arith.mulf %exp3A_108, %mul3A_115 : vector<256x256xf32>
    %slice3A_117 = vector.extract_strided_slice %mul3A_13 {offsets = [0, 48], sizes = [256, 48], strides = [1, 1]} : vector<256x384xf32> to vector<256x48xf32>
    %dot_general3A_118 = arith.constant dense<0.000000e+00> : vector<256x48xf32>
    %dot_general3A_119 = tpu.matmul %mul3A_116, %slice3A_117, %dot_general3A_118 {dimension_numbers = #tpu.dot_dimension_numbers<[1], [0], [0], [1], [0, 0, 1, 1], [], []>, transpose_lhs_hint = false} : vector<256x256xf32>, vector<256x48xf32>, vector<256x48xf32> -> vector<256x48xf32>
    %slice3A_120 = vector.extract_strided_slice %slice3A {offsets = [0, 96], sizes = [256, 48], strides = [1, 1]} : vector<256x384xf32> to vector<256x48xf32>
    %slice3A_121 = vector.extract_strided_slice %slice3A_11 {offsets = [0, 96], sizes = [256, 48], strides = [1, 1]} : vector<256x384xf32> to vector<256x48xf32>
    %dot_general3A_122 = arith.constant dense<0.000000e+00> : vector<256x256xf32>
    %dot_general3A_123 = tpu.matmul %slice3A_120, %slice3A_121, %dot_general3A_122 {dimension_numbers = #tpu.dot_dimension_numbers<[1], [1], [0], [0], [0, 0, 1, 0], [], []>, transpose_lhs_hint = false} : vector<256x48xf32>, vector<256x48xf32>, vector<256x256xf32> -> vector<256x256xf32>
    %mul3A_124 = arith.constant 0.144337565 : f32
    %mul3A_125 = vector.broadcast %mul3A_124 : f32 to vector<256x256xf32>
    %mul3A_126 = arith.mulf %dot_general3A_123, %mul3A_125 : vector<256x256xf32>
    %jit3A_127 = arith.constant -8.000000e+01 : f32
    %jit3A_128 = arith.constant 8.000000e+01 : f32
    %max3A_129 = vector.broadcast %jit3A_127 : f32 to vector<256x256xf32>
    %max3A_130 = arith.maximumf %max3A_129, %mul3A_126 : vector<256x256xf32>
    %min3A_131 = vector.broadcast %jit3A_128 : f32 to vector<256x256xf32>
    %min3A_132 = arith.minimumf %min3A_131, %max3A_130 : vector<256x256xf32>
    %add3A_133 = arith.addf %min3A_132, %select_n3A_72 : vector<256x256xf32>
    %exp3A_134 = math.exp %add3A_133 : vector<256x256xf32>
    %reduce_sum3A_135 = arith.constant dense<0.000000e+00> : vector<256xf32>
    %reduce_sum3A_136 = vector.multi_reduction <add>, %exp3A_134, %reduce_sum3A_135 [1] : vector<256x256xf32> to vector<256xf32>
    %broadcast_in_dim3A_137 = vector.shape_cast %reduce_sum3A_136 : vector<256xf32> to vector<256x1xf32>
    %div3A_138 = arith.constant 1.000000e+00 : f32
    %div3A_139 = vector.broadcast %div3A_138 : f32 to vector<256x1xf32>
    %div3A_140 = arith.divf %div3A_139, %broadcast_in_dim3A_137 : vector<256x1xf32>
    %mul3A_141 = vector.broadcast %div3A_140 : vector<256x1xf32> to vector<256x256xf32>
    %mul3A_142 = arith.mulf %exp3A_134, %mul3A_141 : vector<256x256xf32>
    %slice3A_143 = vector.extract_strided_slice %mul3A_13 {offsets = [0, 96], sizes = [256, 48], strides = [1, 1]} : vector<256x384xf32> to vector<256x48xf32>
    %dot_general3A_144 = arith.constant dense<0.000000e+00> : vector<256x48xf32>
    %dot_general3A_145 = tpu.matmul %mul3A_142, %slice3A_143, %dot_general3A_144 {dimension_numbers = #tpu.dot_dimension_numbers<[1], [0], [0], [1], [0, 0, 1, 1], [], []>, transpose_lhs_hint = false} : vector<256x256xf32>, vector<256x48xf32>, vector<256x48xf32> -> vector<256x48xf32>
    %slice3A_146 = vector.extract_strided_slice %slice3A {offsets = [0, 144], sizes = [256, 48], strides = [1, 1]} : vector<256x384xf32> to vector<256x48xf32>
    %slice3A_147 = vector.extract_strided_slice %slice3A_11 {offsets = [0, 144], sizes = [256, 48], strides = [1, 1]} : vector<256x384xf32> to vector<256x48xf32>
    %dot_general3A_148 = arith.constant dense<0.000000e+00> : vector<256x256xf32>
    %dot_general3A_149 = tpu.matmul %slice3A_146, %slice3A_147, %dot_general3A_148 {dimension_numbers = #tpu.dot_dimension_numbers<[1], [1], [0], [0], [0, 0, 1, 0], [], []>, transpose_lhs_hint = false} : vector<256x48xf32>, vector<256x48xf32>, vector<256x256xf32> -> vector<256x256xf32>
    %mul3A_150 = arith.constant 0.144337565 : f32
    %mul3A_151 = vector.broadcast %mul3A_150 : f32 to vector<256x256xf32>
    %mul3A_152 = arith.mulf %dot_general3A_149, %mul3A_151 : vector<256x256xf32>
    %jit3A_153 = arith.constant -8.000000e+01 : f32
    %jit3A_154 = arith.constant 8.000000e+01 : f32
    %max3A_155 = vector.broadcast %jit3A_153 : f32 to vector<256x256xf32>
    %max3A_156 = arith.maximumf %max3A_155, %mul3A_152 : vector<256x256xf32>
    %min3A_157 = vector.broadcast %jit3A_154 : f32 to vector<256x256xf32>
    %min3A_158 = arith.minimumf %min3A_157, %max3A_156 : vector<256x256xf32>
    %add3A_159 = arith.addf %min3A_158, %select_n3A_72 : vector<256x256xf32>
    %exp3A_160 = math.exp %add3A_159 : vector<256x256xf32>
    %reduce_sum3A_161 = arith.constant dense<0.000000e+00> : vector<256xf32>
    %reduce_sum3A_162 = vector.multi_reduction <add>, %exp3A_160, %reduce_sum3A_161 [1] : vector<256x256xf32> to vector<256xf32>
    %broadcast_in_dim3A_163 = vector.shape_cast %reduce_sum3A_162 : vector<256xf32> to vector<256x1xf32>
    %div3A_164 = arith.constant 1.000000e+00 : f32
    %div3A_165 = vector.broadcast %div3A_164 : f32 to vector<256x1xf32>
    %div3A_166 = arith.divf %div3A_165, %broadcast_in_dim3A_163 : vector<256x1xf32>
    %mul3A_167 = vector.broadcast %div3A_166 : vector<256x1xf32> to vector<256x256xf32>
    %mul3A_168 = arith.mulf %exp3A_160, %mul3A_167 : vector<256x256xf32>
    %slice3A_169 = vector.extract_strided_slice %mul3A_13 {offsets = [0, 144], sizes = [256, 48], strides = [1, 1]} : vector<256x384xf32> to vector<256x48xf32>
    %dot_general3A_170 = arith.constant dense<0.000000e+00> : vector<256x48xf32>
    %dot_general3A_171 = tpu.matmul %mul3A_168, %slice3A_169, %dot_general3A_170 {dimension_numbers = #tpu.dot_dimension_numbers<[1], [0], [0], [1], [0, 0, 1, 1], [], []>, transpose_lhs_hint = false} : vector<256x256xf32>, vector<256x48xf32>, vector<256x48xf32> -> vector<256x48xf32>
    %slice3A_172 = vector.extract_strided_slice %slice3A {offsets = [0, 192], sizes = [256, 48], strides = [1, 1]} : vector<256x384xf32> to vector<256x48xf32>
    %slice3A_173 = vector.extract_strided_slice %slice3A_11 {offsets = [0, 192], sizes = [256, 48], strides = [1, 1]} : vector<256x384xf32> to vector<256x48xf32>
    %dot_general3A_174 = arith.constant dense<0.000000e+00> : vector<256x256xf32>
    %dot_general3A_175 = tpu.matmul %slice3A_172, %slice3A_173, %dot_general3A_174 {dimension_numbers = #tpu.dot_dimension_numbers<[1], [1], [0], [0], [0, 0, 1, 0], [], []>, transpose_lhs_hint = false} : vector<256x48xf32>, vector<256x48xf32>, vector<256x256xf32> -> vector<256x256xf32>
    %mul3A_176 = arith.constant 0.144337565 : f32
    %mul3A_177 = vector.broadcast %mul3A_176 : f32 to vector<256x256xf32>
    %mul3A_178 = arith.mulf %dot_general3A_175, %mul3A_177 : vector<256x256xf32>
    %jit3A_179 = arith.constant -8.000000e+01 : f32
    %jit3A_180 = arith.constant 8.000000e+01 : f32
    %max3A_181 = vector.broadcast %jit3A_179 : f32 to vector<256x256xf32>
    %max3A_182 = arith.maximumf %max3A_181, %mul3A_178 : vector<256x256xf32>
    %min3A_183 = vector.broadcast %jit3A_180 : f32 to vector<256x256xf32>
    %min3A_184 = arith.minimumf %min3A_183, %max3A_182 : vector<256x256xf32>
    %add3A_185 = arith.addf %min3A_184, %select_n3A_72 : vector<256x256xf32>
    %exp3A_186 = math.exp %add3A_185 : vector<256x256xf32>
    %reduce_sum3A_187 = arith.constant dense<0.000000e+00> : vector<256xf32>
    %reduce_sum3A_188 = vector.multi_reduction <add>, %exp3A_186, %reduce_sum3A_187 [1] : vector<256x256xf32> to vector<256xf32>
    %broadcast_in_dim3A_189 = vector.shape_cast %reduce_sum3A_188 : vector<256xf32> to vector<256x1xf32>
    %div3A_190 = arith.constant 1.000000e+00 : f32
    %div3A_191 = vector.broadcast %div3A_190 : f32 to vector<256x1xf32>
    %div3A_192 = arith.divf %div3A_191, %broadcast_in_dim3A_189 : vector<256x1xf32>
    %mul3A_193 = vector.broadcast %div3A_192 : vector<256x1xf32> to vector<256x256xf32>
    %mul3A_194 = arith.mulf %exp3A_186, %mul3A_193 : vector<256x256xf32>
    %slice3A_195 = vector.extract_strided_slice %mul3A_13 {offsets = [0, 192], sizes = [256, 48], strides = [1, 1]} : vector<256x384xf32> to vector<256x48xf32>
    %dot_general3A_196 = arith.constant dense<0.000000e+00> : vector<256x48xf32>
    %dot_general3A_197 = tpu.matmul %mul3A_194, %slice3A_195, %dot_general3A_196 {dimension_numbers = #tpu.dot_dimension_numbers<[1], [0], [0], [1], [0, 0, 1, 1], [], []>, transpose_lhs_hint = false} : vector<256x256xf32>, vector<256x48xf32>, vector<256x48xf32> -> vector<256x48xf32>
    %slice3A_198 = vector.extract_strided_slice %slice3A {offsets = [0, 240], sizes = [256, 48], strides = [1, 1]} : vector<256x384xf32> to vector<256x48xf32>
    %slice3A_199 = vector.extract_strided_slice %slice3A_11 {offsets = [0, 240], sizes = [256, 48], strides = [1, 1]} : vector<256x384xf32> to vector<256x48xf32>
    %dot_general3A_200 = arith.constant dense<0.000000e+00> : vector<256x256xf32>
    %dot_general3A_201 = tpu.matmul %slice3A_198, %slice3A_199, %dot_general3A_200 {dimension_numbers = #tpu.dot_dimension_numbers<[1], [1], [0], [0], [0, 0, 1, 0], [], []>, transpose_lhs_hint = false} : vector<256x48xf32>, vector<256x48xf32>, vector<256x256xf32> -> vector<256x256xf32>
    %mul3A_202 = arith.constant 0.144337565 : f32
    %mul3A_203 = vector.broadcast %mul3A_202 : f32 to vector<256x256xf32>
    %mul3A_204 = arith.mulf %dot_general3A_201, %mul3A_203 : vector<256x256xf32>
    %jit3A_205 = arith.constant -8.000000e+01 : f32
    %jit3A_206 = arith.constant 8.000000e+01 : f32
    %max3A_207 = vector.broadcast %jit3A_205 : f32 to vector<256x256xf32>
    %max3A_208 = arith.maximumf %max3A_207, %mul3A_204 : vector<256x256xf32>
    %min3A_209 = vector.broadcast %jit3A_206 : f32 to vector<256x256xf32>
    %min3A_210 = arith.minimumf %min3A_209, %max3A_208 : vector<256x256xf32>
    %add3A_211 = arith.addf %min3A_210, %select_n3A_72 : vector<256x256xf32>
    %exp3A_212 = math.exp %add3A_211 : vector<256x256xf32>
    %reduce_sum3A_213 = arith.constant dense<0.000000e+00> : vector<256xf32>
    %reduce_sum3A_214 = vector.multi_reduction <add>, %exp3A_212, %reduce_sum3A_213 [1] : vector<256x256xf32> to vector<256xf32>
    %broadcast_in_dim3A_215 = vector.shape_cast %reduce_sum3A_214 : vector<256xf32> to vector<256x1xf32>
    %div3A_216 = arith.constant 1.000000e+00 : f32
    %div3A_217 = vector.broadcast %div3A_216 : f32 to vector<256x1xf32>
    %div3A_218 = arith.divf %div3A_217, %broadcast_in_dim3A_215 : vector<256x1xf32>
    %mul3A_219 = vector.broadcast %div3A_218 : vector<256x1xf32> to vector<256x256xf32>
    %mul3A_220 = arith.mulf %exp3A_212, %mul3A_219 : vector<256x256xf32>
    %slice3A_221 = vector.extract_strided_slice %mul3A_13 {offsets = [0, 240], sizes = [256, 48], strides = [1, 1]} : vector<256x384xf32> to vector<256x48xf32>
    %dot_general3A_222 = arith.constant dense<0.000000e+00> : vector<256x48xf32>
    %dot_general3A_223 = tpu.matmul %mul3A_220, %slice3A_221, %dot_general3A_222 {dimension_numbers = #tpu.dot_dimension_numbers<[1], [0], [0], [1], [0, 0, 1, 1], [], []>, transpose_lhs_hint = false} : vector<256x256xf32>, vector<256x48xf32>, vector<256x48xf32> -> vector<256x48xf32>
    %slice3A_224 = vector.extract_strided_slice %slice3A {offsets = [0, 288], sizes = [256, 48], strides = [1, 1]} : vector<256x384xf32> to vector<256x48xf32>
    %slice3A_225 = vector.extract_strided_slice %slice3A_11 {offsets = [0, 288], sizes = [256, 48], strides = [1, 1]} : vector<256x384xf32> to vector<256x48xf32>
    %dot_general3A_226 = arith.constant dense<0.000000e+00> : vector<256x256xf32>
    %dot_general3A_227 = tpu.matmul %slice3A_224, %slice3A_225, %dot_general3A_226 {dimension_numbers = #tpu.dot_dimension_numbers<[1], [1], [0], [0], [0, 0, 1, 0], [], []>, transpose_lhs_hint = false} : vector<256x48xf32>, vector<256x48xf32>, vector<256x256xf32> -> vector<256x256xf32>
    %mul3A_228 = arith.constant 0.144337565 : f32
    %mul3A_229 = vector.broadcast %mul3A_228 : f32 to vector<256x256xf32>
    %mul3A_230 = arith.mulf %dot_general3A_227, %mul3A_229 : vector<256x256xf32>
    %jit3A_231 = arith.constant -8.000000e+01 : f32
    %jit3A_232 = arith.constant 8.000000e+01 : f32
    %max3A_233 = vector.broadcast %jit3A_231 : f32 to vector<256x256xf32>
    %max3A_234 = arith.maximumf %max3A_233, %mul3A_230 : vector<256x256xf32>
    %min3A_235 = vector.broadcast %jit3A_232 : f32 to vector<256x256xf32>
    %min3A_236 = arith.minimumf %min3A_235, %max3A_234 : vector<256x256xf32>
    %add3A_237 = arith.addf %min3A_236, %select_n3A_72 : vector<256x256xf32>
    %exp3A_238 = math.exp %add3A_237 : vector<256x256xf32>
    %reduce_sum3A_239 = arith.constant dense<0.000000e+00> : vector<256xf32>
    %reduce_sum3A_240 = vector.multi_reduction <add>, %exp3A_238, %reduce_sum3A_239 [1] : vector<256x256xf32> to vector<256xf32>
    %broadcast_in_dim3A_241 = vector.shape_cast %reduce_sum3A_240 : vector<256xf32> to vector<256x1xf32>
    %div3A_242 = arith.constant 1.000000e+00 : f32
    %div3A_243 = vector.broadcast %div3A_242 : f32 to vector<256x1xf32>
    %div3A_244 = arith.divf %div3A_243, %broadcast_in_dim3A_241 : vector<256x1xf32>
    %mul3A_245 = vector.broadcast %div3A_244 : vector<256x1xf32> to vector<256x256xf32>
    %mul3A_246 = arith.mulf %exp3A_238, %mul3A_245 : vector<256x256xf32>
    %slice3A_247 = vector.extract_strided_slice %mul3A_13 {offsets = [0, 288], sizes = [256, 48], strides = [1, 1]} : vector<256x384xf32> to vector<256x48xf32>
    %dot_general3A_248 = arith.constant dense<0.000000e+00> : vector<256x48xf32>
    %dot_general3A_249 = tpu.matmul %mul3A_246, %slice3A_247, %dot_general3A_248 {dimension_numbers = #tpu.dot_dimension_numbers<[1], [0], [0], [1], [0, 0, 1, 1], [], []>, transpose_lhs_hint = false} : vector<256x256xf32>, vector<256x48xf32>, vector<256x48xf32> -> vector<256x48xf32>
    %slice3A_250 = vector.extract_strided_slice %slice3A {offsets = [0, 336], sizes = [256, 48], strides = [1, 1]} : vector<256x384xf32> to vector<256x48xf32>
    %slice3A_251 = vector.extract_strided_slice %slice3A_11 {offsets = [0, 336], sizes = [256, 48], strides = [1, 1]} : vector<256x384xf32> to vector<256x48xf32>
    %dot_general3A_252 = arith.constant dense<0.000000e+00> : vector<256x256xf32>
    %dot_general3A_253 = tpu.matmul %slice3A_250, %slice3A_251, %dot_general3A_252 {dimension_numbers = #tpu.dot_dimension_numbers<[1], [1], [0], [0], [0, 0, 1, 0], [], []>, transpose_lhs_hint = false} : vector<256x48xf32>, vector<256x48xf32>, vector<256x256xf32> -> vector<256x256xf32>
    %mul3A_254 = arith.constant 0.144337565 : f32
    %mul3A_255 = vector.broadcast %mul3A_254 : f32 to vector<256x256xf32>
    %mul3A_256 = arith.mulf %dot_general3A_253, %mul3A_255 : vector<256x256xf32>
    %jit3A_257 = arith.constant -8.000000e+01 : f32
    %jit3A_258 = arith.constant 8.000000e+01 : f32
    %max3A_259 = vector.broadcast %jit3A_257 : f32 to vector<256x256xf32>
    %max3A_260 = arith.maximumf %max3A_259, %mul3A_256 : vector<256x256xf32>
    %min3A_261 = vector.broadcast %jit3A_258 : f32 to vector<256x256xf32>
    %min3A_262 = arith.minimumf %min3A_261, %max3A_260 : vector<256x256xf32>
    %add3A_263 = arith.addf %min3A_262, %select_n3A_72 : vector<256x256xf32>
    %exp3A_264 = math.exp %add3A_263 : vector<256x256xf32>
    %reduce_sum3A_265 = arith.constant dense<0.000000e+00> : vector<256xf32>
    %reduce_sum3A_266 = vector.multi_reduction <add>, %exp3A_264, %reduce_sum3A_265 [1] : vector<256x256xf32> to vector<256xf32>
    %broadcast_in_dim3A_267 = vector.shape_cast %reduce_sum3A_266 : vector<256xf32> to vector<256x1xf32>
    %div3A_268 = arith.constant 1.000000e+00 : f32
    %div3A_269 = vector.broadcast %div3A_268 : f32 to vector<256x1xf32>
    %div3A_270 = arith.divf %div3A_269, %broadcast_in_dim3A_267 : vector<256x1xf32>
    %mul3A_271 = vector.broadcast %div3A_270 : vector<256x1xf32> to vector<256x256xf32>
    %mul3A_272 = arith.mulf %exp3A_264, %mul3A_271 : vector<256x256xf32>
    %slice3A_273 = vector.extract_strided_slice %mul3A_13 {offsets = [0, 336], sizes = [256, 48], strides = [1, 1]} : vector<256x384xf32> to vector<256x48xf32>
    %dot_general3A_274 = arith.constant dense<0.000000e+00> : vector<256x48xf32>
    %dot_general3A_275 = tpu.matmul %mul3A_272, %slice3A_273, %dot_general3A_274 {dimension_numbers = #tpu.dot_dimension_numbers<[1], [0], [0], [1], [0, 0, 1, 1], [], []>, transpose_lhs_hint = false} : vector<256x256xf32>, vector<256x48xf32>, vector<256x48xf32> -> vector<256x48xf32>
    %concatenate3A = tpu.concatenate %dot_general3A_93, %dot_general3A_119, %dot_general3A_145, %dot_general3A_171, %dot_general3A_197, %dot_general3A_223, %dot_general3A_249, %dot_general3A_275 in 1 : vector<256x48xf32>, vector<256x48xf32>, vector<256x48xf32>, vector<256x48xf32>, vector<256x48xf32>, vector<256x48xf32>, vector<256x48xf32>, vector<256x48xf32> -> vector<256x384xf32>
    %mul3A_276 = vector.broadcast %reshape3A : vector<256x1xf32> to vector<256x384xf32>
    %mul3A_277 = arith.mulf %concatenate3A, %mul3A_276 : vector<256x384xf32>
    %swap3A = arith.constant 0 : index
    %swap3A_278 = arith.constant 0 : index
    %swap3A_279 = vector.load %arg4[%swap3A, %swap3A_278] : memref<256x384xf32, #tpu.memory_space<vmem>>, vector<256x384xf32>
    tpu.vector_store %arg4[%swap3A, %swap3A_278], %mul3A_277 {strides = array<i32>} : memref<256x384xf32, #tpu.memory_space<vmem>>, vector<256x384xf32>,
    return
  }
  func.func @transform_0(%arg0: i32) -> (i32, i32) {
    %c0_i32 = arith.constant 0 : i32
    %c0_i32_0 = arith.constant 0 : i32
    return %arg0, %c0_i32 : i32, i32
  }
  func.func @transform_1(%arg0: i32) -> (i32, i32, i32) {
    %c0_i32 = arith.constant 0 : i32
    %c0_i32_0 = arith.constant 0 : i32
    %c0_i32_1 = arith.constant 0 : i32
    return %arg0, %c0_i32, %c0_i32_0 : i32, i32, i32
  }
  func.func @transform_2(%arg0: i32) -> (i32, i32) {
    %c0_i32 = arith.constant 0 : i32
    %c0_i32_0 = arith.constant 0 : i32
    %c0_i32_1 = arith.constant 0 : i32
    return %c0_i32, %c0_i32_0 : i32, i32
  }
  func.func @transform_3(%arg0: i32) -> (i32, i32) {
    %c0_i32 = arith.constant 0 : i32
    %c0_i32_0 = arith.constant 0 : i32
    return %arg0, %c0_i32 : i32, i32
  }
}

</mosaic_0001>

<sc_bundles>
// kernel: gather_offload_async_start
scs
__scs_entry_jumppad:
0x0: {  	(pc) =	sbr.rel $0x88, $3  }
0x1: {  	(tag) =	ssettag $0x0;
	lr =	simm.s32 $0x1  }
0x2: {  	[smem:$0x3F9A] =	sst lr;
	_ =	strace $0xD0000000  }
0x3: {  	_ = 	snop  }
0x4: {  	_ = 	snop  }
0x5: {  	_ = 	snop  }
0x6: {  	_ = 	snop  }
0x7: {  	_ = 	snop  }
__scs_overlays_trampoline_lowered:
0x8: {  	[smem:$0x3FA9] =	sst s0  }
0x9: {  	[smem:$0x3FAA] =	sst s1  }
0xa: {  	[smem:$0x3FAB] =	sst s2  }
0xb: {  	[smem:$0x3FAC] =	sst s3  }
0xc: {  	[smem:$0x3FAD] =	sst s4  }
0xd: {  	[smem:$0x3FAE] =	sst s5  }
0xe: {  	[smem:$0x3FAF] =	sst s6  }
0xf: {  	[smem:$0x3FB0] =	sst s7  }
0x10: {  	[smem:$0x3FB1] =	sst s8  }
0x11: {  	[smem:$0x3FB2] =	sst s9;
	s0 =	simm.s32 @!p0 $0x0  }
0x12: {  	s1 =	sld [smem:$0x3F98];
	s0 =	simm.s32 @p0 $0x1  }
0x13: {  	[smem:$0x3FB3] =	sst s0;
	s0 =	simm.s32 @!p1 $0x0  }
0x14: {  	s2 =	sld [smem:$0x3F97];
	s0 =	simm.s32 @p1 $0x1  }
0x15: {  	[smem:$0x3FB4] =	sst s0;
	s0 =	simm.s32 @!p2 $0x0  }
0x16: {  	s3 =	sld [smem:$0x3FDB];
	s0 =	simm.s32 @p2 $0x1  }
0x17: {  	s4 =	simm.s32 $0x1BF5;
	[smem:$0x3FB6] =	sst s0  }
0x18: {  	s0 =	sld [smem:$0x3F99];
	_ =	swait.ge [sflag:s4], $0x0  }
0x19: {  	s7 =	sld [smem:$0x3F9A]  }
0x1a: {  	s8 =	sadd.s32 $0xFFFFE003, lr  }
0x1b: {  	s9 =	sadd.s32 $0xFFFFFEF7, lr;
	s5 =	simm.s32 $0xFFFFFFFF;
	p2 =	slt.u32 s8, $0xFFFFF086  }
0x1c: {  	p1 =	slt.u32 s9, $0xF7A;
	s5 =	simm.s32 @!p2 $0x0  }
0x1d: {  	s5 =	simm.s32 @p1 $0x1;
	p0 =	seq.s32 s7, s2  }
0x1e: {  	s7 =	smul.u32 @!p0 $0xF7A, s2;
	p2 =	seq.s32 @!p0 s5, $0x0  }
0x1f: {  	s9 =	smul.u32 $0xF7A, s1;
	s8 =	simm.s32 @!p0 $0x1BF5;
	p2 =	por !p2, p0  }
0x20: {  	[sflag:s8] =	ssyncset.s32 @!p0 $0xFFFFF086;
	s6 =	sadd.s32 @!p0 s3, s7;
	s7 =	simm.s32 @!p0 $0x108  }
0x21: {  	s3 =	sadd.s32 s3, s9;
	s6 =	sadd.s32 @!p0 $0x88, s6;
	s7 =	simm.s32 @p2 $0x1082  }
0x22: {  	[simem:s7], [sflag:s8] =	dma.local @!p0 [hbm:s6], $0xF7A  }
0x23: {  	s9 =	sor.u32 $0xD0000000, s2;
	s6 =	simm.s32 $0x108;
	_ =	swait.ge @!p0 [sflag:s8], $0x0  }
0x24: {  	s3 =	sadd.s32 $0x88, s3;
	s6 =	simm.s32 @!p1 $0x1082;
	[sflag:s4] =	ssyncset.s32 $0xFFFFF086  }
0x25: {  	[simem:s6], [sflag:s4] =	dma.local [hbm:s3], $0xF7A  }
0x26: {  	[smem:$0x3F9A] =	sst s1;
	(tag) =	ssettag s2;
	_ =	strace s9  }
0x27: {  	s1 =	sld [smem:$0x3FAA]  }
0x28: {  	s2 =	sld [smem:$0x3FAB]  }
0x29: {  	s4 =	sld [smem:$0x3FAD]  }
0x2a: {  	p0 =	seq.s32 s5, $0x0;
	s5 =	sld [smem:$0x3FAE]  }
0x2b: {  	s6 =	sld [smem:$0x3FAF]  }
0x2c: {  	s7 =	sld [smem:$0x3FB0]  }
0x2d: {  	s3 =	simm.s32 $0x108;
	s8 =	sld [smem:$0x3FB1]  }
0x2e: {  	s3 =	simm.s32 @!p0 $0x1082;
	s9 =	sld [smem:$0x3FB2]  }
0x2f: {  	lr =	sadd.s32 s0, s3;
	s0 =	sld [smem:$0x3FA9]  }
0x30: {  	s3 =	sld [smem:$0x3FAC]  }
0x31: {  	[smem:$0x3FB5] =	sst s10  }
0x32: {  	s10 =	sld [smem:$0x3FB3];
	_ =	sdelay $0x3  }
0x33: {  	p0 =	seq.s32 s10, $0x1;
	s10 =	sld [smem:$0x3FB5];
	_ =	sdelay $0x3  }
0x34: {  	[smem:$0x3FB5] =	sst s10  }
0x35: {  	s10 =	sld [smem:$0x3FB4];
	_ =	sdelay $0x3  }
0x36: {  	p1 =	seq.s32 s10, $0x1;
	s10 =	sld [smem:$0x3FB5];
	_ =	sdelay $0x3  }
0x37: {  	[smem:$0x3FB5] =	sst s10  }
0x38: {  	s10 =	sld [smem:$0x3FB6]  }
0x39: {  	_ = 	snop;
	(pc) =	sbr.ind lr, $3  }
0x3a: {  	_ = 	snop  }
0x3b: {  	_ = 	snop  }
0x3c: {  	p2 =	seq.s32 s10, $0x1;
	s10 =	sld [smem:$0x3FB5]  }
0x3d: {  	_ =	shalt  }
0x3e: {  	_ =	shalt  }
0x3f: {  	_ =	shalt  }
0x40: {  	_ =	shalt  }
0x41: {  	_ =	shalt  }
0x42: {  	_ =	shalt  }
0x43: {  	_ =	shalt  }
0x44: {  	_ =	shalt  }
0x45: {  	_ =	shalt  }
0x46: {  	_ =	shalt  }
0x47: {  	_ =	shalt  }
0x48: {  	_ =	shalt  }
0x49: {  	_ =	shalt  }
0x4a: {  	_ =	shalt  }
0x4b: {  	_ =	shalt  }
0x4c: {  	_ =	shalt  }
0x4d: {  	_ =	shalt  }
0x4e: {  	_ =	shalt  }
0x4f: {  	_ =	shalt  }
0x50: {  	_ =	shalt  }
0x51: {  	_ =	shalt  }
0x52: {  	_ =	shalt  }
0x53: {  	_ =	shalt  }
0x54: {  	_ =	shalt  }
0x55: {  	_ =	shalt  }
0x56: {  	_ =	shalt  }
0x57: {  	_ =	shalt  }
0x58: {  	_ =	shalt  }
0x59: {  	_ =	shalt  }
0x5a: {  	_ =	shalt  }
0x5b: {  	_ =	shalt  }
0x5c: {  	_ =	shalt  }
0x5d: {  	_ =	shalt  }
0x5e: {  	_ =	shalt  }
0x5f: {  	_ =	shalt  }
0x60: {  	_ =	shalt  }
0x61: {  	_ =	shalt  }
0x62: {  	_ =	shalt  }
0x63: {  	_ =	shalt  }
0x64: {  	_ =	shalt  }
0x65: {  	_ =	shalt  }
0x66: {  	_ =	shalt  }
0x67: {  	_ =	shalt  }
0x68: {  	_ =	shalt  }
0x69: {  	_ =	shalt  }
0x6a: {  	_ =	shalt  }
0x6b: {  	_ =	shalt  }
0x6c: {  	_ =	shalt  }
0x6d: {  	_ =	shalt  }
0x6e: {  	_ =	shalt  }
0x6f: {  	_ =	shalt  }
0x70: {  	_ =	shalt  }
0x71: {  	_ =	shalt  }
0x72: {  	_ =	shalt  }
0x73: {  	_ =	shalt  }
0x74: {  	_ =	shalt  }
0x75: {  	_ =	shalt  }
0x76: {  	_ =	shalt  }
0x77: {  	_ =	shalt  }
0x78: {  	_ =	shalt  }
0x79: {  	_ =	shalt  }
0x7a: {  	_ =	shalt  }
0x7b: {  	_ =	shalt  }
0x7c: {  	_ =	shalt  }
0x7d: {  	_ =	shalt  }
0x7e: {  	_ =	shalt  }
0x7f: {  	_ =	shalt  }
0x80: {  	_ =	shalt  }
0x81: {  	_ =	shalt  }
0x82: {  	_ =	shalt  }
0x83: {  	_ =	shalt  }
0x84: {  	_ =	shalt  }
0x85: {  	_ =	shalt  }
0x86: {  	_ =	shalt  }
0x87: {  	_ =	shalt  }
.Lfunc_end0:
.L_simem_size_0:
called_computation.1_lowered:
.L_overlay_start_0:
0x88: {  	s2 =	sld [smem:$0x3FD9]  }
0x89: {  	s3 =	sld [smem:$0x3FFE];
	_ =	sdelay $0x1  }
0x8a: {  	s1 =	srdreg.scid  }
0x8b: {  	s0 =	sand.u32 $0x1, s1  }
0x8c: {  	s16 =	sshll.u32 s0, $0xA;
	s2 =	sadd.s32 s3, s2  }
0x8d: {  	s2 =	sadd.s32 s2, s16  }
0x8e: {  	[smem:$0x3FC1] =	sst s2  }
0x8f: {  	_ = 	snop  }
0x90: {  	(tm) =	ssettm $0x1  }
0x91: {  	s17 =	sld [smem:$0x3FFB];
	_ =	sdelay $0x3  }
0x92: {  	_ =	strace s17  }
0x93: {  	s2 =	sld [smem:$0x3FFC];
	_ =	sdelay $0x3  }
0x94: {  	_ =	strace s2  }
0x95: {  	s2 =	sld [smem:$0x3FFD];
	_ =	sdelay $0x3  }
0x96: {  	_ =	strace s2  }
0x97: {  	_ =	strace $0x8FFFFFFF  }
0x98: {  	s18 =	sld [smem:$0x3FDB];
	_ =	sdelay $0x1  }
0x99: {  	s19 =	simm.s32 $_scs_section_size  }
0x9a: {  	s4 =	simm.s32 $_size__tile_overlayer_lowered;
	s5 =	simm.s32 $_tile_overlayer_lowered  }
0x9b: {  	s22 =	simm.s32 $0x1BFF;
	s21 =	sshll.u32 s5, $0x1;
	s2 =	sadd.s32 s19, s18  }
0x9c: {  	s6 =	simm.s32 $0x0;
	s20 =	sshll.u32 s4, $0x1;
	s4 =	sadd.s32 s21, s2  }
0x9d: {  	[timem:s6], [sflag:s22] =	dma.local [hbm:s4], s20  }
0x9e: {  	_ =	swait.ge [sflag:s22], s20  }
0x9f: {  	s3 =	ssub.s32 $0x0, s20;
	[sflag:s22] =	ssyncset.done $0x0  }
0xa0: {  	[sflag:s22] =	ssyncadd.s32 s3;
	_ =	sdelay $0x1  }
0xa1: {  	s23 =	simm.s32 $0x1B8B  }
0xa2: {  	_ =	swait.ge [sflag:s23], $0x1  }
0xa3: {  	[sflag:s23] =	ssyncset.done $0x0  }
0xa4: {  	s25 =	simm.s32 $0x1B8E;
	s24 =	sld [smem:$0x3FFE];
	[sflag:s23] =	ssyncadd.s32 $0xFFFFFFFF  }
0xa5: {  	s26 =	simm.s32 $execute0_lowered;
	[smem:$0x3FD2] =	sst s25  }
0xa6: {  	s4 =	sshll.u32 s26, $0x1;
	_ =	strace $0x80000049;
	[dreg:$0x1] =	wrdreg $0xFFFFFFFF  }
0xa7: {  	s28 =	simm.s32 $_size_execute0_lowered;
	s2 =	sadd.s32 s2, s4;
	[dreg:$0x0] =	wrdreg $0x0  }
0xa8: {  	s4 =	sshll.u32 s28, $0x1;
	[dreg:$0x2] =	wrdreg s2  }
0xa9: {  	[dreg:$0x3] =	wrdreg s4  }
0xaa: {  	[dreg:$0x4] =	wrdreg $0xC0  }
0xab: {  	_ =	task [dreg:s6], $0x5FFFF  }
0xac: {  	[dreg:$0x1] =	wrdreg $0xFFFFFFFF  }
0xad: {  	[dreg:$0x0] =	wrdreg $0x60  }
0xae: {  	[dreg:$0x2] =	wrdreg s24  }
0xaf: {  	[dreg:$0x3] =	wrdreg $0x9  }
0xb0: {  	_ =	task.clear_ibuf [dreg:s6], $0x4FFFF;
	_ =	strace $0x90000049  }
0xb1: {  	s29 =	simm.s32 $0x9;
	_ =	strace $0x8000004B  }
0xb2: {  	_ =	swait.ge [sflag:s29], $0x1  }
0xb3: {  	[sflag:s29] =	ssyncadd.s32 $0xFFFFFFFF  }
0xb4: {  	_ =	strace $0x9000004B  }
0xb5: {  	_ =	sfence  }
0xb6: {  	s30 =	sld [smem:$0x0];
	_ =	sdelay $0x2  }
0xb7: {  	s31 =	sshll.u32 s1, $0xD;
	s1 =	sshrl.u32 s1, $0x2  }
0xb8: {  	s3 =	sand.u32 $0x4000, s31;
	s1 =	sadd.s32 s1, s30  }
0xb9: {  	s0 =	sor.u32 s3, s0;
	s1 =	sshll.u32 s1, $0x11  }
0xba: {  	s0 =	sor.u32 s1, s0  }
0xbb: {  	s0 =	sadd.s32 $0x8F2B, s0  }
0xbc: {  	[sflag:s0] =	ssyncadd.remote.s32 $0x1  }
0xbd: {  	_ =	sfence.sel $0xFFFF  }
0xbe: {  	[dreg:$0x0] =	wrdreg $0xFFFFFFFF;
	(pc) =	sbr.abs _section_cstart, $3  }
0xbf: {  	[dreg:$0x1] =	wrdreg $0xFFFFFFFF  }
0xc0: {  	_ =	task.clear_ibuf [dreg:s6], $0x2FFFF;
	_ =	strace $0x9FFFFFFF  }
0xc1: {  	(tm) =	ssettm $0x7FFFFFFF  }
tec
execute0_lowered:
.L_overlay_start_1:
0x0: {  	(tag) =	ssettag $0x1  }
0x1: {  	s0 =	srdreg.scid  }
0x2: {  	s1 =	sshll.u32 s0, $0x4  }
0x3: {  	s0 =	stileid.u32;
	s1 =	sand.u32 $0x10, s1  }
0x4: {  	s2 =	sor.u32 s0, s1  }
0x5: {  	s3 =	smul.u32 $0x3, s2  }
0x6: {  	s2 =	smin.u32 s2, $0x10  }
0x7: {  	s1 =	sshrl.u32 s1, $0x4;
	s2 =	sadd.s32 s2, s3  }
0x8: {  	s1 =	ssub.s32 s2, s1  }
0x9: {  	s1 =	smul.u32 $0x70, s1;
	_ =	sdelay $0x1  }
0xa: {  	s2 =	smul.u32 $0x70, s2;
	s1 =	sadd.s32 $0x1C0, s1  }
0xb: {  	s3 =	smin.u32 s1, $0x3100  }
0xc: {  	s7 =	ssub.s32 s3, s2  }
0xd: {  	p0 =	sgt.s32 s7, $0x0  }
0xe: {  	s7 =	simm.s32 @!p0 $0x0  }
0xf: {  	s31 =	sand.u32 $0xFFF0, s7  }
0x10: {  	s1 =	sshrl.u32 s31, $0x4  }
0x11: {  	s4 =	smul.u32 $0x2493, s1  }
0x12: {  	s9 =	rddreg [dreg:$0x0];
	s6 =	simm.s32 $0x1;
	s11 =	simm.s32 $0x3  }
0x13: {  	s13 =	simm.s32 $0x0;
	s12 =	simm.s32 $0x0;
	s8 =	sshrl.u32 s4, $0x10  }
0x14: {  	s1 =	rddreg [dreg:$0x1];
	_ =	strace $0x8000004A;
	s10 =	smul.u32 $0x70, s8  }
.Ltmp0:
0x15: {  	s5 =	sadd.s32 $0x1800, s9;
	[sflag:s6] =	ssyncpa.u1 $0x0;
	(pc) =	sbr.rel .LBB2_1-.Ltmp0, $4  }
0x16: {  	s4 =	sadd.s32 $0x139800, s9;
	p0 =	sne.s32 s7, s10;
	s10 =	simm.s32 $0x1  }
0x17: {  	s9 =	sadd.s32 $0x2000, s9;
	s7 =	simm.s32 $0x2;
	s10 =	simm.s32 @!p0 $0x0  }
0x18: {  	[sflag:s7] =	ssyncpa.u1 $0x0;
	p0 =	por $0x0, $0x0;
	s8 =	sadd.s32 s8, s10  }
0x19: {  	vm0 =	vmmov $0xff;
	vm1 =	vcmask $0x3F20;
	[sflag:s11] =	ssyncpa.u1 $0x0;
	s11 =	smov.u32 s2;
	s10 =	sadd.s32 $0x1, s8  }
.LBB2_9:
0x1a: {  	s13 =	sadd.s32 $0x70, s11  }
0x1b: {  	s15 =	smov.u32 s2;
	p2 =	slt.s32 s13, s3  }
0x1c: {  	s15 =	smov.u32 @p2 s13;
	p2 =	sne.s32 s12, s10  }
.Ltmp1:
0x1d: {  	p1 =	slt.u32 s12, $0x2;
	(pc) =	sbr.rel @!p2 .LBB2_10-.Ltmp1, $4  }
0x1e: {  	s14 =	simm.s32 @!p1 $0x3  }
0x1f: {  	s16 =	sadd.s32 $0x1, s12;
	_ =	swait.ge @!p1 [sflag:s14], $0xA800  }
0x20: {  	p0 =	por !p0, !p0;
	s13 =	smov.u32 s11;
	[sflag:s14] =	ssyncset.done @!p1 $0x0  }
0x21: {  	s12 =	smov.u32 s16;
	s11 =	smov.u32 s15;
	[sflag:s14] =	ssyncadd.s32 @!p1 $0xFFFF5800  }
.LBB2_1:
0x22: {  	p1 =	sge.u32 s12, s8  }
0x23: {  	s14 =	sxor.u32 @!p1 $0xFFFFFFFF, s12  }
0x24: {  	s14 =	sand.u32 @!p1 $0x1, s14  }
0x25: {  	s14 =	smul.u32 @!p1 $0x1C0, s14  }
0x26: {  	s31 =	sadd.s32 $0xFFFFFFFF, s12;
	s15 =	sshrl.u32 @!p1 s11, $0x3  }
0x27: {  	s16 =	sand.u32 @!p1 $0x7, s11;
	s15 =	sadd.s32 @!p1 s5, s15;
	s14 =	sshrl.u32 @!p1 s14, $0x2  }
0x28: {  	[tilespmem:s14], [sflag:$0x2] =	stream.linear.gather @!p1 [hbm4b:s15+s16], $0x70, $0x38;
	[tilespmem:$0x150E0] =	vst v63  }
0x29: {  	p1 =	sge.u32 s31, s8  }
.Ltmp2:
0x2a: {  	_ = 	snop;
	(pc) =	sbr.rel @p1 .LBB2_9-.Ltmp2, $1  }
0x2b: {  	_ =	sdelay $0x3  }
0x2c: {  	s14 =	simm.s32 $0x1  }
0x2d: {  	s14 =	simm.s32 @!p0 $0x0  }
0x2e: {  	s14 =	smul.u32 $0x2A000, s14  }
0x2f: {  	s15 =	sand.u32 $0x1, s12  }
0x30: {  	_ =	swait.ge [sflag:s7], $0x70;
	s15 =	smul.u32 $0x1C0, s15;
	s14 =	sshrl.u32 s14, $0x2  }
0x31: {  	s16 =	simm.s32 $0x0;
	[sflag:s7] =	ssyncset.done $0x0;
	s14 =	sor.u32 $0xE0, s14  }
0x32: {  	[sflag:s7] =	ssyncadd.s32 $0xFFFFFF90;
	s15 =	sshrl.u32 s15, $0x2;
	s17 =	smov.u32 s14  }
.LBB2_3:
0x33: {  	s18 =	sshll.u32 s16, $0x4  }
0x34: {  	s18 =	sand.u32 $0x3FFFFFF0, s18  }
0x35: {  	s18 =	sadd.s32 s18, s15  }
0x36: {  	v0 =	vld.msk [tilespmem:s18+$0x0 ss:$0x1], $0xffff;
	_ =	sdelay $0x4  }
0x37: {  	vm2 =	vgt.s32 v0, $0x0  }
0x38: {  	v0 =	vnsel vm2, $0x0, v0  }
0x39: {  	v0 =	vmin.u32 v0, $0xC3FF  }
0x3a: {  	v1 =	vshrl.u32 v0, $0x3  }
0x3b: {  	v0 =	vshll.u32 v0, $0x7;
	v1 =	vmul.u32 $0xC00, v1  }
0x3c: {  	v0 =	vand.u32 $0x380, v0  }
0x3d: {  	v0 =	vor.u32 v0, v1  }
0x3e: {  	v0 =	vshrl.u32 v0, $0x3;
	_ =	sdelay $0x3  }
0x3f: {  	s19 =	sadd.s32 $0x0, s17  }
0x40: {  	[tilespmem:s19], [sflag:$0x1] =	stream.indirect_vreg.gather [hbm:s4], $0x80, v0, vm0, $0x38;
	[tilespmem:$0x150E0] =	vst v63  }
0x41: {  	s18 =	simm.s32 $0x1000;
	v1 =	vadd.s32 $0x80, v0;
	s19 =	sadd.s32 $0xC00, s19  }
.LBB2_4:
0x42: {  	[tilespmem:s19], [sflag:$0x1] =	stream.indirect_vreg.gather [hbm:s4], $0x80, v0, vm1, $0x38;
	[tilespmem:$0x150E0] =	vst v63  }
0x43: {  	v0 =	vmov v1;
	s19 =	smov.u32 s18;
	p1 =	sne.s32 s18, $0x2000  }
.Ltmp3:
0x44: {  	s18 =	sadd.s32 $0x1000, s18;
	(pc) =	sbr.rel @p1 .LBB2_4-.Ltmp3, $4  }
0x45: {  	s19 =	sshra.s32 s19, $0x2  }
0x46: {  	s19 =	sadd.s32 s19, s17  }
0x47: {  	[tilespmem:s19], [sflag:$0x1] =	stream.indirect_vreg.gather [hbm:s4], $0x80, v1, vm0, $0x38;
	[tilespmem:$0x150E0] =	vst v63  }
0x48: {  	s19 =	sadd.s32 $0xC00, s19;
	v1 =	vadd.s32 $0x80, v1  }
0x49: {  	s16 =	sadd.s32 $0x1, s16  }
0x4a: {  	p1 =	sne.s32 s16, $0x7  }
.Ltmp4:
0x4b: {  	_ = 	snop;
	(pc) =	sbr.rel @p1 .LBB2_3-.Ltmp4, $3  }
0x4c: {  	_ =	sdelay $0x1  }
0x4d: {  	[tilespmem:s19], [sflag:$0x1] =	stream.indirect_vreg.gather [hbm:s4], $0x80, v0, vm1, $0x38;
	[tilespmem:$0x150E0] =	vst v63  }
0x4e: {  	s17 =	sadd.s32 $0x1800, s17  }
0x4f: {  	s15 =	sshrl.u32 s13, $0x3  }
0x50: {  	s15 =	smul.u32 $0x180, s15  }
0x51: {  	s31 =	sshll.u32 s13, $0x4  }
0x52: {  	_ =	swait.ge [sflag:s6], $0xA800;
	s13 =	sand.u32 $0x70, s31;
	s15 =	sadd.s32 s15, s9  }
0x53: {  	s16 =	sadd.s32 $0xC00, s14;
	[sflag:s6] =	ssyncset.done $0x0;
	s13 =	sadd.s32 s13, s15  }
0x54: {  	[sflag:s6] =	ssyncadd.s32 $0xFFFF5800;
	s15 =	simm.s32 $0x180;
	s17 =	sadd.s32 $0x0, s13  }
.LBB2_7:
0x55: {  	[hbm:s17] =	stream.linear.scatter [tilespmem:s14], [sflag:$0x3], $0xC00, $0x38;
	[tilespmem:$0x150E0] =	vst v63  }
0x56: {  	s17 =	smov.u32 s15;
	s14 =	smov.u32 s16;
	p1 =	sne.s32 s15, $0x1380  }
.Ltmp5:
0x57: {  	s15 =	sadd.s32 $0x180, s15;
	(pc) =	sbr.rel @p1 .LBB2_7-.Ltmp5, $2  }
0x58: {  	_ =	sdelay $0x2  }
0x59: {  	s16 =	sadd.s32 $0xC00, s16;
	s17 =	sadd.s32 s17, s13  }
.Ltmp6:
0x5a: {  	(pc) =	sbr.rel .LBB2_9-.Ltmp6, $2  }
0x5b: {  	_ =	sdelay $0x2  }
0x5c: {  	[hbm:s17] =	stream.linear.scatter [tilespmem:s14], [sflag:$0x3], $0xC00, $0x38;
	[tilespmem:$0x150E0] =	vst v63  }
.LBB2_10:
0x5d: {  	_ =	sfence.sel $0x180000  }
0x5e: {  	s2 =	simm.s32 $0x2;
	[bflag:$0x0] =	sbarrier.arrive $0xFFFF  }
0x5f: {  	s30 =	simm.s32 $0x3;
	[sflag:s2] =	ssyncpa.u1 $0x1  }
0x60: {  	s31 =	simm.s32 $0x1;
	[sflag:s30] =	ssyncpa.u1 $0x1  }
0x61: {  	[sflag:s31] =	ssyncpa.u1 $0x1  }
0x62: {  	p0 =	sne.s32 s0, $0x0;
	_ =	strace $0x9000004A  }
0x63: {  	s0 =	sadd.s32 @!p0 $0x100000, s1;
	[bflag:$0x2] =	sbarrier.arrive $0xFFFF  }
0x64: {  	[sflag:s0] =	ssyncadd.tile.s32 @!p0 $0x1;
	_ =	shalt  }
.Lfunc_end2:
_tile_overlayer_lowered:
.L_overlay_start_2:
0x65: {  	(tag) =	ssettag $0x2  }
0x66: {  	s0 =	rddreg [dreg:$0x0];
	s2 =	stileid.u32  }
0x67: {  	s1 =	rddreg [dreg:$0x1];
	p0 =	sne.s32 s2, $0x0  }
0x68: {  	s3 =	rddreg [dreg:$0x2];
	[bflag:$0x3] =	sbarrier.arrive $0xFFFF;
	s2 =	simm.s32 @!p0 $0x1C01  }
0x69: {  	[timem:s3], [sflag:s2] =	dma.local @!p0 [hbm:s0], s1  }
0x6a: {  	s0 =	simm.s32 @!p0 $0x1  }
0x6b: {  	_ =	swait.ge @!p0 [sflag:s0], s1  }
0x6c: {  	s1 =	ssub.s32 @!p0 $0x0, s1;
	[sflag:s0] =	ssyncset.done @!p0 $0x0  }
0x6d: {  	[sflag:s0] =	ssyncadd.s32 @!p0 s1  }
0x6e: {  	[bflag:$0x3] =	sbarrier.arrive $0xFFFF  }
0x6f: {  	_ =	shalt  }

// kernel: kernel.5.cloned.1.call-start
scs
__scs_entry_jumppad:
0x0: {  	(pc) =	sbr.rel $0x88, $3  }
0x1: {  	(tag) =	ssettag $0x0;
	lr =	simm.s32 $0x1  }
0x2: {  	[smem:$0x3F9A] =	sst lr;
	_ =	strace $0xD0000000  }
0x3: {  	_ = 	snop  }
0x4: {  	_ = 	snop  }
0x5: {  	_ = 	snop  }
0x6: {  	_ = 	snop  }
0x7: {  	_ = 	snop  }
__scs_overlays_trampoline_lowered:
0x8: {  	[smem:$0x3FA9] =	sst s0  }
0x9: {  	[smem:$0x3FAA] =	sst s1  }
0xa: {  	[smem:$0x3FAB] =	sst s2  }
0xb: {  	[smem:$0x3FAC] =	sst s3  }
0xc: {  	[smem:$0x3FAD] =	sst s4  }
0xd: {  	[smem:$0x3FAE] =	sst s5  }
0xe: {  	[smem:$0x3FAF] =	sst s6  }
0xf: {  	[smem:$0x3FB0] =	sst s7  }
0x10: {  	[smem:$0x3FB1] =	sst s8  }
0x11: {  	[smem:$0x3FB2] =	sst s9;
	s0 =	simm.s32 @!p0 $0x0  }
0x12: {  	s1 =	sld [smem:$0x3F98];
	s0 =	simm.s32 @p0 $0x1  }
0x13: {  	[smem:$0x3FB3] =	sst s0;
	s0 =	simm.s32 @!p1 $0x0  }
0x14: {  	s2 =	sld [smem:$0x3F97];
	s0 =	simm.s32 @p1 $0x1  }
0x15: {  	[smem:$0x3FB4] =	sst s0;
	s0 =	simm.s32 @!p2 $0x0  }
0x16: {  	s3 =	sld [smem:$0x3FDB];
	s0 =	simm.s32 @p2 $0x1  }
0x17: {  	s4 =	simm.s32 $0x1BF5;
	[smem:$0x3FB6] =	sst s0  }
0x18: {  	s0 =	sld [smem:$0x3F99];
	_ =	swait.ge [sflag:s4], $0x0  }
0x19: {  	s7 =	sld [smem:$0x3F9A]  }
0x1a: {  	s8 =	sadd.s32 $0xFFFFE003, lr  }
0x1b: {  	s9 =	sadd.s32 $0xFFFFFEF7, lr;
	s5 =	simm.s32 $0xFFFFFFFF;
	p2 =	slt.u32 s8, $0xFFFFF086  }
0x1c: {  	p1 =	slt.u32 s9, $0xF7A;
	s5 =	simm.s32 @!p2 $0x0  }
0x1d: {  	s5 =	simm.s32 @p1 $0x1;
	p0 =	seq.s32 s7, s2  }
0x1e: {  	s7 =	smul.u32 @!p0 $0xF7A, s2;
	p2 =	seq.s32 @!p0 s5, $0x0  }
0x1f: {  	s9 =	smul.u32 $0xF7A, s1;
	s8 =	simm.s32 @!p0 $0x1BF5;
	p2 =	por !p2, p0  }
0x20: {  	[sflag:s8] =	ssyncset.s32 @!p0 $0xFFFFF086;
	s6 =	sadd.s32 @!p0 s3, s7;
	s7 =	simm.s32 @!p0 $0x108  }
0x21: {  	s3 =	sadd.s32 s3, s9;
	s6 =	sadd.s32 @!p0 $0x88, s6;
	s7 =	simm.s32 @p2 $0x1082  }
0x22: {  	[simem:s7], [sflag:s8] =	dma.local @!p0 [hbm:s6], $0xF7A  }
0x23: {  	s9 =	sor.u32 $0xD0000000, s2;
	s6 =	simm.s32 $0x108;
	_ =	swait.ge @!p0 [sflag:s8], $0x0  }
0x24: {  	s3 =	sadd.s32 $0x88, s3;
	s6 =	simm.s32 @!p1 $0x1082;
	[sflag:s4] =	ssyncset.s32 $0xFFFFF086  }
0x25: {  	[simem:s6], [sflag:s4] =	dma.local [hbm:s3], $0xF7A  }
0x26: {  	[smem:$0x3F9A] =	sst s1;
	(tag) =	ssettag s2;
	_ =	strace s9  }
0x27: {  	s1 =	sld [smem:$0x3FAA]  }
0x28: {  	s2 =	sld [smem:$0x3FAB]  }
0x29: {  	s4 =	sld [smem:$0x3FAD]  }
0x2a: {  	p0 =	seq.s32 s5, $0x0;
	s5 =	sld [smem:$0x3FAE]  }
0x2b: {  	s6 =	sld [smem:$0x3FAF]  }
0x2c: {  	s7 =	sld [smem:$0x3FB0]  }
0x2d: {  	s3 =	simm.s32 $0x108;
	s8 =	sld [smem:$0x3FB1]  }
0x2e: {  	s3 =	simm.s32 @!p0 $0x1082;
	s9 =	sld [smem:$0x3FB2]  }
0x2f: {  	lr =	sadd.s32 s0, s3;
	s0 =	sld [smem:$0x3FA9]  }
0x30: {  	s3 =	sld [smem:$0x3FAC]  }
0x31: {  	[smem:$0x3FB5] =	sst s10  }
0x32: {  	s10 =	sld [smem:$0x3FB3];
	_ =	sdelay $0x3  }
0x33: {  	p0 =	seq.s32 s10, $0x1;
	s10 =	sld [smem:$0x3FB5];
	_ =	sdelay $0x3  }
0x34: {  	[smem:$0x3FB5] =	sst s10  }
0x35: {  	s10 =	sld [smem:$0x3FB4];
	_ =	sdelay $0x3  }
0x36: {  	p1 =	seq.s32 s10, $0x1;
	s10 =	sld [smem:$0x3FB5];
	_ =	sdelay $0x3  }
0x37: {  	[smem:$0x3FB5] =	sst s10  }
0x38: {  	s10 =	sld [smem:$0x3FB6]  }
0x39: {  	_ = 	snop;
	(pc) =	sbr.ind lr, $3  }
0x3a: {  	_ = 	snop  }
0x3b: {  	_ = 	snop  }
0x3c: {  	p2 =	seq.s32 s10, $0x1;
	s10 =	sld [smem:$0x3FB5]  }
0x3d: {  	_ =	shalt  }
0x3e: {  	_ =	shalt  }
0x3f: {  	_ =	shalt  }
0x40: {  	_ =	shalt  }
0x41: {  	_ =	shalt  }
0x42: {  	_ =	shalt  }
0x43: {  	_ =	shalt  }
0x44: {  	_ =	shalt  }
0x45: {  	_ =	shalt  }
0x46: {  	_ =	shalt  }
0x47: {  	_ =	shalt  }
0x48: {  	_ =	shalt  }
0x49: {  	_ =	shalt  }
0x4a: {  	_ =	shalt  }
0x4b: {  	_ =	shalt  }
0x4c: {  	_ =	shalt  }
0x4d: {  	_ =	shalt  }
0x4e: {  	_ =	shalt  }
0x4f: {  	_ =	shalt  }
0x50: {  	_ =	shalt  }
0x51: {  	_ =	shalt  }
0x52: {  	_ =	shalt  }
0x53: {  	_ =	shalt  }
0x54: {  	_ =	shalt  }
0x55: {  	_ =	shalt  }
0x56: {  	_ =	shalt  }
0x57: {  	_ =	shalt  }
0x58: {  	_ =	shalt  }
0x59: {  	_ =	shalt  }
0x5a: {  	_ =	shalt  }
0x5b: {  	_ =	shalt  }
0x5c: {  	_ =	shalt  }
0x5d: {  	_ =	shalt  }
0x5e: {  	_ =	shalt  }
0x5f: {  	_ =	shalt  }
0x60: {  	_ =	shalt  }
0x61: {  	_ =	shalt  }
0x62: {  	_ =	shalt  }
0x63: {  	_ =	shalt  }
0x64: {  	_ =	shalt  }
0x65: {  	_ =	shalt  }
0x66: {  	_ =	shalt  }
0x67: {  	_ =	shalt  }
0x68: {  	_ =	shalt  }
0x69: {  	_ =	shalt  }
0x6a: {  	_ =	shalt  }
0x6b: {  	_ =	shalt  }
0x6c: {  	_ =	shalt  }
0x6d: {  	_ =	shalt  }
0x6e: {  	_ =	shalt  }
0x6f: {  	_ =	shalt  }
0x70: {  	_ =	shalt  }
0x71: {  	_ =	shalt  }
0x72: {  	_ =	shalt  }
0x73: {  	_ =	shalt  }
0x74: {  	_ =	shalt  }
0x75: {  	_ =	shalt  }
0x76: {  	_ =	shalt  }
0x77: {  	_ =	shalt  }
0x78: {  	_ =	shalt  }
0x79: {  	_ =	shalt  }
0x7a: {  	_ =	shalt  }
0x7b: {  	_ =	shalt  }
0x7c: {  	_ =	shalt  }
0x7d: {  	_ =	shalt  }
0x7e: {  	_ =	shalt  }
0x7f: {  	_ =	shalt  }
0x80: {  	_ =	shalt  }
0x81: {  	_ =	shalt  }
0x82: {  	_ =	shalt  }
0x83: {  	_ =	shalt  }
0x84: {  	_ =	shalt  }
0x85: {  	_ =	shalt  }
0x86: {  	_ =	shalt  }
0x87: {  	_ =	shalt  }
.Lfunc_end0:
.L_simem_size_0:
called_computation.2_lowered:
.L_overlay_start_0:
0x88: {  	s2 =	sld [smem:$0x3FD9]  }
0x89: {  	s3 =	sld [smem:$0x3FFE];
	_ =	sdelay $0x1  }
0x8a: {  	s1 =	srdreg.scid  }
0x8b: {  	s0 =	sand.u32 $0x1, s1  }
0x8c: {  	s16 =	sshll.u32 s0, $0xA;
	s2 =	sadd.s32 s3, s2  }
0x8d: {  	s2 =	sadd.s32 s2, s16  }
0x8e: {  	[smem:$0x3FC1] =	sst s2  }
0x8f: {  	_ = 	snop  }
0x90: {  	(tm) =	ssettm $0x1  }
0x91: {  	s17 =	sld [smem:$0x3FFB];
	_ =	sdelay $0x3  }
0x92: {  	_ =	strace s17  }
0x93: {  	s2 =	sld [smem:$0x3FFC];
	_ =	sdelay $0x3  }
0x94: {  	_ =	strace s2  }
0x95: {  	s2 =	sld [smem:$0x3FFD];
	_ =	sdelay $0x3  }
0x96: {  	_ =	strace s2  }
0x97: {  	_ =	strace $0x8FFFFFFF  }
0x98: {  	s18 =	sld [smem:$0x3FDB];
	_ =	sdelay $0x1  }
0x99: {  	s19 =	simm.s32 $_scs_section_size  }
0x9a: {  	s4 =	simm.s32 $_size__tile_overlayer_lowered;
	s5 =	simm.s32 $_tile_overlayer_lowered  }
0x9b: {  	s22 =	simm.s32 $0x1BFF;
	s21 =	sshll.u32 s5, $0x1;
	s2 =	sadd.s32 s19, s18  }
0x9c: {  	s6 =	simm.s32 $0x0;
	s20 =	sshll.u32 s4, $0x1;
	s4 =	sadd.s32 s21, s2  }
0x9d: {  	[timem:s6], [sflag:s22] =	dma.local [hbm:s4], s20  }
0x9e: {  	_ =	swait.ge [sflag:s22], s20  }
0x9f: {  	s3 =	ssub.s32 $0x0, s20;
	[sflag:s22] =	ssyncset.done $0x0  }
0xa0: {  	[sflag:s22] =	ssyncadd.s32 s3;
	_ =	sdelay $0x1  }
0xa1: {  	s23 =	simm.s32 $0x1B8B  }
0xa2: {  	_ =	swait.ge [sflag:s23], $0x1  }
0xa3: {  	[sflag:s23] =	ssyncset.done $0x0  }
0xa4: {  	s25 =	simm.s32 $0x1B8E;
	s24 =	sld [smem:$0x3FFE];
	[sflag:s23] =	ssyncadd.s32 $0xFFFFFFFF  }
0xa5: {  	s26 =	simm.s32 $execute0_lowered;
	[smem:$0x3FD2] =	sst s25  }
0xa6: {  	s4 =	sshll.u32 s26, $0x1;
	_ =	strace $0x80000046;
	[dreg:$0x1] =	wrdreg $0xFFFFFFFF  }
0xa7: {  	s28 =	simm.s32 $_size_execute0_lowered;
	s2 =	sadd.s32 s2, s4;
	[dreg:$0x0] =	wrdreg $0x0  }
0xa8: {  	s4 =	sshll.u32 s28, $0x1;
	[dreg:$0x2] =	wrdreg s2  }
0xa9: {  	[dreg:$0x3] =	wrdreg s4  }
0xaa: {  	[dreg:$0x4] =	wrdreg $0xC0  }
0xab: {  	_ =	task [dreg:s6], $0x5FFFF  }
0xac: {  	[dreg:$0x1] =	wrdreg $0xFFFFFFFF  }
0xad: {  	[dreg:$0x0] =	wrdreg $0x60  }
0xae: {  	[dreg:$0x2] =	wrdreg s24  }
0xaf: {  	[dreg:$0x3] =	wrdreg $0x9  }
0xb0: {  	_ =	task.clear_ibuf [dreg:s6], $0x4FFFF;
	_ =	strace $0x90000046  }
0xb1: {  	s29 =	simm.s32 $0x9;
	_ =	strace $0x80000048  }
0xb2: {  	_ =	swait.ge [sflag:s29], $0x1  }
0xb3: {  	[sflag:s29] =	ssyncadd.s32 $0xFFFFFFFF  }
0xb4: {  	_ =	strace $0x90000048  }
0xb5: {  	_ =	sfence  }
0xb6: {  	s30 =	sld [smem:$0x0];
	_ =	sdelay $0x2  }
0xb7: {  	s31 =	sshll.u32 s1, $0xD;
	s1 =	sshrl.u32 s1, $0x2  }
0xb8: {  	s3 =	sand.u32 $0x4000, s31;
	s1 =	sadd.s32 s1, s30  }
0xb9: {  	s0 =	sor.u32 s3, s0;
	s1 =	sshll.u32 s1, $0x11  }
0xba: {  	s0 =	sor.u32 s1, s0  }
0xbb: {  	s0 =	sadd.s32 $0x8F2B, s0  }
0xbc: {  	[sflag:s0] =	ssyncadd.remote.s32 $0x1  }
0xbd: {  	_ =	sfence.sel $0xFFFF  }
0xbe: {  	[dreg:$0x0] =	wrdreg $0xFFFFFFFF;
	(pc) =	sbr.abs _section_cstart, $3  }
0xbf: {  	[dreg:$0x1] =	wrdreg $0xFFFFFFFF  }
0xc0: {  	_ =	task.clear_ibuf [dreg:s6], $0x2FFFF;
	_ =	strace $0x9FFFFFFF  }
0xc1: {  	(tm) =	ssettm $0x7FFFFFFF  }
tec
execute0_lowered:
.L_overlay_start_1:
0x0: {  	(tag) =	ssettag $0x1  }
0x1: {  	s0 =	rddreg [dreg:$0x0]  }
0x2: {  	s2 =	simm.s32 $0x0;
	s1 =	srdreg.scid;
	s3 =	stileid.u32  }
0x3: {  	s9 =	simm.s32 $0x80;
	s10 =	simm.s32 $0x400;
	s11 =	simm.s32 $0x2  }
0x4: {  	s12 =	simm.s32 $0xC400;
	s13 =	simm.s32 $0x14400;
	s14 =	simm.s32 $0x14C00  }
0x5: {  	s15 =	simm.s32 $0x15480;
	s16 =	simm.s32 $0x15D00;
	s17 =	simm.s32 $0x15D80  }
0x6: {  	s18 =	simm.s32 $0x1;
	s19 =	simm.s32 $0x0;
	s1 =	sand.u32 $0x1, s1  }
.Ltmp0:
0x7: {  	[smem:$0x7FF] =	sst s2;
	s7 =	ssub.s32 $0x2, s1;
	(pc) =	sbr.rel .LBB2_1-.Ltmp0, $4  }
0x8: {  	s4 =	sshll.u32 s3, $0x1;
	s3 =	sadd.s32 $0x1000, s0;
	s30 =	sshrl.u32 s7, $0x1  }
0x9: {  	s5 =	sadd.s32 $0x134200, s0;
	s4 =	sor.u32 s1, s4;
	s31 =	ssub.s32 s7, s30  }
0xa: {  	v0 =	vimm.s32 $0x0;
	v1 =	vlaneseq.u32;
	s6 =	sadd.s32 $0x133400, s0;
	s8 =	sshll.u32 s4, $0x7;
	s0 =	smax.u32 s31, $0x1  }
0xb: {  	v2 =	vimm.s32 $0x1;
	v3 =	vimm.s32 $0x80000000;
	v4 =	vimm.s32 $0x7FFFFFFF;
	_ =	strace $0x80000047;
	s7 =	sand.u32 $0x380, s8;
	[dreg:$0x2] =	wrdreg s0  }
.LBB2_28:
0xc: {  	s19 =	sadd.s32 $0x1, s19;
	s0 =	rddreg [dreg:$0x2]  }
0xd: {  	p0 =	sne.s32 s19, s0  }
.Ltmp1:
0xe: {  	_ = 	snop;
	(pc) =	sbr.rel @!p0 .LBB2_29-.Ltmp1, $1  }
0xf: {  	_ =	sdelay $0x3  }
.LBB2_1:
.Ltmp2:
0x10: {  	(pc) =	sbr.rel .LBB2_2-.Ltmp2, $2  }
0x11: {  	_ =	sdelay $0x2  }
0x12: {  	s20 =	simm.s32 $0x0  }
.LBB2_26:
0x13: {  	v5 =	vld [tilespmem:$0x15D00]  }
0x14: {  	v6 =	vld [tilespmem:$0x15D10]  }
0x15: {  	v7 =	vld [tilespmem:$0x15D20]  }
0x16: {  	v8 =	vld [tilespmem:$0x15D30];
	_ =	sdelay $0x1  }
0x17: {  	v9 =	vshra.s32 v5, $0x1F  }
0x18: {  	v10 =	vshra.s32 v6, $0x1F;
	v9 =	vand.u32 $0x7FFFFFFF, v9  }
0x19: {  	v62 =	vshra.s32 v7, $0x1F;
	v61 =	vand.u32 $0x7FFFFFFF, v10;
	v5 =	vxor.u32 v5, v9  }
0x1a: {  	s0 =	sshll.u32 s21, $0xA;
	v63 =	vshra.s32 v8, $0x1F;
	[tilespmem:$0x15D00] =	vst v5;
	v5 =	vxor.u32 v6, v61;
	v6 =	vand.u32 $0x7FFFFFFF, v62  }
0x1b: {  	s0 =	sor.u32 s7, s0;
	[tilespmem:$0x15D10] =	vst v5;
	v5 =	vxor.u32 v7, v6;
	v6 =	vand.u32 $0x7FFFFFFF, v63  }
0x1c: {  	s0 =	sshrl.u32 s0, $0x3;
	[tilespmem:$0x15D20] =	vst v5;
	v5 =	vxor.u32 v8, v6  }
0x1d: {  	s1 =	sadd.s32 s5, s0;
	[tilespmem:$0x15D30] =	vst v5  }
0x1e: {  	[hbm4b:s1+s2] =	stream.linear.scatter [tilespmem:s16], [sflag:$0x2], $0x80, $0x38;
	[tilespmem:$0x15E00] =	vst v63  }
0x1f: {  	_ =	swait.ge [sflag:s11], $0x80  }
0x20: {  	[sflag:s11] =	ssyncset.done $0x0  }
0x21: {  	s0 =	sadd.s32 s6, s0;
	[sflag:s11] =	ssyncadd.s32 $0xFFFFFF80  }
0x22: {  	[hbm4b:s0+s2] =	stream.linear.scatter [tilespmem:s17], [sflag:$0x1], $0x80, $0x38;
	[tilespmem:$0x15E00] =	vst v63  }
0x23: {  	_ =	swait.ge [sflag:s18], $0x80  }
0x24: {  	[sflag:s18] =	ssyncset.done $0x0  }
0x25: {  	[sflag:s18] =	ssyncadd.s32 $0xFFFFFF80  }
.LBB2_27:
0x26: {  	s20 =	sadd.s32 $0x1, s20  }
0x27: {  	p0 =	sne.s32 s20, $0x7  }
.Ltmp3:
0x28: {  	_ = 	snop;
	(pc) =	sbr.rel @!p0 .LBB2_28-.Ltmp3, $1  }
0x29: {  	_ =	sdelay $0x3  }
.LBB2_2:
0x2a: {  	s0 =	sshll.u32 s20, $0x5  }
0x2b: {  	s0 =	sor.u32 s4, s0  }
0x2c: {  	p0 =	sgt.u32 s0, $0xC3  }
.Ltmp4:
0x2d: {  	_ = 	snop;
	(pc) =	sbr.rel @p0 .LBB2_27-.Ltmp4, $1  }
0x2e: {  	_ =	sdelay $0x3  }
0x2f: {  	s21 =	sshrl.u32 s0, $0x3  }
0x30: {  	s0 =	smul.u32 $0x62000, s21;
	_ =	sdelay $0x1  }
0x31: {  	s0 =	sor.u32 s7, s0  }
0x32: {  	s0 =	sshrl.u32 s0, $0x3  }
0x33: {  	s0 =	sadd.s32 s3, s0  }
0x34: {  	[tilespmem:s2], [sflag:$0x2] =	stream.strided.gather [hbm4b:s0+s9], $0xC400, s10, s9, $0x38;
	[tilespmem:$0x15E00] =	vst v63  }
0x35: {  	_ =	swait.ge [sflag:s11], $0xC400  }
0x36: {  	[sflag:s11] =	ssyncset.done $0x0  }
0x37: {  	s23 =	simm.s32 $0xC480;
	[sflag:s11] =	ssyncadd.s32 $0xFFFF3C00  }
0x38: {  	[tilespmem:s23+$0xFFFFFF80] =	vst v0  }
0x39: {  	[tilespmem:s23+$0x70] =	vst v0  }
0x3a: {  	[tilespmem:s23+$0x60] =	vst v0  }
0x3b: {  	[tilespmem:s23+$0x50] =	vst v0  }
0x3c: {  	[tilespmem:s23+$0x40] =	vst v0  }
0x3d: {  	[tilespmem:s23+$0x30] =	vst v0  }
0x3e: {  	[tilespmem:s23+$0x20] =	vst v0  }
0x3f: {  	[tilespmem:s23+$0x10] =	vst v0  }
0x40: {  	[tilespmem:s23+$0x0] =	vst v0  }
0x41: {  	[tilespmem:s23+$0xFFFFFFF0] =	vst v0  }
0x42: {  	[tilespmem:s23+$0xFFFFFFE0] =	vst v0  }
0x43: {  	[tilespmem:s23+$0xFFFFFFD0] =	vst v0  }
0x44: {  	[tilespmem:s23+$0xFFFFFFC0] =	vst v0  }
0x45: {  	[tilespmem:s23+$0xFFFFFFB0] =	vst v0  }
0x46: {  	s24 =	simm.s32 $0x0;
	[tilespmem:s23+$0xFFFFFFA0] =	vst v0  }
.LBB2_4:
0x47: {  	s24 =	sadd.s32 $0x4, s24;
	[tilespmem:s23+$0xFFFFFF90] =	vst v0;
	s23 =	sadd.s32 $0x100, s23;
	s22 =	simm.s32 $0x14480  }
0x48: {  	[tilespmem:s23+$0xFFFFFF80] =	vst v0;
	p0 =	slt.u32 s24, $0x1FC  }
0x49: {  	[tilespmem:s23+$0x70] =	vst v0  }
0x4a: {  	[tilespmem:s23+$0x60] =	vst v0  }
0x4b: {  	[tilespmem:s23+$0x50] =	vst v0  }
0x4c: {  	[tilespmem:s23+$0x40] =	vst v0  }
0x4d: {  	[tilespmem:s23+$0x30] =	vst v0  }
0x4e: {  	[tilespmem:s23+$0x20] =	vst v0  }
0x4f: {  	[tilespmem:s23+$0x10] =	vst v0  }
0x50: {  	[tilespmem:s23+$0x0] =	vst v0  }
0x51: {  	[tilespmem:s23+$0xFFFFFFF0] =	vst v0  }
.Ltmp5:
0x52: {  	[tilespmem:s23+$0xFFFFFFE0] =	vst v0;
	(pc) =	sbr.rel @p0 .LBB2_4-.Ltmp5, $4  }
0x53: {  	[tilespmem:s23+$0xFFFFFFD0] =	vst v0  }
0x54: {  	[tilespmem:s23+$0xFFFFFFC0] =	vst v0  }
0x55: {  	[tilespmem:s23+$0xFFFFFFB0] =	vst v0  }
0x56: {  	[tilespmem:s23+$0xFFFFFFA0] =	vst v0  }
0x57: {  	[tilespmem:s23+$0xFFFFFF90] =	vst v0  }
0x58: {  	[tilespmem:s22+$0xFFFFFF80] =	vst v0  }
0x59: {  	[tilespmem:s22+$0x70] =	vst v0  }
0x5a: {  	[tilespmem:s22+$0x60] =	vst v0  }
0x5b: {  	[tilespmem:s22+$0x50] =	vst v0  }
0x5c: {  	[tilespmem:s22+$0x40] =	vst v0  }
0x5d: {  	[tilespmem:s22+$0x30] =	vst v0  }
0x5e: {  	[tilespmem:s22+$0x20] =	vst v0  }
0x5f: {  	[tilespmem:s22+$0x10] =	vst v0  }
0x60: {  	[tilespmem:s22+$0x0] =	vst v0  }
0x61: {  	[tilespmem:s22+$0xFFFFFFF0] =	vst v0  }
0x62: {  	[tilespmem:s22+$0xFFFFFFE0] =	vst v0  }
0x63: {  	[tilespmem:s22+$0xFFFFFFD0] =	vst v0  }
0x64: {  	[tilespmem:s22+$0xFFFFFFC0] =	vst v0  }
0x65: {  	[tilespmem:s22+$0xFFFFFFB0] =	vst v0  }
0x66: {  	s24 =	simm.s32 $0x0;
	s23 =	simm.s32 $0x40;
	[tilespmem:s22+$0xFFFFFFA0] =	vst v0  }
.LBB2_6:
0x67: {  	s24 =	sadd.s32 $0x4, s24;
	[tilespmem:s22+$0xFFFFFF90] =	vst v0;
	s22 =	sadd.s32 $0x100, s22  }
0x68: {  	[tilespmem:s22+$0xFFFFFF80] =	vst v0;
	p0 =	slt.u32 s24, $0x1C  }
0x69: {  	[tilespmem:s22+$0x70] =	vst v0  }
0x6a: {  	[tilespmem:s22+$0x60] =	vst v0  }
0x6b: {  	[tilespmem:s22+$0x50] =	vst v0  }
0x6c: {  	[tilespmem:s22+$0x40] =	vst v0  }
0x6d: {  	[tilespmem:s22+$0x30] =	vst v0  }
0x6e: {  	[tilespmem:s22+$0x20] =	vst v0  }
0x6f: {  	[tilespmem:s22+$0x10] =	vst v0  }
0x70: {  	[tilespmem:s22+$0x0] =	vst v0  }
0x71: {  	[tilespmem:s22+$0xFFFFFFF0] =	vst v0  }
.Ltmp6:
0x72: {  	[tilespmem:s22+$0xFFFFFFE0] =	vst v0;
	(pc) =	sbr.rel @p0 .LBB2_6-.Ltmp6, $4  }
0x73: {  	[tilespmem:s22+$0xFFFFFFD0] =	vst v0  }
0x74: {  	[tilespmem:s22+$0xFFFFFFC0] =	vst v0  }
0x75: {  	[tilespmem:s22+$0xFFFFFFB0] =	vst v0  }
0x76: {  	[tilespmem:s22+$0xFFFFFFA0] =	vst v0  }
0x77: {  	[tilespmem:s22+$0xFFFFFF90] =	vst v0  }
0x78: {  	v6 =	vld [tilespmem:s23+$0xFFFFFFC0]  }
0x79: {  	v7 =	vld [tilespmem:s23+$0x0]  }
0x7a: {  	v5 =	vld [tilespmem:s23+$0x30]  }
0x7b: {  	v8 =	vld [tilespmem:s23+$0xFFFFFFD0]  }
0x7c: {  	v14 =	vld [tilespmem:s23+$0xFFFFFFE0];
	_ =	sdelay $0x2  }
0x7d: {  	v10 =	vld [tilespmem:s23+$0x20];
	v9 =	vshra.s32 v5, $0x1F  }
0x7e: {  	v11 =	vshra.s32 v6, $0x1F;
	v12 =	vshra.s32 v8, $0x1F;
	v13 =	vshra.s32 v7, $0x1F  }
0x7f: {  	v19 =	vshra.s32 v14, $0x1F;
	v9 =	vand.u32 $0x7FFFFFFF, v9;
	v11 =	vand.u32 $0x7FFFFFFF, v11  }
0x80: {  	v13 =	vand.u32 $0x7FFFFFFF, v13;
	v12 =	vand.u32 $0x7FFFFFFF, v12;
	v25 =	vand.u32 $0x7FFFFFFF, v19  }
0x81: {  	v15 =	vld [tilespmem:s23+$0x10];
	v5 =	vxor.u32 v5, v9;
	v16 =	vxor.u32 v7, v13;
	v11 =	vxor.u32 v6, v11  }
0x82: {  	v9 =	vshra.s32 v10, $0x1F;
	v13 =	vxor.u32 v8, v12;
	v7 =	vshra.s32 v5, $0x15  }
0x83: {  	v6 =	vshra.s32 v16, $0x15;
	v12 =	vand.u32 $0x7FFFFFFF, v9;
	v24 =	vshra.s32 v13, $0x15  }
0x84: {  	v20 =	vld [tilespmem:s23+$0xFFFFFFF0];
	v17 =	vadd.s32 $0x400, v6;
	v18 =	vadd.s32 $0x400, v7;
	v6 =	vand.u32 $0x70, v6  }
0x85: {  	v19 =	vadd.s32 $0x400, v24;
	v8 =	vshll.u32 v17, $0x4;
	v9 =	vand.u32 $0xFFFFFF80, v18  }
0x86: {  	v23 =	vor.u32 v1, v8;
	v8 =	vand.u32 $0xFFFFFF80, v17;
	v17 =	vshra.s32 v15, $0x1F  }
0x87: {  	v22 =	vand.u32 $0xFFFFFF80, v19;
	v17 =	vand.u32 $0x7FFFFFFF, v17;
	v26 =	vor.u32 v8, v6  }
0x88: {  	v6 =	vxor.u32 v14, v25;
	v14 =	vshll.u32 v18, $0x4;
	v18 =	vshra.s32 v11, $0x15  }
0x89: {  	v25 =	vand.u32 $0x70, v24;
	v8 =	vxor.u32 v15, v17;
	v15 =	vshra.s32 v20, $0x1F  }
0x8a: {  	v27 =	vor.u32 v1, v26;
	v17 =	vxor.u32 v10, v12;
	v10 =	vand.u32 $0x70, v18  }
0x8b: {  	v18 =	vadd.s32 $0x400, v18;
	v21 =	vshra.s32 v8, $0x15;
	v26 =	vand.u32 $0x7FFFFFFF, v15  }
0x8c: {  	[tilespmem:s23+$0x0] =	vst v16;
	v12 =	vshra.s32 v17, $0x15;
	v16 =	vshll.u32 v18, $0x4;
	v29 =	vand.u32 $0xFFFFFF80, v18  }
0x8d: {  	v15 =	vand.u32 $0x70, v21;
	v20 =	vxor.u32 v20, v26;
	v28 =	vadd.s32 $0x400, v12  }
0x8e: {  	v10 =	vor.u32 v29, v10;
	v24 =	vshra.s32 v20, $0x15;
	v26 =	vshll.u32 v28, $0x4;
	[tilespmem:v23+s12+$0x0] =	vst.idx.add.s32.msk $0xffff, v2  }
0x8f: {  	s26 =	simm.s32 $0x0;
	v10 =	vor.u32 v1, v10;
	v18 =	vor.u32 v1, v26;
	v26 =	vor.u32 v1, v16  }
0x90: {  	s28 =	simm.s32 $0xC0;
	s24 =	simm.s32 $0x7F;
	s25 =	simm.s32 $0x14BF0;
	v23 =	vand.u32 $0x70, v24;
	v24 =	vadd.s32 $0x400, v24;
	v16 =	vand.u32 $0xFFFFFF80, v28;
	[tilespmem:v27+s13+$0x0] =	vst.idx.add.s32.msk $0xffff, v2  }
.LBB2_8:
0x91: {  	v27 =	vld [tilespmem:s28+$0xFFFFFFC0];
	s26 =	sadd.s32 $0x8, s26;
	v19 =	vshll.u32 v19, $0x4;
	v22 =	vor.u32 v22, v25;
	v21 =	vadd.s32 $0x400, v21;
	s22 =	simm.s32 $0xFFFFFFFF  }
0x92: {  	v25 =	vld [tilespmem:s28+$0xFFFFFFE0];
	p0 =	slt.u32 s26, $0xC38;
	[tilespmem:s23+$0xFFFFFFD0] =	vst v13;
	v13 =	vor.u32 v1, v19;
	v19 =	vor.u32 v1, v22;
	v22 =	vshll.u32 v21, $0x4  }
0x93: {  	v21 =	vand.u32 $0xFFFFFF80, v21;
	v28 =	vld [tilespmem:s28+$0x0];
	[tilespmem:s23+$0xFFFFFFC0] =	vst v11;
	v11 =	vshll.u32 v24, $0x4;
	v24 =	vand.u32 $0xFFFFFF80, v24  }
0x94: {  	v7 =	vand.u32 $0x70, v7;
	[tilespmem:v26+s12+$0x0] =	vst.idx.add.s32.msk $0xffff, v2;
	v11 =	vor.u32 v1, v11;
	v23 =	vor.u32 v24, v23  }
0x95: {  	v15 =	vor.u32 v21, v15;
	v26 =	vshra.s32 v6, $0x15;
	v24 =	vld [tilespmem:s28+$0x30];
	v23 =	vor.u32 v1, v23;
	[tilespmem:s23+$0x20] =	vst v17  }
0x96: {  	v14 =	vor.u32 v1, v14;
	v7 =	vor.u32 v9, v7;
	v15 =	vor.u32 v1, v15;
	v17 =	vld [tilespmem:s28+$0xFFFFFFD0];
	[tilespmem:s23+$0xFFFFFFF0] =	vst v20  }
0x97: {  	v9 =	vadd.s32 $0x400, v26;
	v20 =	vor.u32 v1, v7;
	[tilespmem:v13+s12+$0x0] =	vst.idx.add.s32.msk $0xffff, v2;
	v13 =	vor.u32 v1, v22  }
0x98: {  	v7 =	vshll.u32 v9, $0x4;
	v9 =	vand.u32 $0xFFFFFF80, v9;
	[tilespmem:v19+s13+$0x0] =	vst.idx.add.s32.msk $0xffff, v2;
	v19 =	vand.u32 $0x70, v26  }
0x99: {  	v21 =	vor.u32 v1, v7;
	v7 =	vor.u32 v9, v19;
	[tilespmem:v18+s12+$0x0] =	vst.idx.add.s32.msk $0xffff, v2;
	v9 =	vand.u32 $0x70, v12  }
0x9a: {  	v18 =	vld [tilespmem:s28+$0xFFFFFFF0];
	v12 =	vshra.s32 v24, $0x1F;
	v26 =	vor.u32 v1, v7;
	v7 =	vor.u32 v16, v9;
	[tilespmem:s23+$0x30] =	vst v5  }
0x9b: {  	v5 =	vshra.s32 v27, $0x1F;
	v9 =	vshra.s32 v17, $0x1F;
	v16 =	vld [tilespmem:s28+$0x20];
	v12 =	vand.u32 $0x7FFFFFFF, v12;
	[tilespmem:s23+$0x10] =	vst v8  }
0x9c: {  	v8 =	vand.u32 $0x7FFFFFFF, v5;
	v5 =	vshra.s32 v28, $0x1F;
	v29 =	vor.u32 v1, v7;
	[tilespmem:v13+s12+$0x0] =	vst.idx.add.s32.msk $0xffff, v2  }
0x9d: {  	v9 =	vand.u32 $0x7FFFFFFF, v9;
	v7 =	vand.u32 $0x7FFFFFFF, v5;
	v5 =	vxor.u32 v24, v12;
	[tilespmem:v11+s12+$0x0] =	vst.idx.add.s32.msk $0xffff, v2  }
0x9e: {  	v11 =	vxor.u32 v27, v8;
	v8 =	vxor.u32 v28, v7;
	v7 =	vshra.s32 v5, $0x15;
	v12 =	vld [tilespmem:s28+$0x10];
	[tilespmem:s23+$0xFFFFFFE0] =	vst v6;
	s23 =	smov.u32 s28  }
0x9f: {  	v6 =	vshra.s32 v8, $0x15;
	[tilespmem:s28+$0x0] =	vst v8  }
0xa0: {  	v24 =	vadd.s32 $0x400, v7;
	v8 =	vadd.s32 $0x400, v6;
	v19 =	vshra.s32 v16, $0x1F;
	[tilespmem:v14+s12+$0x0] =	vst.idx.add.s32.msk $0xffff, v2  }
0xa1: {  	v13 =	vxor.u32 v17, v9;
	v9 =	vshll.u32 v8, $0x4;
	v17 =	vand.u32 $0x7FFFFFFF, v19;
	[tilespmem:v21+s12+$0x0] =	vst.idx.add.s32.msk $0xffff, v2  }
0xa2: {  	v14 =	vshra.s32 v25, $0x1F;
	v27 =	vor.u32 v1, v9;
	v9 =	vand.u32 $0xFFFFFF80, v24;
	[tilespmem:v20+s13+$0x0] =	vst.idx.add.s32.msk $0xffff, v2  }
0xa3: {  	v8 =	vand.u32 $0xFFFFFF80, v8;
	v20 =	vshra.s32 v13, $0x15;
	v19 =	vshra.s32 v12, $0x1F;
	[tilespmem:v10+s13+$0x0] =	vst.idx.add.s32.msk $0xffff, v2  }
0xa4: {  	v6 =	vand.u32 $0x70, v6;
	v10 =	vand.u32 $0x7FFFFFFF, v14;
	v14 =	vand.u32 $0x7FFFFFFF, v19;
	[tilespmem:v23+s13+$0x0] =	vst.idx.add.s32.msk $0xffff, v2  }
0xa5: {  	v19 =	vadd.s32 $0x400, v20;
	v23 =	vor.u32 v8, v6;
	v8 =	vxor.u32 v12, v14;
	[tilespmem:v15+s13+$0x0] =	vst.idx.add.s32.msk $0xffff, v2  }
0xa6: {  	v22 =	vand.u32 $0xFFFFFF80, v19;
	v12 =	vshra.s32 v18, $0x1F;
	v21 =	vshra.s32 v8, $0x15;
	[tilespmem:v29+s13+$0x0] =	vst.idx.add.s32.msk $0xffff, v2  }
0xa7: {  	v6 =	vxor.u32 v25, v10;
	v10 =	vor.u32 v1, v23;
	v14 =	vshll.u32 v24, $0x4;
	[tilespmem:v26+s13+$0x0] =	vst.idx.add.s32.msk $0xffff, v2  }
0xa8: {  	v17 =	vxor.u32 v16, v17;
	v23 =	vshra.s32 v11, $0x15;
	v24 =	vand.u32 $0x7FFFFFFF, v12;
	[tilespmem:v27+s12+$0x0] =	vst.idx.add.s32.msk $0xffff, v2  }
0xa9: {  	v16 =	vand.u32 $0x70, v23;
	v12 =	vshra.s32 v17, $0x15;
	v15 =	vand.u32 $0x70, v21  }
.Ltmp7:
0xaa: {  	v25 =	vand.u32 $0x70, v20;
	v20 =	vxor.u32 v18, v24;
	v27 =	vadd.s32 $0x400, v12;
	(pc) =	sbr.rel @p0 .LBB2_8-.Ltmp7, $4  }
0xab: {  	v18 =	vadd.s32 $0x400, v23;
	v24 =	vshra.s32 v20, $0x15;
	v23 =	vshll.u32 v27, $0x4  }
0xac: {  	v26 =	vshll.u32 v18, $0x4;
	v28 =	vand.u32 $0xFFFFFF80, v18;
	v18 =	vor.u32 v1, v23;
	[tilespmem:v10+s13+$0x0] =	vst.idx.add.s32.msk $0xffff, v2  }
0xad: {  	v26 =	vor.u32 v1, v26;
	v23 =	vand.u32 $0x70, v24;
	v10 =	vor.u32 v28, v16  }
0xae: {  	s28 =	sadd.s32 $0x80, s28;
	v24 =	vadd.s32 $0x400, v24;
	v16 =	vand.u32 $0xFFFFFF80, v27;
	v10 =	vor.u32 v1, v10  }
0xaf: {  	[tilespmem:s23+$0xFFFFFFD0] =	vst v13  }
0xb0: {  	[tilespmem:s23+$0xFFFFFFC0] =	vst v11  }
0xb1: {  	[tilespmem:s23+$0x20] =	vst v17  }
0xb2: {  	[tilespmem:s23+$0xFFFFFFF0] =	vst v20  }
0xb3: {  	[tilespmem:s23+$0x30] =	vst v5  }
0xb4: {  	v19 =	vshll.u32 v19, $0x4;
	v22 =	vor.u32 v22, v25;
	v14 =	vor.u32 v1, v14;
	[tilespmem:s23+$0x10] =	vst v8  }
0xb5: {  	v52 =	vadd.s32 $0x400, v21;
	v54 =	vshll.u32 v24, $0x4;
	[tilespmem:s23+$0xFFFFFFE0] =	vst v6;
	v50 =	vor.u32 v1, v19  }
0xb6: {  	v57 =	vshra.s32 v6, $0x15;
	v7 =	vand.u32 $0x70, v7;
	[tilespmem:v26+s12+$0x0] =	vst.idx.add.s32.msk $0xffff, v2;
	v56 =	vor.u32 v1, v54  }
0xb7: {  	v60 =	vand.u32 $0xFFFFFF80, v24;
	v51 =	vor.u32 v1, v22;
	v53 =	vshll.u32 v52, $0x4;
	[tilespmem:v18+s12+$0x0] =	vst.idx.add.s32.msk $0xffff, v2  }
0xb8: {  	v62 =	vand.u32 $0x70, v12;
	v5 =	vor.u32 v9, v7;
	v55 =	vor.u32 v1, v53;
	[tilespmem:v10+s13+$0x0] =	vst.idx.add.s32.msk $0xffff, v2  }
0xb9: {  	v58 =	vadd.s32 $0x400, v57;
	v8 =	vor.u32 v60, v23;
	v5 =	vor.u32 v1, v5;
	[tilespmem:v14+s12+$0x0] =	vst.idx.add.s32.msk $0xffff, v2  }
0xba: {  	v61 =	vand.u32 $0xFFFFFF80, v52;
	v11 =	vor.u32 v16, v62;
	v8 =	vor.u32 v1, v8;
	[tilespmem:v50+s12+$0x0] =	vst.idx.add.s32.msk $0xffff, v2  }
0xbb: {  	v6 =	vand.u32 $0x70, v57;
	v59 =	vshll.u32 v58, $0x4;
	v11 =	vor.u32 v1, v11;
	[tilespmem:v56+s12+$0x0] =	vst.idx.add.s32.msk $0xffff, v2  }
0xbc: {  	v9 =	vor.u32 v61, v15;
	v63 =	vand.u32 $0xFFFFFF80, v58;
	v7 =	vor.u32 v1, v59;
	[tilespmem:v51+s13+$0x0] =	vst.idx.add.s32.msk $0xffff, v2  }
0xbd: {  	v9 =	vor.u32 v1, v9;
	v6 =	vor.u32 v63, v6;
	[tilespmem:v55+s12+$0x0] =	vst.idx.add.s32.msk $0xffff, v2  }
0xbe: {  	v6 =	vor.u32 v1, v6;
	[tilespmem:v5+s13+$0x0] =	vst.idx.add.s32.msk $0xffff, v2  }
0xbf: {  	[tilespmem:v8+s13+$0x0] =	vst.idx.add.s32.msk $0xffff, v2  }
0xc0: {  	[tilespmem:v11+s13+$0x0] =	vst.idx.add.s32.msk $0xffff, v2  }
0xc1: {  	[tilespmem:v7+s12+$0x0] =	vst.idx.add.s32.msk $0xffff, v2  }
0xc2: {  	[tilespmem:v9+s13+$0x0] =	vst.idx.add.s32.msk $0xffff, v2  }
0xc3: {  	[tilespmem:v6+s13+$0x0] =	vst.idx.add.s32.msk $0xffff, v2  }
0xc4: {  	v5 =	vld [tilespmem:s25+$0x0];
	_ =	sdelay $0x4  }
0xc5: {  	(xrf0) =	vadd.scan.msk.s32 $0xffff, v5;
	_ =	sdelay $0x5  }
0xc6: {  	v5, _, _ =	vpop (xrf0)  }
0xc7: {  	(v2sf) =	vpush v5, $0xF;
	_ =	sdelay $0x1  }
0xc8: {  	s0 =	simm.s32 $0x14BE0  }
0xc9: {  	v5 =	vld [tilespmem:s0+$0x0];
	_ =	sdelay $0x2  }
0xca: {  	s8 =	simm.s32 $0x14BD0  }
0xcb: {  	v6 =	vld [tilespmem:s8+$0x0]  }
0xcc: {  	(xrf0) =	vadd.scan.msk.s32 $0xffff, v5;
	_ =	sdelay $0x3  }
0xcd: {  	(xrf0) =	vadd.scan.msk.s32 $0xffff, v6;
	_ =	sdelay $0x1  }
0xce: {  	v6, _, _ =	vpop (xrf0)  }
0xcf: {  	s26 =	spop (v2sf);
	(v2sf) =	vpush v6, $0xF  }
0xd0: {  	s25 =	simm.s32 $0x14BC0  }
0xd1: {  	v5 =	vld [tilespmem:s25+$0x0]  }
0xd2: {  	v6, _, _ =	vpop (xrf0)  }
0xd3: {  	(v2sf) =	vpush v6, $0xF;
	_ =	sdelay $0x2  }
0xd4: {  	s23 =	simm.s32 $0x0;
	(xrf0) =	vadd.scan.msk.s32 $0xffff, v5  }
0xd5: {  	s30 =	simm.s32 $0x7E;
	s0 =	simm.s32 $0x14BB0;
	s26 =	sadd.s32 $0x0, s26  }
0xd6: {  	s29 =	simm.s32 $0x7D;
	p0 =	por $0x1, $0x1;
	v5 =	vld [tilespmem:s0+$0x0];
	p1 =	sgt.s32 s26, $0x3F  }
0xd7: {  	s28 =	simm.s32 $0x7C;
	s1 =	simm.s32 $0x7A;
	p0 =	por !p0, !p1  }
0xd8: {  	s31 =	simm.s32 $0x0;
	s25 =	simm.s32 $0x7B;
	p0 =	por !p0, !p0  }
.LBB2_10:
0xd9: {  	p1 =	seq.s32 s1, $0x0;
	s22 =	smov.u32 @p0 s24;
	s23 =	smov.u32 @p0 s31  }
0xda: {  	v6, _, _ =	vpop (xrf0);
	s24 =	smov.u32 s30;
	s30 =	smov.u32 s29;
	s29 =	smov.u32 s28  }
0xdb: {  	s28 =	smov.u32 s25;
	s25 =	smov.u32 s1;
	s1 =	sadd.s32 $0xFFFFFFFF, s1;
	(xrf0) =	vadd.scan.msk.s32 $0xffff, v5;
	(v2sf) =	vpush v6, $0xF  }
.Ltmp8:
0xdc: {  	s0 =	sadd.s32 $0xFFFFFFF0, s0;
	s8 =	spop (v2sf);
	(pc) =	sbr.rel @!p1 .LBB2_10-.Ltmp8, $4  }
0xdd: {  	s31 =	smov.u32 s26;
	v5 =	vld [tilespmem:s0+$0x0];
	s26 =	sadd.s32 s26, s8  }
0xde: {  	p0 =	slt.s32 s22, $0x0;
	p2 =	sgt.s32 s26, $0x3F  }
0xdf: {  	p0 =	por !p0, !p2  }
0xe0: {  	p0 =	por !p0, !p0  }
0xe1: {  	_ = 	snop  }
0xe2: {  	(xrf0) =	vadd.scan.msk.s32 $0xffff, v5;
	_ =	sdelay $0x1  }
0xe3: {  	v5, _, _ =	vpop (xrf0)  }
0xe4: {  	(v2sf) =	vpush v5, $0xF;
	_ =	sdelay $0x2  }
0xe5: {  	v5, _, _ =	vpop (xrf0)  }
0xe6: {  	(v2sf) =	vpush v5, $0xF;
	_ =	sdelay $0x2  }
0xe7: {  	s0 =	spop (v2sf)  }
0xe8: {  	s22 =	smov.u32 @p0 s24;
	s0 =	sadd.s32 s26, s0  }
0xe9: {  	p1 =	slt.s32 s22, $0x0;
	p2 =	sgt.s32 s0, $0x3F  }
0xea: {  	p1 =	por !p1, !p2  }
0xeb: {  	p1 =	por !p1, !p1;
	s1 =	spop (v2sf)  }
0xec: {  	s22 =	smov.u32 @p1 s30;
	s1 =	sadd.s32 s0, s1  }
0xed: {  	p5 =	slt.s32 s22, $0x0;
	p3 =	sgt.s32 s1, $0x3F  }
0xee: {  	p2 =	por !p5, !p3  }
0xef: {  	p2 =	por !p2, !p2;
	s8 =	spop (v2sf)  }
0xf0: {  	s22 =	smov.u32 @p2 s29;
	s8 =	sadd.s32 s1, s8  }
0xf1: {  	p6 =	slt.s32 s22, $0x0;
	p4 =	sgt.s32 s8, $0x3F  }
0xf2: {  	p3 =	por !p6, !p4  }
0xf3: {  	p3 =	por !p3, !p3;
	s30 =	spop (v2sf)  }
0xf4: {  	s22 =	smov.u32 @p3 s28;
	s24 =	sadd.s32 s8, s30  }
0xf5: {  	p5 =	slt.s32 s22, $0x0;
	p6 =	sgt.s32 s24, $0x3F  }
0xf6: {  	s23 =	smov.u32 @p0 s31;
	p0 =	por !p5, !p6  }
0xf7: {  	s23 =	smov.u32 @p1 s26;
	p0 =	por !p0, !p0  }
0xf8: {  	s23 =	smov.u32 @p2 s0;
	s22 =	smov.u32 @p0 s25  }
0xf9: {  	s23 =	smov.u32 @p3 s1;
	s1 =	sshll.u32 s22, $0xA  }
0xfa: {  	s0 =	sshra.s32 s1, $0x2  }
0xfb: {  	s0 =	sadd.s32 $0xC400, s0  }
0xfc: {  	v5 =	vmov s0;
	_ =	sdelay $0x3  }
0xfd: {  	s23 =	smov.u32 @p0 s8;
	s8 =	simm.s32 $0xF0  }
0xfe: {  	v6 =	vld.idx.msk [tilespmem:v5+s8+$0x0 ss:$0x1], $0xffff;
	_ =	sdelay $0x4  }
0xff: {  	(xrf0) =	vadd.scan.msk.s32 $0xffff, v6;
	_ =	sdelay $0x5  }
0x100: {  	s25 =	simm.s32 $0xE0;
	v6, _, _ =	vpop (xrf0)  }
0x101: {  	(v2sf) =	vpush v6, $0xF;
	v6 =	vld.idx.msk [tilespmem:v5+s25+$0x0 ss:$0x1], $0xffff;
	_ =	sdelay $0x1  }
0x102: {  	s26 =	simm.s32 $0xD0  }
0x103: {  	s28 =	simm.s32 $0xC0;
	v7 =	vld.idx.msk [tilespmem:v5+s26+$0x0 ss:$0x1], $0xffff  }
0x104: {  	v8 =	vld.idx.msk [tilespmem:v5+s28+$0x0 ss:$0x1], $0xffff  }
0x105: {  	(xrf0) =	vadd.scan.msk.s32 $0xffff, v6;
	_ =	sdelay $0x2  }
0x106: {  	(xrf0) =	vadd.scan.msk.s32 $0xffff, v7  }
0x107: {  	(xrf0) =	vadd.scan.msk.s32 $0xffff, v8;
	_ =	sdelay $0x1  }
0x108: {  	v7, _, _ =	vpop (xrf0)  }
0x109: {  	(v2sf) =	vpush v7, $0xF;
	_ =	sdelay $0x1  }
0x10a: {  	v7, _, _ =	vpop (xrf0)  }
0x10b: {  	(v2sf) =	vpush v7, $0xF;
	v7, _, _ =	vpop (xrf0)  }
0x10c: {  	s30 =	spop (v2sf);
	(v2sf) =	vpush v7, $0xF;
	_ =	sdelay $0x1  }
0x10d: {  	s29 =	simm.s32 $0xB0  }
0x10e: {  	v6 =	vld.idx.msk [tilespmem:v5+s29+$0x0 ss:$0x1], $0xffff;
	_ =	sdelay $0x2  }
0x10f: {  	s31 =	simm.s32 $0xA0;
	s23 =	sadd.s32 s23, s30  }
0x110: {  	s24 =	sshllo.u32 s22, $0x4;
	s1 =	simm.s32 $0xFFFFFFFF;
	p0 =	sgt.s32 s23, $0x3F  }
0x111: {  	p1 =	por $0x1, $0x1;
	s22 =	simm.s32 $0xFFFFFFFF;
	(xrf0) =	vadd.scan.msk.s32 $0xffff, v6;
	v6 =	vld.idx.msk [tilespmem:v5+s31+$0x0 ss:$0x1], $0xffff;
	s1 =	smov.u32 @p0 s24  }
0x112: {  	s0 =	simm.s32 $0x240;
	s22 =	smov.u32 @p1 s1  }
.LBB2_12:
0x113: {  	p0 =	sne.s32 s0, $0x0  }
.Ltmp9:
0x114: {  	s1 =	sshra.s32 s0, $0x2;
	s8 =	spop (v2sf);
	(pc) =	sbr.rel @p0 .LBB2_12-.Ltmp9, $4  }
0x115: {  	s0 =	sadd.s32 $0xFFFFFFC0, s0;
	s23 =	sadd.s32 s23, s8  }
0x116: {  	s24 =	sadd.s32 $0xFFFFFFFF, s24;
	(xrf0) =	vadd.scan.msk.s32 $0xffff, v6;
	v6 =	vld.idx.msk [tilespmem:v5+s1+$0x0 ss:$0x1], $0xffff;
	p1 =	sgt.s32 s23, $0x3F;
	s1 =	smov.u32 s22;
	v7, _, _ =	vpop (xrf0)  }
0x117: {  	p2 =	slt.s32 s22, $0x0;
	s1 =	smov.u32 @p1 s24;
	(v2sf) =	vpush v7, $0xF  }
0x118: {  	s22 =	smov.u32 @p2 s1  }
0x119: {  	_ =	sdelay $0x1  }
0x11a: {  	(xrf0) =	vadd.scan.msk.s32 $0xffff, v6;
	_ =	sdelay $0x2  }
0x11b: {  	v5, _, _ =	vpop (xrf0)  }
0x11c: {  	(v2sf) =	vpush v5, $0xF;
	_ =	sdelay $0x1  }
0x11d: {  	v5, _, _ =	vpop (xrf0)  }
0x11e: {  	(v2sf) =	vpush v5, $0xF;
	_ =	sdelay $0x2  }
0x11f: {  	s0 =	spop (v2sf)  }
0x120: {  	s0 =	sadd.s32 s23, s0  }
0x121: {  	s1 =	sadd.s32 $0xFFFFFFFF, s24;
	s8 =	smov.u32 s22;
	p0 =	sgt.s32 s0, $0x3F  }
0x122: {  	p1 =	slt.s32 s22, $0x0;
	s28 =	spop (v2sf);
	s8 =	smov.u32 @p0 s1  }
0x123: {  	s0 =	sadd.s32 s0, s28;
	s22 =	smov.u32 @p1 s8  }
0x124: {  	p0 =	sgt.s32 s0, $0x3F;
	s1 =	sadd.s32 $0xFFFFFFFF, s1;
	s8 =	smov.u32 s22  }
0x125: {  	p1 =	slt.s32 s22, $0x0;
	s8 =	smov.u32 @p0 s1;
	s29 =	spop (v2sf)  }
0x126: {  	s22 =	smov.u32 @p1 s8;
	s0 =	sadd.s32 s0, s29  }
0x127: {  	s1 =	sadd.s32 $0xFFFFFFFF, s1;
	s8 =	smov.u32 s22;
	p0 =	sgt.s32 s0, $0x3F  }
0x128: {  	p1 =	slt.s32 s22, $0x0;
	s8 =	smov.u32 @p0 s1;
	s30 =	spop (v2sf)  }
0x129: {  	s22 =	smov.u32 @p1 s8;
	s0 =	sadd.s32 s0, s30  }
0x12a: {  	s1 =	sadd.s32 $0xFFFFFFFF, s1;
	s8 =	smov.u32 s22;
	p0 =	sgt.s32 s0, $0x3F  }
0x12b: {  	p1 =	slt.s32 s22, $0x0;
	s8 =	smov.u32 @p0 s1;
	s31 =	spop (v2sf)  }
0x12c: {  	s24 =	simm.s32 $0x40;
	s22 =	smov.u32 @p1 s8;
	s0 =	sadd.s32 s0, s31  }
0x12d: {  	v10 =	vld [tilespmem:s24+$0xFFFFFFC0];
	p0 =	sgt.s32 s0, $0x3F;
	s0 =	sadd.s32 $0xFFFFFFFF, s1;
	s1 =	smov.u32 s22  }
0x12e: {  	v11 =	vld [tilespmem:s24+$0xFFFFFFD0];
	p1 =	slt.s32 s22, $0x0;
	s1 =	smov.u32 @p0 s0  }
0x12f: {  	v21 =	vld [tilespmem:s24+$0xFFFFFFE0];
	s22 =	smov.u32 @p1 s1  }
0x130: {  	v27 =	vld [tilespmem:s24+$0xFFFFFFF0];
	s25 =	sshll.u32 s22, $0x15  }
0x131: {  	s0 =	sxor.u32 $0x80000000, s25  }
0x132: {  	v8 =	vld [tilespmem:s24+$0x10];
	v6 =	vmov s0  }
0x133: {  	v9 =	vimm.s32 $0x0;
	v5 =	vld [tilespmem:s24+$0x0];
	vm6 =	vge.s32 v10, v6  }
0x134: {  	v7 =	vld [tilespmem:s24+$0x20];
	vm7 =	vge.s32 v11, v6;
	vm1 =	vge.s32 v21, v6;
	v13 =	vmpcnt.ones.xlane vm6  }
0x135: {  	vm0 =	vge.s32 v27, v6;
	v12 =	vsel vm6, $0x1, v0;
	v15 =	vmpcnt.ones.xlane vm7  }
0x136: {  	v14 =	vsel vm7, $0x1, v0;
	(xrf0) =	vadd.scan.msk.s32 $0xffff, v12;
	v12 =	vadd.s32 v9, v13;
	v13 =	vmpcnt.ones.xlane vm1  }
0x137: {  	(xrf0) =	vadd.scan.msk.s32 $0xffff, v14;
	v14 =	vadd.s32 v12, v15;
	v15 =	vmpcnt.ones.xlane vm0  }
0x138: {  	vm4 =	vge.s32 v5, v6;
	vm2 =	vge.s32 v8, v6;
	v13 =	vadd.s32 v14, v13  }
0x139: {  	v23 =	vld [tilespmem:s24+$0x30];
	vm3 =	vge.s32 v7, v6;
	v17 =	vadd.s32 v13, v15;
	v15 =	vmpcnt.ones.xlane vm2  }
0x13a: {  	s28 =	simm.s32 $0x10;
	s29 =	simm.s32 $0x20;
	v16 =	vmpcnt.ones.xlane vm4;
	v18 =	vsel vm1, $0x1, v0;
	v19 =	vmpcnt.ones.xlane vm3  }
0x13b: {  	v29 =	vor.u32 s28, v1;
	v31 =	vor.u32 s29, v1;
	s30 =	simm.s32 $0x30;
	v20 =	vsel vm0, $0x1, v0;
	(xrf0) =	vadd.scan.msk.s32 $0xffff, v18  }
0x13c: {  	v28 =	vor.u32 s30, v1;
	s22 =	simm.s32 $0x70;
	v22 =	vsel vm4, $0x1, v0;
	(xrf0) =	vadd.scan.msk.s32 $0xffff, v20;
	v16 =	vadd.s32 v17, v16  }
0x13d: {  	v30 =	vor.u32 s22, v1;
	v25 =	vsel vm2, $0x1, v0;
	(xrf0) =	vadd.scan.msk.s32 $0xffff, v22;
	v18 =	vadd.s32 v16, v15;
	v15, _, _ =	vpop (xrf0)  }
0x13e: {  	vm5 =	vge.s32 v23, v6;
	(xrf0) =	vadd.scan.msk.s32 $0xffff, v25;
	v24 =	vadd.s32 v18, v19;
	v19, _, _ =	vpop (xrf0);
	v9 =	vadd.s32 v15, v9  }
0x13f: {  	s26 =	simm.s32 $0x0;
	v20 =	vmpcnt.ones.xlane vm5;
	v22 =	vsel vm3, $0x1, v0;
	v12 =	vadd.s32 v19, v12  }
0x140: {  	(xrf0) =	vadd.scan.msk.s32 $0xffff, v22;
	v22 =	vor.u32 s26, v1;
	v19 =	vsel vm5, $0x1, v0;
	v25 =	vadd.s32 $0xFFFFFFFF, v9  }
0x141: {  	v15 =	vadd.s32 v24, v20;
	v26 =	vadd.s32 $0xFFFFFFFF, v12;
	vm8 =	vlt.s32 v25, $0x800;
	(xrf0) =	vadd.scan.msk.s32 $0xffff, v19;
	v9, _, _ =	vpop (xrf0)  }
0x142: {  	vm9 =	vlt.s32 v26, $0x800;
	vm6 =	vmand vm6, vm8;
	v9 =	vadd.s32 v9, v14;
	v12, _, _ =	vpop (xrf0)  }
0x143: {  	vm8 =	vmand vm7, vm9;
	v33 =	vadd.s32 $0xFFFFFFFF, v9;
	v9 =	vadd.s32 v12, v13;
	v12, _, _ =	vpop (xrf0)  }
0x144: {  	s23 =	simm.s32 $0xC0;
	vm7 =	vlt.s32 v33, $0x800;
	v19 =	vadd.s32 $0xFFFFFFFF, v9;
	v9 =	vadd.s32 v12, v17;
	v12, _, _ =	vpop (xrf0)  }
0x145: {  	v20 =	vld [tilespmem:s23+$0xFFFFFFF0];
	vm9 =	vlt.s32 v19, $0x800;
	v17 =	vadd.s32 $0xFFFFFFFF, v9;
	v12 =	vadd.s32 v12, v16  }
0x146: {  	v13, _, _ =	vpop (xrf0);
	v9 =	vld [tilespmem:s23+$0xFFFFFFC0];
	vm12 =	vmand vm1, vm7;
	vm10 =	vlt.s32 v17, $0x800;
	v16 =	vadd.s32 $0xFFFFFFFF, v12  }
0x147: {  	v13 =	vadd.s32 v13, v18;
	v18, _, _ =	vpop (xrf0);
	v12 =	vld [tilespmem:s23+$0xFFFFFFD0];
	vm9 =	vmand vm0, vm9;
	vm11 =	vlt.s32 v16, $0x800  }
0x148: {  	s31 =	simm.s32 $0x40;
	v14 =	vadd.s32 $0xFFFFFFFF, v13;
	v18 =	vadd.s32 v18, v24;
	v13 =	vld [tilespmem:s23+$0xFFFFFFE0];
	vm7 =	vmand vm4, vm10  }
0x149: {  	[tilespmem:v25+s14+$0x0] =	vst.idx.msk vm6, v10;
	v24 =	vor.u32 s31, v1;
	vm1 =	vlt.s32 v14, $0x800;
	v34 =	vadd.s32 $0xFFFFFFFF, v18  }
0x14a: {  	[tilespmem:v25+s15+$0x0] =	vst.idx.msk vm6, v22;
	v18 =	vld [tilespmem:s23+$0x0];
	vm6 =	vmand vm2, vm11;
	vm2 =	vge.s32 v20, v6;
	vm0 =	vlt.s32 v34, $0x800  }
0x14b: {  	v10 =	vld [tilespmem:s23+$0x10];
	[tilespmem:v26+s14+$0x0] =	vst.idx.msk vm8, v11;
	vm3 =	vmand vm3, vm1;
	vm13 =	vmand vm5, vm0;
	vm10 =	vge.s32 v9, v6  }
0x14c: {  	v11 =	vld [tilespmem:s23+$0x20];
	[tilespmem:v26+s15+$0x0] =	vst.idx.msk vm8, v29;
	v61 =	vmpcnt.ones.xlane vm2;
	v26 =	vmpcnt.ones.xlane vm10;
	vm11 =	vge.s32 v12, v6  }
0x14d: {  	v22 =	vld [tilespmem:s23+$0x30];
	v25 =	vsel vm10, $0x1, v0;
	v35 =	vmpcnt.ones.xlane vm11;
	vm5 =	vge.s32 v13, v6  }
0x14e: {  	v29 =	vsel vm11, $0x1, v0;
	(xrf0) =	vadd.scan.msk.s32 $0xffff, v25;
	v32 =	vadd.s32 v15, v26;
	v25 =	vmpcnt.ones.xlane vm5  }
0x14f: {  	v38 =	vsel vm2, $0x1, v0;
	(xrf0) =	vadd.scan.msk.s32 $0xffff, v29;
	vm4 =	vge.s32 v18, v6;
	v29 =	vadd.s32 v32, v35  }
0x150: {  	[tilespmem:v33+s14+$0x0] =	vst.idx.msk vm12, v21;
	vm0 =	vge.s32 v10, v6;
	v21 =	vmpcnt.ones.xlane vm4;
	v26 =	vadd.s32 v29, v25  }
0x151: {  	v62 =	vmpcnt.ones.xlane vm0;
	vm1 =	vge.s32 v11, v6;
	[tilespmem:v34+s14+$0x0] =	vst.idx.msk vm13, v23;
	v25 =	vadd.s32 v26, v61  }
0x152: {  	vm8 =	vge.s32 v22, v6;
	[tilespmem:v34+s15+$0x0] =	vst.idx.msk vm13, v30;
	v23 =	vadd.s32 v25, v21;
	v30 =	vmpcnt.ones.xlane vm1  }
0x153: {  	[tilespmem:v33+s15+$0x0] =	vst.idx.msk vm12, v31;
	v63 =	vsel vm5, $0x1, v0;
	v37 =	vmpcnt.ones.xlane vm8;
	v21 =	vadd.s32 v23, v62  }
0x154: {  	[tilespmem:v19+s14+$0x0] =	vst.idx.msk vm9, v27;
	v36 =	vsel vm0, $0x1, v0;
	v33, _, _ =	vpop (xrf0);
	(xrf0) =	vadd.scan.msk.s32 $0xffff, v63;
	v31 =	vadd.s32 v21, v30  }
0x155: {  	s24 =	simm.s32 $0x70;
	s25 =	simm.s32 $0x8;
	v35 =	vsel vm4, $0x1, v0;
	v34 =	vsel vm1, $0x1, v0;
	v27, _, _ =	vpop (xrf0);
	(xrf0) =	vadd.scan.msk.s32 $0xffff, v38;
	v30 =	vadd.s32 v31, v37  }
.LBB2_14:
0x156: {  	s25 =	sadd.s32 $0x8, s25;
	v15 =	vadd.s32 v33, v15;
	v32 =	vadd.s32 v27, v32;
	v33 =	vsel vm8, $0x1, v0;
	(xrf0) =	vadd.scan.msk.s32 $0xffff, v35;
	v27 =	vmovc v20  }
0x157: {  	v35 =	vmovc v22;
	p0 =	slt.u32 s25, $0xC38;
	v20 =	vadd.s32 $0xFFFFFFFF, v15;
	v32 =	vadd.s32 $0xFFFFFFFF, v32;
	(xrf0) =	vadd.scan.msk.s32 $0xffff, v36;
	[tilespmem:v19+s15+$0x0] =	vst.idx.msk vm9, v28  }
0x158: {  	s22 =	sadd.s32 $0x80, s22;
	vm9 =	vlt.s32 v20, $0x800;
	vm12 =	vlt.s32 v32, $0x800;
	(xrf0) =	vadd.scan.msk.s32 $0xffff, v34;
	[tilespmem:v17+s14+$0x0] =	vst.idx.msk vm7, v5;
	v5 =	vmovc v18  }
0x159: {  	s1 =	sadd.s32 $0xFFFFFFE0, s24;
	s0 =	sadd.s32 $0xFFFFFF90, s22;
	vm10 =	vmand vm10, vm9;
	vm9 =	vmand vm11, vm12;
	(xrf0) =	vadd.scan.msk.s32 $0xffff, v33;
	[tilespmem:v17+s15+$0x0] =	vst.idx.msk vm7, v24;
	v15 =	vmovc v30  }
0x15a: {  	s8 =	sadd.s32 $0xFFFFFFB0, s22;
	v18 =	vor.u32 s0, v1;
	s0 =	sadd.s32 $0xFFFFFFA0, s22;
	v33 =	vor.u32 s22, v1;
	v17, _, _ =	vpop (xrf0);
	[tilespmem:v16+s14+$0x0] =	vst.idx.msk vm6, v8;
	v8 =	vor.u32 s1, v1  }
0x15b: {  	v34 =	vor.u32 s8, v1;
	v22 =	vor.u32 s0, v1;
	s0 =	sadd.s32 $0xFFFFFFF0, s24;
	s24 =	smov.u32 s22;
	v17 =	vadd.s32 v17, v29;
	v19, _, _ =	vpop (xrf0);
	[tilespmem:v16+s15+$0x0] =	vst.idx.msk vm6, v8  }
0x15c: {  	v36 =	vadd.s32 $0xFFFFFFFF, v17;
	v26 =	vadd.s32 v19, v26;
	v16, _, _ =	vpop (xrf0);
	[tilespmem:v14+s14+$0x0] =	vst.idx.msk vm3, v7;
	v7 =	vor.u32 s0, v1  }
0x15d: {  	vm6 =	vlt.s32 v36, $0x800;
	v19 =	vadd.s32 $0xFFFFFFFF, v26;
	v24 =	vadd.s32 v16, v25;
	v16, _, _ =	vpop (xrf0);
	[tilespmem:v14+s15+$0x0] =	vst.idx.msk vm3, v7  }
0x15e: {  	s23 =	sadd.s32 $0x80, s23;
	vm3 =	vlt.s32 v19, $0x800;
	v17 =	vadd.s32 $0xFFFFFFFF, v24;
	v7 =	vadd.s32 v16, v23;
	v8, _, _ =	vpop (xrf0)  }
0x15f: {  	[tilespmem:v20+s14+$0x0] =	vst.idx.msk vm10, v9;
	v9 =	vld [tilespmem:s23+$0xFFFFFFC0];
	vm7 =	vlt.s32 v17, $0x800;
	v16 =	vadd.s32 $0xFFFFFFFF, v7;
	v24 =	vadd.s32 v8, v21;
	v8, _, _ =	vpop (xrf0)  }
0x160: {  	v21 =	vld [tilespmem:s23+$0xFFFFFFD0];
	[tilespmem:v20+s15+$0x0] =	vst.idx.msk vm10, v18;
	vm10 =	vlt.s32 v16, $0x800;
	v14 =	vadd.s32 $0xFFFFFFFF, v24;
	v18 =	vadd.s32 v8, v31;
	v8 =	vmovc v10  }
0x161: {  	vm12 =	vmand vm5, vm6;
	v37 =	vld [tilespmem:s23+$0xFFFFFFE0];
	[tilespmem:v32+s14+$0x0] =	vst.idx.msk vm9, v12;
	vm5 =	vlt.s32 v14, $0x800;
	v23 =	vadd.s32 $0xFFFFFFFF, v18;
	v7 =	vmovc v11  }
0x162: {  	vm7 =	vmand vm4, vm7;
	v20 =	vld [tilespmem:s23+$0xFFFFFFF0];
	[tilespmem:v32+s15+$0x0] =	vst.idx.msk vm9, v22;
	vm9 =	vmand vm2, vm3;
	vm2 =	vlt.s32 v23, $0x800  }
0x163: {  	s1 =	sadd.s32 $0xFFFFFFD0, s22;
	s0 =	sadd.s32 $0xFFFFFFC0, s22;
	vm6 =	vmand vm0, vm10;
	vm3 =	vmand vm1, vm5;
	v18 =	vld [tilespmem:s23+$0x0];
	vm8 =	vmand vm8, vm2  }
0x164: {  	v28 =	vor.u32 s0, v1;
	v24 =	vor.u32 s1, v1;
	vm10 =	vge.s32 v9, v6;
	v10 =	vld [tilespmem:s23+$0x10]  }
0x165: {  	v25 =	vsel vm10, $0x1, v0;
	v26 =	vmpcnt.ones.xlane vm10;
	vm11 =	vge.s32 v21, v6;
	v11 =	vld [tilespmem:s23+$0x20];
	v12 =	vmovc v21  }
0x166: {  	v21 =	vsel vm11, $0x1, v0;
	v29 =	vmpcnt.ones.xlane vm11;
	vm5 =	vge.s32 v37, v6;
	v22 =	vld [tilespmem:s23+$0x30];
	(xrf0) =	vadd.scan.msk.s32 $0xffff, v25  }
0x167: {  	v32 =	vadd.s32 v30, v26;
	v25 =	vmpcnt.ones.xlane vm5;
	vm2 =	vge.s32 v20, v6;
	(xrf0) =	vadd.scan.msk.s32 $0xffff, v21  }
0x168: {  	v29 =	vadd.s32 v32, v29;
	v21 =	vmpcnt.ones.xlane vm2;
	vm4 =	vge.s32 v18, v6;
	[tilespmem:v36+s14+$0x0] =	vst.idx.msk vm12, v13  }
0x169: {  	v26 =	vadd.s32 v29, v25;
	v13 =	vmpcnt.ones.xlane vm4;
	vm0 =	vge.s32 v10, v6;
	[tilespmem:v23+s14+$0x0] =	vst.idx.msk vm8, v35  }
.Ltmp10:
0x16a: {  	v25 =	vadd.s32 v26, v21;
	v21 =	vmpcnt.ones.xlane vm0;
	vm1 =	vge.s32 v11, v6;
	[tilespmem:v23+s15+$0x0] =	vst.idx.msk vm8, v33;
	(pc) =	sbr.rel @p0 .LBB2_14-.Ltmp10, $4  }
0x16b: {  	v23 =	vadd.s32 v25, v13;
	v40 =	vmpcnt.ones.xlane vm1;
	vm8 =	vge.s32 v22, v6;
	[tilespmem:v36+s15+$0x0] =	vst.idx.msk vm12, v34  }
0x16c: {  	v30 =	vsel vm5, $0x1, v0;
	v21 =	vadd.s32 v23, v21;
	v38 =	vmpcnt.ones.xlane vm8;
	v33, _, _ =	vpop (xrf0);
	[tilespmem:v19+s14+$0x0] =	vst.idx.msk vm9, v27  }
0x16d: {  	v39 =	vsel vm2, $0x1, v0;
	v35 =	vsel vm4, $0x1, v0;
	v31 =	vadd.s32 v21, v40;
	v27, _, _ =	vpop (xrf0);
	(xrf0) =	vadd.scan.msk.s32 $0xffff, v30  }
0x16e: {  	v36 =	vsel vm0, $0x1, v0;
	v34 =	vsel vm1, $0x1, v0;
	v13 =	vmovc v37;
	v30 =	vadd.s32 v31, v38;
	(xrf0) =	vadd.scan.msk.s32 $0xffff, v39  }
0x16f: {  	(xrf0) =	vadd.scan.msk.s32 $0xffff, v35  }
0x170: {  	(xrf0) =	vadd.scan.msk.s32 $0xffff, v36  }
0x171: {  	v6 =	vsel vm8, $0x1, v0;
	(xrf0) =	vadd.scan.msk.s32 $0xffff, v34  }
0x172: {  	(xrf0) =	vadd.scan.msk.s32 $0xffff, v6;
	v6 =	vxor.u32 $0x80000000, v30;
	_ =	sdelay $0x1  }
0x173: {  	v51, _, _ =	vpop (xrf0);
	(xrf0) =	vmax.scan.msk.u32 $0xffff, v6  }
0x174: {  	v6, _, _ =	vpop (xrf0)  }
0x175: {  	v52, _, _ =	vpop (xrf0)  }
0x176: {  	v53, _, _ =	vpop (xrf0)  }
0x177: {  	v54, _, _ =	vpop (xrf0)  }
0x178: {  	v15 =	vadd.s32 v33, v15;
	v37, _, _ =	vpop (xrf0)  }
0x179: {  	v27 =	vadd.s32 v27, v32;
	v15 =	vadd.s32 $0xFFFFFFFF, v15;
	v55, _, _ =	vpop (xrf0)  }
0x17a: {  	[tilespmem:v19+s15+$0x0] =	vst.idx.msk vm9, v28;
	v27 =	vadd.s32 $0xFFFFFFFF, v27;
	vm9 =	vlt.s32 v15, $0x800;
	(v2sf) =	vpush v55, $0xF  }
0x17b: {  	vm12 =	vlt.s32 v27, $0x800;
	vm10 =	vmand vm10, vm9  }
0x17c: {  	[tilespmem:v17+s14+$0x0] =	vst.idx.msk vm7, v5;
	vm9 =	vmand vm11, vm12  }
0x17d: {  	[tilespmem:v16+s14+$0x0] =	vst.idx.msk vm6, v8;
	v5 =	vadd.s32 v51, v29  }
0x17e: {  	s0 =	sadd.s32 $0xFFFFFFE0, s24;
	s24 =	sadd.s32 $0xFFFFFFF0, s24;
	[tilespmem:v14+s14+$0x0] =	vst.idx.msk vm3, v7;
	v5 =	vadd.s32 $0xFFFFFFFF, v5  }
0x17f: {  	[tilespmem:v17+s15+$0x0] =	vst.idx.msk vm7, v24;
	v7 =	vor.u32 s24, v1;
	vm14 =	vlt.s32 v5, $0x800;
	v6 =	vadd.s32 v6, v26  }
0x180: {  	s1 =	sadd.s32 $0x80, s22;
	[tilespmem:v14+s15+$0x0] =	vst.idx.msk vm3, v7;
	vm5 =	vmand vm5, vm14;
	v6 =	vadd.s32 $0xFFFFFFFF, v6  }
0x181: {  	v56 =	vor.u32 s0, v1;
	s25 =	sadd.s32 $0xFFFFFF90, s1;
	v59 =	vadd.s32 v52, v25;
	[tilespmem:v15+s14+$0x0] =	vst.idx.msk vm10, v9;
	vm12 =	vlt.s32 v6, $0x800  }
0x182: {  	s26 =	sadd.s32 $0xFFFFFFA0, s1;
	v7 =	vor.u32 s25, v1;
	v9 =	vadd.s32 $0xFFFFFFFF, v59;
	[tilespmem:v27+s14+$0x0] =	vst.idx.msk vm9, v12;
	vm2 =	vmand vm2, vm12  }
0x183: {  	v60 =	vadd.s32 v53, v23;
	[tilespmem:v15+s15+$0x0] =	vst.idx.msk vm10, v7;
	v7 =	vor.u32 s26, v1;
	vm13 =	vlt.s32 v9, $0x800  }
0x184: {  	v57 =	vadd.s32 v37, v31;
	[tilespmem:v27+s15+$0x0] =	vst.idx.msk vm9, v7;
	v7 =	vadd.s32 $0xFFFFFFFF, v60;
	vm4 =	vmand vm4, vm13  }
0x185: {  	s28 =	sadd.s32 $0xFFFFFFB0, s1;
	[tilespmem:v16+s15+$0x0] =	vst.idx.msk vm6, v56;
	v58 =	vadd.s32 $0xFFFFFFFF, v57;
	vm14 =	vlt.s32 v7, $0x800  }
0x186: {  	v63 =	vor.u32 s28, v1;
	vm15 =	vlt.s32 v58, $0x800;
	vm0 =	vmand vm0, vm14;
	[tilespmem:v5+s14+$0x0] =	vst.idx.msk vm5, v13  }
0x187: {  	s29 =	sadd.s32 $0xFFFFFFC0, s1;
	v62 =	vadd.s32 v54, v21;
	vm11 =	vmand vm8, vm15;
	[tilespmem:v5+s15+$0x0] =	vst.idx.msk vm5, v63  }
0x188: {  	v13 =	vadd.s32 $0xFFFFFFFF, v62;
	v5 =	vor.u32 s29, v1;
	[tilespmem:v6+s14+$0x0] =	vst.idx.msk vm2, v20  }
0x189: {  	s30 =	sadd.s32 $0xFFFFFFD0, s1;
	vm15 =	vlt.s32 v13, $0x800;
	[tilespmem:v6+s15+$0x0] =	vst.idx.msk vm2, v5;
	s8 =	spop (v2sf)  }
0x18a: {  	vm1 =	vmand vm1, vm15;
	v5 =	vor.u32 s30, v1;
	[tilespmem:v9+s14+$0x0] =	vst.idx.msk vm4, v18;
	s0 =	sxor.u32 $0x80000000, s8  }
0x18b: {  	[tilespmem:v9+s15+$0x0] =	vst.idx.msk vm4, v5;
	p0 =	slt.s32 s0, $0x800  }
0x18c: {  	s31 =	sadd.s32 $0xFFFFFFE0, s1;
	[tilespmem:v7+s14+$0x0] =	vst.idx.msk vm0, v10;
	s0 =	simm.s32 @!p0 $0x800  }
0x18d: {  	v6 =	vor.u32 s31, v1;
	[tilespmem:v58+s14+$0x0] =	vst.idx.msk vm11, v22;
	v5 =	vadd.s32 s0, v1  }
0x18e: {  	v61 =	vor.u32 s1, v1;
	[tilespmem:v7+s15+$0x0] =	vst.idx.msk vm0, v6  }
.Ltmp11:
0x18f: {  	s1 =	sadd.s32 $0xFFFFFFF0, s1;
	[tilespmem:v58+s15+$0x0] =	vst.idx.msk vm11, v61;
	(pc) =	sbr.rel .LBB2_16-.Ltmp11, $4  }
0x190: {  	v6 =	vor.u32 s1, v1;
	[tilespmem:v13+s14+$0x0] =	vst.idx.msk vm1, v11  }
0x191: {  	[tilespmem:v13+s15+$0x0] =	vst.idx.msk vm1, v6;
	s0 =	sadd.s32 $0xF, s0  }
0x192: {  	s22 =	sshrl.u32 s0, $0x4;
	[tilespmem:v5+s14+$0x0] =	vst.idx.msk $0xffff, v3  }
0x193: {  	s23 =	simm.s32 $0x0;
	s24 =	simm.s32 $0x0;
	p0 =	seq.s32 s22, $0x0;
	[tilespmem:v5+s15+$0x0] =	vst.idx.msk $0xffff, v4  }
.LBB2_17:
0x194: {  	v7 =	vimm.s32 $0x80000000  }
.LBB2_25:
0x195: {  	v8 =	vxor.u32 $0x80000000, v6  }
0x196: {  	(xrf0) =	vmax.scan.msk.u32 $0xffff, v8;
	_ =	sdelay $0x5  }
0x197: {  	v8, _, _ =	vpop (xrf0)  }
0x198: {  	(v2sf) =	vpush v8, $0xF;
	_ =	sdelay $0xe  }
0x199: {  	s0 =	spop (v2sf)  }
0x19a: {  	s0 =	sxor.u32 $0x80000000, s0  }
0x19b: {  	vm0 =	veq.s32 v6, s0;
	v6 =	vxor.u32 $0x80000000, v5  }
0x19c: {  	v6 =	vnsel vm0, $0xFFFFFFFF, v6  }
0x19d: {  	(xrf0) =	vmin.scan.msk.u32 $0xffff, v6;
	_ =	sdelay $0x5  }
0x19e: {  	v6, _, _ =	vpop (xrf0)  }
0x19f: {  	(v2sf) =	vpush v6, $0xF;
	_ =	sdelay $0xe  }
0x1a0: {  	s1 =	spop (v2sf)  }
0x1a1: {  	s1 =	sxor.u32 $0x80000000, s1  }
0x1a2: {  	vm1 =	veq.s32 v5, s1  }
0x1a3: {  	vm0 =	vmand vm0, vm1  }
0x1a4: {  	v5 =	vnsel vm0, $0xFFFFFFFF, v7  }
0x1a5: {  	(xrf0) =	vmin.scan.msk.u32 $0xffff, v5;
	_ =	sdelay $0x5  }
0x1a6: {  	v5, _, _ =	vpop (xrf0)  }
0x1a7: {  	(v2sf) =	vpush v5, $0xF;
	_ =	sdelay $0xe  }
0x1a8: {  	v5 =	vmov s24;
	s8 =	spop (v2sf)  }
0x1a9: {  	s24 =	sadd.s32 $0x1, s24;
	s8 =	sxor.u32 $0x80000000, s8  }
0x1aa: {  	p1 =	sne.s32 s24, $0x40;
	v6 =	vmov s8  }
.Ltmp12:
0x1ab: {  	_ = 	snop;
	(pc) =	sbr.rel @!p1 .LBB2_26-.Ltmp12, $4  }
0x1ac: {  	v7 =	vmov s0  }
0x1ad: {  	v63 =	vmov s1;
	[tilespmem:v5+s16+$0x0] =	vst.idx.msk $0x1, v7  }
0x1ae: {  	[tilespmem:v5+s17+$0x0] =	vst.idx.msk $0x1, v63  }
0x1af: {  	[tilespmem:v6+s14+$0x0] =	vst.idx.msk $0x1, v3  }
.LBB2_16:
.Ltmp13:
0x1b0: {  	(pc) =	sbr.rel @p0 .LBB2_17-.Ltmp13, $2  }
0x1b1: {  	_ =	sdelay $0x2  }
0x1b2: {  	v5 =	vimm.s32 $0x7FFFFFFF;
	v6 =	vimm.s32 $0x80000000  }
0x1b3: {  	p2 =	sne.s32 s22, $0x1  }
.Ltmp14:
0x1b4: {  	_ = 	snop;
	(pc) =	sbr.rel @!p2 .LBB2_19-.Ltmp14, $4  }
0x1b5: {  	_ = 	snop  }
0x1b6: {  	s0 =	simm.s32 $0x14C00  }
0x1b7: {  	s1 =	simm.s32 $0x15480;
	v8 =	vld [tilespmem:s0+$0x0]  }
0x1b8: {  	v7 =	vimm.s32 $0x0;
	p1 =	por $0x0, $0x0;
	v9 =	vld [tilespmem:s1+$0x0];
	s1 =	sadd.s32 $0xFFFFFFFF, s22;
	s0 =	simm.s32 $0x14C10  }
0x1b9: {  	_ =	sdelay $0x1  }
0x1ba: {  	v10 =	vld [tilespmem:s0+$0x0];
	s0 =	simm.s32 $0x15490;
	p2 =	sne.s32 s1, $0x1  }
.Ltmp15:
0x1bb: {  	v11 =	vld [tilespmem:s0+$0x0];
	(pc) =	sbr.rel @!p2 .LBB2_21-.Ltmp15, $4  }
0x1bc: {  	vm0 =	veq.s32 v8, v6;
	vm1 =	vlt.s32 v9, v5  }
0x1bd: {  	vm2 =	vgt.s32 v8, v6;
	vm0 =	vmand vm0, vm1  }
0x1be: {  	s25 =	sadd.s32 $0xFFFFFFFF, s1;
	v12 =	vor.u32 s23, v1;
	vm0 =	vmor vm2, vm0  }
0x1bf: {  	s26 =	simm.s32 $0x14C20;
	p1 =	por $0x1, $0x1;
	s1 =	simm.s32 $0x0;
	v6 =	vsel vm0, v8, v6;
	v5 =	vsel vm0, v9, v5;
	v7 =	vsel vm0, v12, v7  }
.LBB2_22:
0x1c0: {  	v8 =	vld [tilespmem:s26+$0x0];
	vm0 =	veq.s32 v10, v6;
	vm1 =	vlt.s32 v11, v5;
	s0 =	sadd.s32 $0x10, s0;
	v9 =	vmov v11;
	p2 =	sne.s32 s25, $0x1  }
.Ltmp16:
0x1c1: {  	s25 =	sadd.s32 $0xFFFFFFFF, s25;
	vm2 =	vgt.s32 v10, v6;
	s1 =	sadd.s32 $0x10, s1;
	v11 =	vld [tilespmem:s0+$0x0];
	vm0 =	vmand vm0, vm1;
	(pc) =	sbr.rel @p2 .LBB2_22-.Ltmp16, $3  }
0x1c2: {  	v12 =	vor.u32 s1, v1;
	vm0 =	vmor vm2, vm0  }
0x1c3: {  	v6 =	vsel vm0, v10, v6;
	v5 =	vsel vm0, v9, v5;
	v7 =	vsel vm0, v12, v7;
	_ =	sdelay $0x1  }
0x1c4: {  	s26 =	sadd.s32 $0x10, s26;
	v10 =	vmov v8  }
0x1c5: {  	v8 =	vmov v10;
	v9 =	vmov v11  }
.LBB2_24:
.Ltmp17:
0x1c6: {  	vm0 =	veq.s32 v8, v6;
	vm1 =	vlt.s32 v9, v5;
	s0 =	sadd.s32 @p1 $0x10, s1;
	s1 =	simm.s32 $0x0;
	(pc) =	sbr.rel .LBB2_25-.Ltmp17, $4  }
0x1c7: {  	vm2 =	vgt.s32 v8, v6;
	vm0 =	vmand vm0, vm1;
	s1 =	smov.u32 @p1 s0  }
0x1c8: {  	v10 =	vor.u32 s1, v1;
	vm0 =	vmor vm2, vm0  }
0x1c9: {  	v7 =	vsel vm0, v10, v7  }
0x1ca: {  	v6 =	vsel vm0, v8, v6;
	v5 =	vsel vm0, v9, v5;
	v7 =	vxor.u32 $0x80000000, v7  }
.LBB2_19:
.Ltmp18:
0x1cb: {  	(pc) =	sbr.rel .LBB2_24-.Ltmp18, $2  }
0x1cc: {  	_ =	sdelay $0x2  }
0x1cd: {  	s1 =	simm.s32 $0x0  }
.LBB2_21:
.Ltmp19:
0x1ce: {  	(pc) =	sbr.rel .LBB2_24-.Ltmp19, $2  }
0x1cf: {  	_ =	sdelay $0x2  }
0x1d0: {  	v8 =	vmov v10;
	v9 =	vmov v11;
	s1 =	simm.s32 $0x0  }
.LBB2_29:
0x1d1: {  	_ =	sfence.sel $0x180000  }
0x1d2: {  	[bflag:$0x0] =	sbarrier.arrive $0xFFFF  }
0x1d3: {  	_ =	strace $0x90000047  }
0x1d4: {  	s0 =	stileid.u32;
	[bflag:$0x2] =	sbarrier.arrive $0xFFFF  }
0x1d5: {  	p0 =	sne.s32 s0, $0x0;
	s0 =	rddreg [dreg:$0x1]  }
0x1d6: {  	s0 =	sadd.s32 @!p0 $0x100000, s0  }
0x1d7: {  	[sflag:s0] =	ssyncadd.tile.s32 @!p0 $0x1;
	_ =	shalt  }
.Lfunc_end2:
_tile_overlayer_lowered:
.L_overlay_start_2:
0x1d8: {  	(tag) =	ssettag $0x2  }
0x1d9: {  	s0 =	rddreg [dreg:$0x0];
	s2 =	stileid.u32  }
0x1da: {  	s1 =	rddreg [dreg:$0x1];
	p0 =	sne.s32 s2, $0x0  }
0x1db: {  	s3 =	rddreg [dreg:$0x2];
	[bflag:$0x3] =	sbarrier.arrive $0xFFFF;
	s2 =	simm.s32 @!p0 $0x1C01  }
0x1dc: {  	[timem:s3], [sflag:s2] =	dma.local @!p0 [hbm:s0], s1  }
0x1dd: {  	s0 =	simm.s32 @!p0 $0x1  }
0x1de: {  	_ =	swait.ge @!p0 [sflag:s0], s1  }
0x1df: {  	s1 =	ssub.s32 @!p0 $0x0, s1;
	[sflag:s0] =	ssyncset.done @!p0 $0x0  }
0x1e0: {  	[sflag:s0] =	ssyncadd.s32 @!p0 s1  }
0x1e1: {  	[bflag:$0x3] =	sbarrier.arrive $0xFFFF  }
0x1e2: {  	_ =	shalt  }

// kernel: scatter_offload_async_start
scs
__scs_entry_jumppad:
0x0: {  	(pc) =	sbr.rel $0x88, $3  }
0x1: {  	(tag) =	ssettag $0x0;
	lr =	simm.s32 $0x1  }
0x2: {  	[smem:$0x3F9A] =	sst lr;
	_ =	strace $0xD0000000  }
0x3: {  	_ = 	snop  }
0x4: {  	_ = 	snop  }
0x5: {  	_ = 	snop  }
0x6: {  	_ = 	snop  }
0x7: {  	_ = 	snop  }
__scs_overlays_trampoline_lowered:
0x8: {  	[smem:$0x3FA9] =	sst s0  }
0x9: {  	[smem:$0x3FAA] =	sst s1  }
0xa: {  	[smem:$0x3FAB] =	sst s2  }
0xb: {  	[smem:$0x3FAC] =	sst s3  }
0xc: {  	[smem:$0x3FAD] =	sst s4  }
0xd: {  	[smem:$0x3FAE] =	sst s5  }
0xe: {  	[smem:$0x3FAF] =	sst s6  }
0xf: {  	[smem:$0x3FB0] =	sst s7  }
0x10: {  	[smem:$0x3FB1] =	sst s8  }
0x11: {  	[smem:$0x3FB2] =	sst s9;
	s0 =	simm.s32 @!p0 $0x0  }
0x12: {  	s1 =	sld [smem:$0x3F98];
	s0 =	simm.s32 @p0 $0x1  }
0x13: {  	[smem:$0x3FB3] =	sst s0;
	s0 =	simm.s32 @!p1 $0x0  }
0x14: {  	s2 =	sld [smem:$0x3F97];
	s0 =	simm.s32 @p1 $0x1  }
0x15: {  	[smem:$0x3FB4] =	sst s0;
	s0 =	simm.s32 @!p2 $0x0  }
0x16: {  	s3 =	sld [smem:$0x3FDB];
	s0 =	simm.s32 @p2 $0x1  }
0x17: {  	s4 =	simm.s32 $0x1BF5;
	[smem:$0x3FB6] =	sst s0  }
0x18: {  	s0 =	sld [smem:$0x3F99];
	_ =	swait.ge [sflag:s4], $0x0  }
0x19: {  	s7 =	sld [smem:$0x3F9A]  }
0x1a: {  	s8 =	sadd.s32 $0xFFFFE003, lr  }
0x1b: {  	s9 =	sadd.s32 $0xFFFFFEF7, lr;
	s5 =	simm.s32 $0xFFFFFFFF;
	p2 =	slt.u32 s8, $0xFFFFF086  }
0x1c: {  	p1 =	slt.u32 s9, $0xF7A;
	s5 =	simm.s32 @!p2 $0x0  }
0x1d: {  	s5 =	simm.s32 @p1 $0x1;
	p0 =	seq.s32 s7, s2  }
0x1e: {  	s7 =	smul.u32 @!p0 $0xF7A, s2;
	p2 =	seq.s32 @!p0 s5, $0x0  }
0x1f: {  	s9 =	smul.u32 $0xF7A, s1;
	s8 =	simm.s32 @!p0 $0x1BF5;
	p2 =	por !p2, p0  }
0x20: {  	[sflag:s8] =	ssyncset.s32 @!p0 $0xFFFFF086;
	s6 =	sadd.s32 @!p0 s3, s7;
	s7 =	simm.s32 @!p0 $0x108  }
0x21: {  	s3 =	sadd.s32 s3, s9;
	s6 =	sadd.s32 @!p0 $0x88, s6;
	s7 =	simm.s32 @p2 $0x1082  }
0x22: {  	[simem:s7], [sflag:s8] =	dma.local @!p0 [hbm:s6], $0xF7A  }
0x23: {  	s9 =	sor.u32 $0xD0000000, s2;
	s6 =	simm.s32 $0x108;
	_ =	swait.ge @!p0 [sflag:s8], $0x0  }
0x24: {  	s3 =	sadd.s32 $0x88, s3;
	s6 =	simm.s32 @!p1 $0x1082;
	[sflag:s4] =	ssyncset.s32 $0xFFFFF086  }
0x25: {  	[simem:s6], [sflag:s4] =	dma.local [hbm:s3], $0xF7A  }
0x26: {  	[smem:$0x3F9A] =	sst s1;
	(tag) =	ssettag s2;
	_ =	strace s9  }
0x27: {  	s1 =	sld [smem:$0x3FAA]  }
0x28: {  	s2 =	sld [smem:$0x3FAB]  }
0x29: {  	s4 =	sld [smem:$0x3FAD]  }
0x2a: {  	p0 =	seq.s32 s5, $0x0;
	s5 =	sld [smem:$0x3FAE]  }
0x2b: {  	s6 =	sld [smem:$0x3FAF]  }
0x2c: {  	s7 =	sld [smem:$0x3FB0]  }
0x2d: {  	s3 =	simm.s32 $0x108;
	s8 =	sld [smem:$0x3FB1]  }
0x2e: {  	s3 =	simm.s32 @!p0 $0x1082;
	s9 =	sld [smem:$0x3FB2]  }
0x2f: {  	lr =	sadd.s32 s0, s3;
	s0 =	sld [smem:$0x3FA9]  }
0x30: {  	s3 =	sld [smem:$0x3FAC]  }
0x31: {  	[smem:$0x3FB5] =	sst s10  }
0x32: {  	s10 =	sld [smem:$0x3FB3];
	_ =	sdelay $0x3  }
0x33: {  	p0 =	seq.s32 s10, $0x1;
	s10 =	sld [smem:$0x3FB5];
	_ =	sdelay $0x3  }
0x34: {  	[smem:$0x3FB5] =	sst s10  }
0x35: {  	s10 =	sld [smem:$0x3FB4];
	_ =	sdelay $0x3  }
0x36: {  	p1 =	seq.s32 s10, $0x1;
	s10 =	sld [smem:$0x3FB5];
	_ =	sdelay $0x3  }
0x37: {  	[smem:$0x3FB5] =	sst s10  }
0x38: {  	s10 =	sld [smem:$0x3FB6]  }
0x39: {  	_ = 	snop;
	(pc) =	sbr.ind lr, $3  }
0x3a: {  	_ = 	snop  }
0x3b: {  	_ = 	snop  }
0x3c: {  	p2 =	seq.s32 s10, $0x1;
	s10 =	sld [smem:$0x3FB5]  }
0x3d: {  	_ =	shalt  }
0x3e: {  	_ =	shalt  }
0x3f: {  	_ =	shalt  }
0x40: {  	_ =	shalt  }
0x41: {  	_ =	shalt  }
0x42: {  	_ =	shalt  }
0x43: {  	_ =	shalt  }
0x44: {  	_ =	shalt  }
0x45: {  	_ =	shalt  }
0x46: {  	_ =	shalt  }
0x47: {  	_ =	shalt  }
0x48: {  	_ =	shalt  }
0x49: {  	_ =	shalt  }
0x4a: {  	_ =	shalt  }
0x4b: {  	_ =	shalt  }
0x4c: {  	_ =	shalt  }
0x4d: {  	_ =	shalt  }
0x4e: {  	_ =	shalt  }
0x4f: {  	_ =	shalt  }
0x50: {  	_ =	shalt  }
0x51: {  	_ =	shalt  }
0x52: {  	_ =	shalt  }
0x53: {  	_ =	shalt  }
0x54: {  	_ =	shalt  }
0x55: {  	_ =	shalt  }
0x56: {  	_ =	shalt  }
0x57: {  	_ =	shalt  }
0x58: {  	_ =	shalt  }
0x59: {  	_ =	shalt  }
0x5a: {  	_ =	shalt  }
0x5b: {  	_ =	shalt  }
0x5c: {  	_ =	shalt  }
0x5d: {  	_ =	shalt  }
0x5e: {  	_ =	shalt  }
0x5f: {  	_ =	shalt  }
0x60: {  	_ =	shalt  }
0x61: {  	_ =	shalt  }
0x62: {  	_ =	shalt  }
0x63: {  	_ =	shalt  }
0x64: {  	_ =	shalt  }
0x65: {  	_ =	shalt  }
0x66: {  	_ =	shalt  }
0x67: {  	_ =	shalt  }
0x68: {  	_ =	shalt  }
0x69: {  	_ =	shalt  }
0x6a: {  	_ =	shalt  }
0x6b: {  	_ =	shalt  }
0x6c: {  	_ =	shalt  }
0x6d: {  	_ =	shalt  }
0x6e: {  	_ =	shalt  }
0x6f: {  	_ =	shalt  }
0x70: {  	_ =	shalt  }
0x71: {  	_ =	shalt  }
0x72: {  	_ =	shalt  }
0x73: {  	_ =	shalt  }
0x74: {  	_ =	shalt  }
0x75: {  	_ =	shalt  }
0x76: {  	_ =	shalt  }
0x77: {  	_ =	shalt  }
0x78: {  	_ =	shalt  }
0x79: {  	_ =	shalt  }
0x7a: {  	_ =	shalt  }
0x7b: {  	_ =	shalt  }
0x7c: {  	_ =	shalt  }
0x7d: {  	_ =	shalt  }
0x7e: {  	_ =	shalt  }
0x7f: {  	_ =	shalt  }
0x80: {  	_ =	shalt  }
0x81: {  	_ =	shalt  }
0x82: {  	_ =	shalt  }
0x83: {  	_ =	shalt  }
0x84: {  	_ =	shalt  }
0x85: {  	_ =	shalt  }
0x86: {  	_ =	shalt  }
0x87: {  	_ =	shalt  }
.Lfunc_end0:
.L_simem_size_0:
called_computation_lowered:
.L_overlay_start_0:
0x88: {  	s2 =	sld [smem:$0x3FD9]  }
0x89: {  	s3 =	sld [smem:$0x3FFE];
	_ =	sdelay $0x1  }
0x8a: {  	s1 =	srdreg.scid  }
0x8b: {  	s0 =	sand.u32 $0x1, s1  }
0x8c: {  	s16 =	sshll.u32 s0, $0xA;
	s2 =	sadd.s32 s3, s2  }
0x8d: {  	s2 =	sadd.s32 s2, s16  }
0x8e: {  	[smem:$0x3FC1] =	sst s2  }
0x8f: {  	_ = 	snop  }
0x90: {  	s2 =	sld [smem:$0x3FD0];
	(tm) =	ssettm $0x1  }
0x91: {  	s17 =	sld [smem:$0x3FFB];
	_ =	sdelay $0x3  }
0x92: {  	_ =	strace s17  }
0x93: {  	s3 =	sld [smem:$0x3FFC];
	_ =	sdelay $0x3  }
0x94: {  	_ =	strace s3  }
0x95: {  	s3 =	sld [smem:$0x3FFD];
	_ =	sdelay $0x3  }
0x96: {  	_ =	strace s3  }
0x97: {  	_ =	strace $0x8FFFFFFF  }
0x98: {  	s18 =	sld [smem:$0x3FDB];
	_ =	sdelay $0x1  }
0x99: {  	s4 =	simm.s32 $_scs_section_size  }
0x9a: {  	s5 =	simm.s32 $_size__tile_overlayer_lowered;
	s6 =	simm.s32 $_tile_overlayer_lowered  }
0x9b: {  	s21 =	simm.s32 $0x1BFF;
	s20 =	sshll.u32 s6, $0x1;
	s3 =	sadd.s32 s4, s18  }
0x9c: {  	s7 =	simm.s32 $0x0;
	s19 =	sshll.u32 s5, $0x1;
	s5 =	sadd.s32 s20, s3  }
0x9d: {  	[timem:s7], [sflag:s21] =	dma.local [hbm:s5], s19  }
0x9e: {  	_ =	swait.ge [sflag:s21], s19  }
0x9f: {  	s4 =	ssub.s32 $0x0, s19;
	[sflag:s21] =	ssyncset.done $0x0  }
0xa0: {  	[sflag:s21] =	ssyncadd.s32 s4;
	_ =	sdelay $0x1  }
0xa1: {  	s22 =	simm.s32 $0x1B8B  }
0xa2: {  	_ =	swait.ge [sflag:s22], $0x1  }
0xa3: {  	[sflag:s22] =	ssyncset.done $0x0  }
0xa4: {  	s23 =	sld [smem:$0x3FFE];
	[sflag:s22] =	ssyncadd.s32 $0xFFFFFFFF  }
0xa5: {  	s25 =	simm.s32 $0x1B8E;
	s24 =	sld [smem:$0x0]  }
0xa6: {  	s26 =	simm.s32 $execute0_lowered;
	[smem:$0x3FD2] =	sst s25  }
0xa7: {  	s6 =	sshll.u32 s26, $0x1;
	_ =	strace $0x8000004C;
	[dreg:$0x1] =	wrdreg $0xFFFFFFFF  }
0xa8: {  	s28 =	simm.s32 $_size_execute0_lowered;
	s3 =	sadd.s32 s3, s6;
	[dreg:$0x0] =	wrdreg $0x0  }
0xa9: {  	s6 =	sshll.u32 s28, $0x1;
	[dreg:$0x2] =	wrdreg s3  }
0xaa: {  	[dreg:$0x3] =	wrdreg s6  }
0xab: {  	[dreg:$0x4] =	wrdreg $0xC0  }
0xac: {  	_ =	task [dreg:s7], $0x5FFFF  }
0xad: {  	[dreg:$0x1] =	wrdreg $0xFFFFFFFF  }
0xae: {  	[dreg:$0x0] =	wrdreg $0x60  }
0xaf: {  	[dreg:$0x2] =	wrdreg s2  }
0xb0: {  	[dreg:$0x3] =	wrdreg s23  }
0xb1: {  	[dreg:$0x4] =	wrdreg s1  }
0xb2: {  	[dreg:$0x5] =	wrdreg s24  }
0xb3: {  	[dreg:$0x6] =	wrdreg $0x9  }
0xb4: {  	_ =	task.clear_ibuf [dreg:s7], $0x7FFFF;
	_ =	strace $0x9000004C  }
0xb5: {  	s29 =	simm.s32 $0x9;
	_ =	strace $0x8000004E  }
0xb6: {  	_ =	swait.ge [sflag:s29], $0x1  }
0xb7: {  	[sflag:s29] =	ssyncadd.s32 $0xFFFFFFFF  }
0xb8: {  	_ =	strace $0x9000004E  }
0xb9: {  	_ =	sfence  }
0xba: {  	s30 =	sld [smem:$0x0];
	_ =	sdelay $0x2  }
0xbb: {  	s31 =	sshll.u32 s1, $0xD;
	s1 =	sshrl.u32 s1, $0x2  }
0xbc: {  	s3 =	sand.u32 $0x4000, s31;
	s1 =	sadd.s32 s1, s30  }
0xbd: {  	s0 =	sor.u32 s3, s0;
	s1 =	sshll.u32 s1, $0x11  }
0xbe: {  	s0 =	sor.u32 s1, s0  }
0xbf: {  	s0 =	sadd.s32 $0x8F2B, s0  }
0xc0: {  	[sflag:s0] =	ssyncadd.remote.s32 $0x1  }
0xc1: {  	_ =	sfence.sel $0xFFFF  }
0xc2: {  	[dreg:$0x0] =	wrdreg $0xFFFFFFFF;
	(pc) =	sbr.abs _section_cstart, $3  }
0xc3: {  	[dreg:$0x1] =	wrdreg $0xFFFFFFFF  }
0xc4: {  	_ =	task.clear_ibuf [dreg:s7], $0x2FFFF;
	_ =	strace $0x9FFFFFFF  }
0xc5: {  	(tm) =	ssettm $0x7FFFFFFF  }
tec
execute0_lowered:
.L_overlay_start_1:
0x0: {  	(tag) =	ssettag $0x1  }
0x1: {  	s1 =	rddreg [dreg:$0x0]  }
0x2: {  	s2 =	rddreg [dreg:$0x1]  }
0x3: {  	s4 =	rddreg [dreg:$0x2];
	_ =	strace $0x8000004D;
	s0 =	simm.s32 $0x1  }
0x4: {  	s3 =	simm.s32 $0x308;
	v0 =	vimm.s32 $0x0;
	[sflag:s0] =	ssyncpa.u1 $0x0  }
0x5: {  	[tilespmem:s3+$0x70] =	vst v0  }
0x6: {  	[tilespmem:s3+$0x60] =	vst v0  }
0x7: {  	[tilespmem:s3+$0x50] =	vst v0  }
0x8: {  	[tilespmem:s3+$0x40] =	vst v0  }
0x9: {  	[tilespmem:s3+$0x30] =	vst v0  }
0xa: {  	s0 =	sadd.s32 $0x1000, s2;
	s6 =	sadd.s32 $0x1800, s2;
	[tilespmem:s3+$0x20] =	vst v0  }
0xb: {  	s2 =	sadd.s32 $0x135000, s2;
	s7 =	sand.u32 $0x1, s4;
	s4 =	simm.s32 $0x40;
	[tilespmem:s3+$0x10] =	vst v0  }
.LBB2_1:
0xc: {  	s4 =	sadd.s32 $0x40, s4;
	[tilespmem:s3+$0x0] =	vst v0;
	s3 =	sadd.s32 $0x80, s3  }
0xd: {  	p0 =	slt.u32 s4, $0x30C0;
	[tilespmem:s3+$0x70] =	vst v0  }
0xe: {  	[tilespmem:s3+$0x60] =	vst v0  }
.Ltmp0:
0xf: {  	[tilespmem:s3+$0x50] =	vst v0;
	(pc) =	sbr.rel @p0 .LBB2_1-.Ltmp0, $4  }
0x10: {  	[tilespmem:s3+$0x40] =	vst v0  }
0x11: {  	[tilespmem:s3+$0x30] =	vst v0  }
0x12: {  	[tilespmem:s3+$0x20] =	vst v0  }
0x13: {  	[tilespmem:s3+$0x10] =	vst v0  }
0x14: {  	s8 =	stileid.u32;
	s24 =	simm.s32 $0x2  }
0x15: {  	s26 =	simm.s32 $0x9;
	s28 =	simm.s32 $0xA;
	s29 =	smul.u32 $0x310, s7  }
0x16: {  	[dreg:$0x5] =	wrdreg s7;
	s30 =	simm.s32 $0xB;
	s4 =	smul.u32 $0x6, s8  }
0x17: {  	p1 =	por $0x0, $0x0;
	s19 =	simm.s32 $0x80;
	s5 =	smin.u32 s8, $0x2  }
0x18: {  	p0 =	slt.u32 s8, $0x2;
	s4 =	sadd.s32 s5, s4;
	s5 =	simm.s32 $0x1C0  }
0x19: {  	s20 =	simm.s32 $0x400;
	s21 =	sshll.u32 s4, $0x6;
	s5 =	simm.s32 @!p0 $0x180  }
0x1a: {  	s17 =	simm.s32 $0xC;
	s22 =	simm.s32 $0x0;
	s25 =	sadd.s32 s5, s21  }
0x1b: {  	[tilespmem:s3+$0x0] =	vst v0;
	v0 =	vimm.s32 $0xFFFFFFFF;
	[sflag:s24] =	ssyncpa.u1 $0x0;
	s31 =	smul.u32 $0xC00, s8;
	s9 =	smin.u32 s25, $0x1880  }
0x1c: {  	s24 =	simm.s32 $0x0;
	[tilespmem:$0xC608] =	vst v0;
	[sflag:s26] =	ssyncpa.u1 $0x0;
	s3 =	ssub.s32 s9, s21  }
.Ltmp1:
0x1d: {  	s12 =	sadd.s32 s29, s2;
	p0 =	sgt.s32 s3, $0x0;
	(pc) =	sbr.rel .LBB2_3-.Ltmp1, $4  }
0x1e: {  	s0 =	sadd.s32 s29, s0;
	[sflag:s28] =	ssyncpa.u1 $0x0;
	s3 =	simm.s32 @!p0 $0x0  }
0x1f: {  	[dreg:$0x6] =	wrdreg s0;
	s18 =	sshrl.u32 s31, $0x2;
	s13 =	sshrl.u32 s3, $0x6  }
0x20: {  	[sflag:s30] =	ssyncpa.u1 $0x0;
	s23 =	smov.u32 s21;
	s16 =	sadd.s32 $0x1, s13  }
0x21: {  	v0 =	vlaneseq.u32;
	s25 =	simm.s32 $0x0;
	p0 =	por $0x1, $0x1;
	[dreg:$0x7] =	wrdreg s16  }
.LBB2_28:
0x22: {  	s2 =	sshrl.u32 s4, $0x2  }
.LBB2_30:
0x23: {  	_ =	swait.ge [sflag:s17], s2  }
0x24: {  	s0 =	ssub.s32 $0x0, s2;
	v1 =	vmov s28;
	vm0 =	veq.s32 v0, $0x0;
	[sflag:s17] =	ssyncset.done $0x0  }
0x25: {  	vm15 =	veq.s32 v0, $0x2;
	v1 =	vsel vm0, s5, v1;
	[sflag:s17] =	ssyncadd.s32 s0  }
0x26: {  	v1 =	vsel vm15, s25, v1;
	[sflag:s17] =	ssyncpa.u1 $0x1  }
0x27: {  	[tilespmem:$0xC608] =	vst v1  }
.LBB2_31:
0x28: {  	s0 =	sadd.s32 $0x40, s23  }
0x29: {  	s2 =	smov.u32 s21;
	p2 =	slt.s32 s0, s9  }
0x2a: {  	s2 =	smov.u32 @p2 s0;
	p2 =	sne.s32 s24, s16  }
.Ltmp2:
0x2b: {  	_ = 	snop;
	(pc) =	sbr.rel @!p2 .LBB2_32-.Ltmp2, $4  }
0x2c: {  	_ = 	snop  }
0x2d: {  	s25 =	smov.u32 s22  }
0x2e: {  	s31 =	sadd.s32 $0x1, s24;
	s22 =	smov.u32 s23;
	p0 =	por !p0, !p0  }
0x2f: {  	p1 =	por !p1, !p1;
	s24 =	smov.u32 s31;
	s23 =	smov.u32 s2  }
.LBB2_3:
0x30: {  	p2 =	sge.u32 s24, s13  }
0x31: {  	s0 =	smov.u32 s23;
	p3 =	sgt.s32 @!p2 s23, $0x1840  }
0x32: {  	s2 =	sshra.s32 @!p2 s23, $0x1F;
	s3 =	smulhi.u32 @!p2 $0xAAAAAAAB, s24;
	p3 =	por !p3, p2  }
0x33: {  	s2 =	sand.u32 @!p2 s2, s23;
	s0 =	simm.s32 @p3 $0x1840  }
0x34: {  	s0 =	ssub.s32 @!p2 s0, s2;
	s2 =	sshrl.u32 @!p2 s3, $0x1  }
0x35: {  	s0 =	sadd.s32 @!p2 $0xFFFFE7C0, s0;
	s2 =	smul.u32 @!p2 $0x3, s2  }
0x36: {  	s4 =	sand.u32 @!p2 $0x7, s23;
	s3 =	sshll.u32 @!p2 s0, $0x2;
	p3 =	sgt.s32 @!p2 s0, $0x3F  }
0x37: {  	s0 =	ssub.s32 @!p2 $0x100, s3;
	s2 =	ssub.s32 @!p2 s24, s2;
	p3 =	por !p3, p2  }
0x38: {  	s3 =	sshrl.u32 @!p2 s23, $0x3;
	s0 =	sshrl.u32 @!p2 s0, $0x2;
	s2 =	sshll.u32 @!p2 s2, $0x6  }
0x39: {  	s3 =	sadd.s32 @!p2 s3, s12;
	s0 =	simm.s32 @!p3 $0x0;
	s2 =	sadd.s32 @!p2 $0xF648, s2  }
0x3a: {  	[tilespmem:s2], [sflag:$0xA] =	stream.linear.gather @!p2 [hbm4b:s3+s4], s0, $0x38;
	[tilespmem:$0x1B788] =	vst v63  }
0x3b: {  	s0 =	sadd.s32 $0xFFFFFFFF, s24  }
0x3c: {  	p2 =	sge.u32 s0, s13  }
.Ltmp3:
0x3d: {  	_ = 	snop;
	(pc) =	sbr.rel @p2 .LBB2_13-.Ltmp3, $1  }
0x3e: {  	_ =	sdelay $0x3  }
0x3f: {  	p2 =	sgt.s32 s22, $0x1840;
	s2 =	smov.u32 s22;
	s3 =	sshra.s32 s22, $0x1F  }
0x40: {  	s2 =	simm.s32 @!p2 $0x1840;
	s3 =	sand.u32 s3, s22  }
0x41: {  	s2 =	ssub.s32 s2, s3  }
0x42: {  	s4 =	smulhi.u32 $0xAAAAAAAB, s0;
	s2 =	sadd.s32 $0xFFFFE7C0, s2  }
0x43: {  	s5 =	sshll.u32 s2, $0x2  }
0x44: {  	s4 =	sshrl.u32 s4, $0x1;
	s5 =	ssub.s32 $0x100, s5  }
0x45: {  	s4 =	smul.u32 $0x3, s4;
	p2 =	sgt.s32 s2, $0x3F;
	s2 =	sshrl.u32 s5, $0x2  }
0x46: {  	s30 =	sand.u32 $0x1, s0;
	s7 =	simm.s32 $0xA;
	s2 =	simm.s32 @p2 $0x0  }
0x47: {  	s10 =	sand.u32 $0x7, s22;
	s4 =	ssub.s32 s0, s4;
	_ =	swait.ge [sflag:s7], s2  }
0x48: {  	s5 =	sshll.u32 s30, $0x6;
	s31 =	ssub.s32 $0x0, s2;
	[sflag:s7] =	ssyncset.done $0x0  }
0x49: {  	s8 =	rddreg [dreg:$0x6];
	[sflag:s7] =	ssyncadd.s32 s31;
	s7 =	sshrl.u32 s22, $0x3  }
0x4a: {  	s28 =	sshll.u32 s4, $0x6;
	s5 =	sor.u32 $0xF708, s5;
	s0 =	sadd.s32 s7, s8  }
0x4b: {  	[tilespmem:s5], [sflag:$0xB] =	stream.linear.gather [hbm4b:s0+s10], s2, $0x38;
	[tilespmem:$0x1B788] =	vst v63  }
0x4c: {  	v1 =	vld.msk [tilespmem:s28+$0xF648], $0xffff;
	_ =	sdelay $0x3  }
0x4d: {  	s11 =	simm.s32 $0x0  }
0x4e: {  	(v2sf) =	vpush v1, s11;
	_ =	sdelay $0x5  }
0x4f: {  	s14 =	simm.s32 $0x1  }
0x50: {  	(v2sf) =	vpush v1, s14;
	_ =	sdelay $0x3  }
0x51: {  	s3 =	simm.s32 $0x1  }
0x52: {  	s3 =	simm.s32 @!p0 $0x0;
	s30 =	simm.s32 $0x2  }
0x53: {  	s3 =	smul.u32 $0x18000, s3;
	(v2sf) =	vpush v1, s30  }
0x54: {  	s31 =	simm.s32 $0x3  }
0x55: {  	s3 =	sshrl.u32 s3, $0x2;
	s15 =	spop (v2sf);
	(v2sf) =	vpush v1, s31  }
0x56: {  	s26 =	sadd.s32 $0x13F88, s3  }
0x57: {  	s4 =	sor.u32 $0x10F88, s3;
	s0 =	sadd.s32 $0x12788, s3;
	s29 =	sshrl.u32 s15, $0x3  }
0x58: {  	s2 =	sadd.s32 $0xF788, s3;
	s3 =	sshll.u32 s15, $0x7;
	s5 =	smul.u32 $0xC00, s29  }
0x59: {  	s3 =	sand.u32 $0x380, s3  }
0x5a: {  	s3 =	sor.u32 s3, s5  }
0x5b: {  	s3 =	sshrl.u32 s3, $0x3  }
0x5c: {  	s5 =	spop (v2sf);
	s3 =	sadd.s32 s6, s3  }
0x5d: {  	[tilespmem:s2], [sflag:$0x9] =	stream.strided.gather [hbm4b:s3+s19], $0x180, s20, s19, $0x38;
	[tilespmem:$0x1B788] =	vst v63  }
0x5e: {  	s7 =	sshrl.u32 s5, $0x3;
	s3 =	simm.s32 $0x4  }
.LBB2_5:
0x5f: {  	(v2sf) =	vpush v1, s3;
	s7 =	smul.u32 $0xC00, s7;
	s5 =	sshll.u32 s5, $0x7;
	p2 =	seq.s32 s3, $0xF  }
.Ltmp4:
0x60: {  	s3 =	sadd.s32 $0x1, s3;
	s5 =	sand.u32 $0x380, s5;
	(pc) =	sbr.rel @!p2 .LBB2_5-.Ltmp4, $4  }
0x61: {  	s7 =	sor.u32 s5, s7  }
0x62: {  	s5 =	spop (v2sf);
	s10 =	sshrl.u32 s7, $0x3  }
0x63: {  	s2 =	sadd.s32 $0x180, s2;
	s7 =	sshrl.u32 s5, $0x3;
	s10 =	sadd.s32 s6, s10  }
0x64: {  	[tilespmem:s2], [sflag:$0x9] =	stream.strided.gather [hbm4b:s10+s19], $0x180, s20, s19, $0x38;
	[tilespmem:$0x1B788] =	vst v63  }
0x65: {  	s3 =	smul.u32 $0xC00, s7;
	s5 =	sshll.u32 s5, $0x7  }
0x66: {  	s5 =	sand.u32 $0x380, s5  }
0x67: {  	s15 =	spop (v2sf);
	s2 =	sadd.s32 $0x180, s2;
	s3 =	sor.u32 s5, s3  }
0x68: {  	s29 =	sshrl.u32 s15, $0x3;
	s5 =	sshll.u32 s15, $0x7;
	s3 =	sshrl.u32 s3, $0x3  }
0x69: {  	s30 =	smul.u32 $0xC00, s29;
	s5 =	sand.u32 $0x380, s5;
	s3 =	sadd.s32 s6, s3  }
0x6a: {  	[tilespmem:s2], [sflag:$0x9] =	stream.strided.gather [hbm4b:s3+s19], $0x180, s20, s19, $0x38;
	[tilespmem:$0x1B788] =	vst v63  }
0x6b: {  	s3 =	sor.u32 s5, s30  }
0x6c: {  	s3 =	sshrl.u32 s3, $0x3  }
0x6d: {  	s2 =	sadd.s32 $0x180, s2;
	s3 =	sadd.s32 s6, s3  }
0x6e: {  	[tilespmem:s2], [sflag:$0x9] =	stream.strided.gather [hbm4b:s3+s19], $0x180, s20, s19, $0x38;
	[tilespmem:$0x1B788] =	vst v63  }
0x6f: {  	s31 =	spop (v2sf)  }
0x70: {  	s8 =	sshrl.u32 s31, $0x3  }
0x71: {  	s5 =	sshll.u32 s31, $0x7;
	s10 =	smul.u32 $0xC00, s8  }
0x72: {  	s5 =	sand.u32 $0x380, s5  }
0x73: {  	s3 =	sor.u32 s5, s10  }
0x74: {  	s3 =	sshrl.u32 s3, $0x3  }
0x75: {  	s2 =	sadd.s32 $0x180, s2;
	s3 =	sadd.s32 s6, s3  }
0x76: {  	[tilespmem:s2], [sflag:$0x9] =	stream.strided.gather [hbm4b:s3+s19], $0x180, s20, s19, $0x38;
	[tilespmem:$0x1B788] =	vst v63  }
0x77: {  	v1 =	vld.msk [tilespmem:s28+$0xF658], $0xffff;
	_ =	sdelay $0x3  }
0x78: {  	s11 =	simm.s32 $0x0  }
0x79: {  	(v2sf) =	vpush v1, s11;
	_ =	sdelay $0x7  }
0x7a: {  	s14 =	simm.s32 $0x1  }
0x7b: {  	(v2sf) =	vpush v1, s14;
	_ =	sdelay $0x4  }
0x7c: {  	s30 =	simm.s32 $0x2  }
0x7d: {  	s15 =	spop (v2sf);
	(v2sf) =	vpush v1, s30  }
0x7e: {  	s31 =	simm.s32 $0x3  }
0x7f: {  	(v2sf) =	vpush v1, s31;
	_ =	sdelay $0x1  }
0x80: {  	s29 =	sshrl.u32 s15, $0x3  }
0x81: {  	s2 =	sshll.u32 s15, $0x7;
	s3 =	smul.u32 $0xC00, s29  }
0x82: {  	s2 =	sand.u32 $0x380, s2  }
0x83: {  	s2 =	sor.u32 s2, s3  }
0x84: {  	s2 =	sshrl.u32 s2, $0x3  }
0x85: {  	s3 =	spop (v2sf);
	s2 =	sadd.s32 s6, s2  }
0x86: {  	[tilespmem:s4], [sflag:$0x9] =	stream.strided.gather [hbm4b:s2+s19], $0x180, s20, s19, $0x38;
	[tilespmem:$0x1B788] =	vst v63  }
0x87: {  	s5 =	sshrl.u32 s3, $0x3;
	s2 =	simm.s32 $0x4  }
.LBB2_7:
0x88: {  	(v2sf) =	vpush v1, s2;
	s5 =	smul.u32 $0xC00, s5;
	s3 =	sshll.u32 s3, $0x7;
	p2 =	sne.s32 s2, $0xF  }
.Ltmp5:
0x89: {  	s2 =	sadd.s32 $0x1, s2;
	s3 =	sand.u32 $0x380, s3;
	(pc) =	sbr.rel @p2 .LBB2_7-.Ltmp5, $4  }
0x8a: {  	s5 =	sor.u32 s3, s5  }
0x8b: {  	s3 =	spop (v2sf);
	s7 =	sshrl.u32 s5, $0x3  }
0x8c: {  	s4 =	sadd.s32 $0x180, s4;
	s5 =	sshrl.u32 s3, $0x3;
	s7 =	sadd.s32 s6, s7  }
0x8d: {  	[tilespmem:s4], [sflag:$0x9] =	stream.strided.gather [hbm4b:s7+s19], $0x180, s20, s19, $0x38;
	[tilespmem:$0x1B788] =	vst v63  }
0x8e: {  	s2 =	smul.u32 $0xC00, s5;
	s3 =	sshll.u32 s3, $0x7  }
0x8f: {  	s3 =	sand.u32 $0x380, s3  }
0x90: {  	s15 =	spop (v2sf);
	s4 =	sadd.s32 $0x180, s4;
	s2 =	sor.u32 s3, s2  }
0x91: {  	s29 =	sshrl.u32 s15, $0x3;
	s3 =	sshll.u32 s15, $0x7;
	s2 =	sshrl.u32 s2, $0x3  }
0x92: {  	s30 =	smul.u32 $0xC00, s29;
	s3 =	sand.u32 $0x380, s3;
	s2 =	sadd.s32 s6, s2  }
0x93: {  	[tilespmem:s4], [sflag:$0x9] =	stream.strided.gather [hbm4b:s2+s19], $0x180, s20, s19, $0x38;
	[tilespmem:$0x1B788] =	vst v63  }
0x94: {  	s2 =	sor.u32 s3, s30  }
0x95: {  	s2 =	sshrl.u32 s2, $0x3  }
0x96: {  	s4 =	sadd.s32 $0x180, s4;
	s2 =	sadd.s32 s6, s2  }
0x97: {  	[tilespmem:s4], [sflag:$0x9] =	stream.strided.gather [hbm4b:s2+s19], $0x180, s20, s19, $0x38;
	[tilespmem:$0x1B788] =	vst v63  }
0x98: {  	s31 =	spop (v2sf)  }
0x99: {  	s7 =	sshrl.u32 s31, $0x3  }
0x9a: {  	s3 =	sshll.u32 s31, $0x7;
	s8 =	smul.u32 $0xC00, s7  }
0x9b: {  	s3 =	sand.u32 $0x380, s3  }
0x9c: {  	s2 =	sor.u32 s3, s8  }
0x9d: {  	s2 =	sshrl.u32 s2, $0x3  }
0x9e: {  	s10 =	sadd.s32 $0x180, s4;
	s2 =	sadd.s32 s6, s2  }
0x9f: {  	[tilespmem:s10], [sflag:$0x9] =	stream.strided.gather [hbm4b:s2+s19], $0x180, s20, s19, $0x38;
	[tilespmem:$0x1B788] =	vst v63  }
0xa0: {  	v1 =	vld.msk [tilespmem:s28+$0xF668], $0xffff;
	_ =	sdelay $0x3  }
0xa1: {  	s11 =	simm.s32 $0x0  }
0xa2: {  	(v2sf) =	vpush v1, s11;
	_ =	sdelay $0x7  }
0xa3: {  	s14 =	simm.s32 $0x1  }
0xa4: {  	(v2sf) =	vpush v1, s14;
	_ =	sdelay $0x4  }
0xa5: {  	s30 =	simm.s32 $0x2  }
0xa6: {  	s15 =	spop (v2sf);
	(v2sf) =	vpush v1, s30  }
0xa7: {  	s31 =	simm.s32 $0x3  }
0xa8: {  	(v2sf) =	vpush v1, s31;
	_ =	sdelay $0x1  }
0xa9: {  	s29 =	sshrl.u32 s15, $0x3  }
0xaa: {  	s2 =	sshll.u32 s15, $0x7;
	s3 =	smul.u32 $0xC00, s29  }
0xab: {  	s2 =	sand.u32 $0x380, s2  }
0xac: {  	s2 =	sor.u32 s2, s3  }
0xad: {  	s2 =	sshrl.u32 s2, $0x3  }
0xae: {  	s3 =	spop (v2sf);
	s2 =	sadd.s32 s6, s2  }
0xaf: {  	[tilespmem:s0], [sflag:$0x9] =	stream.strided.gather [hbm4b:s2+s19], $0x180, s20, s19, $0x38;
	[tilespmem:$0x1B788] =	vst v63  }
0xb0: {  	s4 =	sshrl.u32 s3, $0x3;
	s2 =	simm.s32 $0x4  }
.LBB2_9:
0xb1: {  	(v2sf) =	vpush v1, s2;
	s4 =	smul.u32 $0xC00, s4;
	s3 =	sshll.u32 s3, $0x7;
	p2 =	sne.s32 s2, $0xF  }
.Ltmp6:
0xb2: {  	s2 =	sadd.s32 $0x1, s2;
	s3 =	sand.u32 $0x380, s3;
	(pc) =	sbr.rel @p2 .LBB2_9-.Ltmp6, $4  }
0xb3: {  	s4 =	sor.u32 s3, s4  }
0xb4: {  	s3 =	spop (v2sf);
	s5 =	sshrl.u32 s4, $0x3  }
0xb5: {  	s0 =	sadd.s32 $0x180, s0;
	s4 =	sshrl.u32 s3, $0x3;
	s5 =	sadd.s32 s6, s5  }
0xb6: {  	[tilespmem:s0], [sflag:$0x9] =	stream.strided.gather [hbm4b:s5+s19], $0x180, s20, s19, $0x38;
	[tilespmem:$0x1B788] =	vst v63  }
0xb7: {  	s2 =	smul.u32 $0xC00, s4;
	s3 =	sshll.u32 s3, $0x7  }
0xb8: {  	s3 =	sand.u32 $0x380, s3  }
0xb9: {  	s31 =	spop (v2sf);
	s0 =	sadd.s32 $0x180, s0;
	s2 =	sor.u32 s3, s2  }
0xba: {  	s5 =	sshrl.u32 s31, $0x3;
	s3 =	sshll.u32 s31, $0x7;
	s2 =	sshrl.u32 s2, $0x3  }
0xbb: {  	s7 =	smul.u32 $0xC00, s5;
	s3 =	sand.u32 $0x380, s3;
	s2 =	sadd.s32 s6, s2  }
0xbc: {  	[tilespmem:s0], [sflag:$0x9] =	stream.strided.gather [hbm4b:s2+s19], $0x180, s20, s19, $0x38;
	[tilespmem:$0x1B788] =	vst v63  }
0xbd: {  	s2 =	sor.u32 s3, s7  }
0xbe: {  	s2 =	sshrl.u32 s2, $0x3  }
0xbf: {  	s0 =	sadd.s32 $0x180, s0;
	s2 =	sadd.s32 s6, s2  }
0xc0: {  	[tilespmem:s0], [sflag:$0x9] =	stream.strided.gather [hbm4b:s2+s19], $0x180, s20, s19, $0x38;
	[tilespmem:$0x1B788] =	vst v63  }
0xc1: {  	s8 =	spop (v2sf)  }
0xc2: {  	s10 =	sshrl.u32 s8, $0x3  }
0xc3: {  	s3 =	sshll.u32 s8, $0x7;
	s11 =	smul.u32 $0xC00, s10  }
0xc4: {  	s3 =	sand.u32 $0x380, s3  }
0xc5: {  	s2 =	sor.u32 s3, s11  }
0xc6: {  	s2 =	sshrl.u32 s2, $0x3  }
0xc7: {  	s0 =	sadd.s32 $0x180, s0;
	s2 =	sadd.s32 s6, s2  }
0xc8: {  	[tilespmem:s0], [sflag:$0x9] =	stream.strided.gather [hbm4b:s2+s19], $0x180, s20, s19, $0x38;
	[tilespmem:$0x1B788] =	vst v63  }
0xc9: {  	v1 =	vld.msk [tilespmem:s28+$0xF678], $0xffff;
	_ =	sdelay $0x3  }
0xca: {  	s14 =	simm.s32 $0x0  }
0xcb: {  	(v2sf) =	vpush v1, s14;
	_ =	sdelay $0x7  }
0xcc: {  	s15 =	simm.s32 $0x1  }
0xcd: {  	(v2sf) =	vpush v1, s15;
	_ =	sdelay $0x4  }
0xce: {  	s30 =	simm.s32 $0x2  }
0xcf: {  	s28 =	spop (v2sf);
	(v2sf) =	vpush v1, s30  }
0xd0: {  	s31 =	simm.s32 $0x3  }
0xd1: {  	(v2sf) =	vpush v1, s31;
	_ =	sdelay $0x1  }
0xd2: {  	s29 =	sshrl.u32 s28, $0x3  }
0xd3: {  	s0 =	sshll.u32 s28, $0x7;
	s2 =	smul.u32 $0xC00, s29  }
0xd4: {  	s0 =	sand.u32 $0x380, s0  }
0xd5: {  	s0 =	sor.u32 s0, s2  }
0xd6: {  	s0 =	sshrl.u32 s0, $0x3  }
0xd7: {  	s2 =	spop (v2sf);
	s0 =	sadd.s32 s6, s0  }
0xd8: {  	[tilespmem:s26], [sflag:$0x9] =	stream.strided.gather [hbm4b:s0+s19], $0x180, s20, s19, $0x38;
	[tilespmem:$0x1B788] =	vst v63  }
0xd9: {  	s3 =	sshrl.u32 s2, $0x3;
	s0 =	simm.s32 $0x4  }
.LBB2_11:
0xda: {  	(v2sf) =	vpush v1, s0;
	s3 =	smul.u32 $0xC00, s3;
	s2 =	sshll.u32 s2, $0x7;
	p2 =	seq.s32 s0, $0xF  }
.Ltmp7:
0xdb: {  	s0 =	sadd.s32 $0x1, s0;
	s2 =	sand.u32 $0x380, s2;
	(pc) =	sbr.rel @!p2 .LBB2_11-.Ltmp7, $4  }
0xdc: {  	s3 =	sor.u32 s2, s3  }
0xdd: {  	s2 =	spop (v2sf);
	s4 =	sshrl.u32 s3, $0x3  }
0xde: {  	s26 =	sadd.s32 $0x180, s26;
	s3 =	sshrl.u32 s2, $0x3;
	s4 =	sadd.s32 s6, s4  }
0xdf: {  	[tilespmem:s26], [sflag:$0x9] =	stream.strided.gather [hbm4b:s4+s19], $0x180, s20, s19, $0x38;
	[tilespmem:$0x1B788] =	vst v63  }
0xe0: {  	s0 =	smul.u32 $0xC00, s3;
	s2 =	sshll.u32 s2, $0x7  }
0xe1: {  	s2 =	sand.u32 $0x380, s2  }
0xe2: {  	s14 =	spop (v2sf);
	s4 =	sadd.s32 $0x180, s26;
	s0 =	sor.u32 s2, s0  }
0xe3: {  	s15 =	sshrl.u32 s14, $0x3;
	s2 =	sshll.u32 s14, $0x7;
	s0 =	sshrl.u32 s0, $0x3  }
0xe4: {  	s26 =	smul.u32 $0xC00, s15;
	s2 =	sand.u32 $0x380, s2;
	s0 =	sadd.s32 s6, s0  }
0xe5: {  	[tilespmem:s4], [sflag:$0x9] =	stream.strided.gather [hbm4b:s0+s19], $0x180, s20, s19, $0x38;
	[tilespmem:$0x1B788] =	vst v63  }
0xe6: {  	s0 =	sor.u32 s2, s26  }
0xe7: {  	s0 =	sshrl.u32 s0, $0x3  }
0xe8: {  	s4 =	sadd.s32 $0x180, s4;
	s0 =	sadd.s32 s6, s0  }
0xe9: {  	[tilespmem:s4], [sflag:$0x9] =	stream.strided.gather [hbm4b:s0+s19], $0x180, s20, s19, $0x38;
	[tilespmem:$0x1B788] =	vst v63  }
0xea: {  	s28 =	spop (v2sf)  }
0xeb: {  	s29 =	sshrl.u32 s28, $0x3  }
0xec: {  	s2 =	sshll.u32 s28, $0x7;
	s30 =	smul.u32 $0xC00, s29  }
0xed: {  	s2 =	sand.u32 $0x380, s2  }
0xee: {  	s0 =	sor.u32 s2, s30  }
0xef: {  	s0 =	sshrl.u32 s0, $0x3  }
0xf0: {  	s31 =	sadd.s32 $0x180, s4;
	s0 =	sadd.s32 s6, s0  }
0xf1: {  	[tilespmem:s31], [sflag:$0x9] =	stream.strided.gather [hbm4b:s0+s19], $0x180, s20, s19, $0x38;
	[tilespmem:$0x1B788] =	vst v63  }
.LBB2_13:
0xf2: {  	p2 =	slt.u32 s24, $0x2  }
.Ltmp8:
0xf3: {  	_ = 	snop;
	(pc) =	sbr.rel @p2 .LBB2_31-.Ltmp8, $1  }
0xf4: {  	_ =	sdelay $0x3  }
0xf5: {  	p2 =	sgt.s32 s25, $0x1840;
	s0 =	smov.u32 s25;
	s2 =	sshra.s32 s25, $0x1F  }
0xf6: {  	s0 =	simm.s32 @!p2 $0x1840;
	s2 =	sand.u32 s2, s25  }
0xf7: {  	s0 =	ssub.s32 s0, s2  }
0xf8: {  	s0 =	sadd.s32 $0xFFFFE7C0, s0  }
0xf9: {  	s3 =	simm.s32 $0x9;
	s28 =	sshll.u32 s0, $0x2  }
0xfa: {  	_ =	swait.ge [sflag:s3], $0x6000;
	s2 =	ssub.s32 $0x100, s28  }
0xfb: {  	[sflag:s3] =	ssyncset.done $0x0;
	p2 =	sgt.s32 s0, $0x3F;
	s0 =	sshrl.u32 s2, $0x2  }
0xfc: {  	s30 =	simm.s32 $0xB;
	[sflag:s3] =	ssyncadd.s32 $0xFFFFA000;
	s0 =	simm.s32 @p2 $0x0  }
0xfd: {  	_ =	swait.ge [sflag:s30], s0  }
0xfe: {  	s0 =	ssub.s32 $0x0, s0;
	[sflag:s30] =	ssyncset.done $0x0  }
0xff: {  	[sflag:s30] =	ssyncadd.s32 s0  }
0x100: {  	v1 =	vld [tilespmem:$0xC608];
	_ =	sdelay $0x4  }
0x101: {  	(v2sf) =	vpush v1, $0x0  }
0x102: {  	(v2sf) =	vpush v1, $0x1  }
0x103: {  	(v2sf) =	vpush v1, $0x2;
	_ =	sdelay $0x3  }
0x104: {  	s0 =	sadd.s32 $0x40, s25  }
0x105: {  	s3 =	ssub.s32 $0x3100, s25;
	p2 =	slt.s32 s9, s0  }
0x106: {  	s0 =	smov.u32 @p2 s9;
	p2 =	sgt.s32 s3, $0x0  }
0x107: {  	s2 =	ssub.s32 s0, s25;
	s3 =	simm.s32 @!p2 $0x0  }
0x108: {  	p2 =	slt.s32 s3, s2  }
0x109: {  	s2 =	smov.u32 @p2 s3  }
0x10a: {  	p2 =	slt.s32 s2, $0x1  }
.Ltmp9:
0x10b: {  	_ = 	snop;
	(pc) =	sbr.rel @p2 .LBB2_18-.Ltmp9, $4  }
0x10c: {  	s4 =	simm.s32 $0x1  }
0x10d: {  	s4 =	simm.s32 @!p1 $0x0;
	s5 =	spop (v2sf)  }
0x10e: {  	s31 =	sshll.u32 s4, $0x6;
	s29 =	spop (v2sf)  }
0x10f: {  	s26 =	sor.u32 $0xF708, s31;
	s25 =	spop (v2sf)  }
0x110: {  	s0 =	smin.u32 s2, $0x10  }
0x111: {  	v1 =	vmov s0  }
0x112: {  	vm1 =	vgt.u32 v1, v0;
	_ =	sdelay $0x1  }
0x113: {  	p3 =	sgt.s32 s2, $0x10  }
.Ltmp10:
0x114: {  	_ = 	snop;
	(pc) =	sbr.rel @!p3 .LBB2_17-.Ltmp10, $3  }
0x115: {  	_ =	sdelay $0x1  }
0x116: {  	v1 =	vld.msk [tilespmem:s26+$0x0 ss:$0x1], vm1  }
0x117: {  	s3 =	simm.s32 $0x10;
	s15 =	sadd.s32 $0xFFFFFFF0, s2;
	s0 =	smov.u32 s26;
	vm0 =	vmmov vm1  }
.LBB2_16:
0x118: {  	s7 =	smin.u32 s15, $0x10;
	s3 =	sadd.s32 $0x10, s3  }
0x119: {  	v2 =	vmov s7;
	p3 =	slt.s32 s3, s2  }
0x11a: {  	vm1 =	vgt.u32 v2, v0  }
0x11b: {  	v2 =	vshrl.u32 v1, $0x3  }
0x11c: {  	v1 =	vshll.u32 v1, $0x4;
	v2 =	vmul.u32 $0x180, v2  }
0x11d: {  	v1 =	vand.u32 $0x70, v1  }
.Ltmp11:
0x11e: {  	v1 =	vor.u32 v1, v2;
	(pc) =	sbr.rel @p3 .LBB2_16-.Ltmp11, $3  }
0x11f: {  	[tilespmem:s0+$0x0] =	vst.msk vm0, v1;
	s0 =	sadd.s32 $0x10, s0;
	vm0 =	vmmov vm1  }
0x120: {  	v1 =	vld.msk [tilespmem:s0+$0x0 ss:$0x1], vm1;
	_ =	sdelay $0x1  }
0x121: {  	s15 =	sadd.s32 $0xFFFFFFF0, s15  }
.LBB2_17:
0x122: {  	_ =	sdelay $0x2  }
0x123: {  	v2 =	vshrl.u32 v1, $0x3  }
0x124: {  	v1 =	vshll.u32 v1, $0x4;
	v2 =	vmul.u32 $0x180, v2  }
0x125: {  	v1 =	vand.u32 $0x70, v1  }
0x126: {  	v1 =	vor.u32 v1, v2  }
0x127: {  	[tilespmem:s0+$0x0] =	vst.msk vm0, v1  }
.LBB2_18:
0x128: {  	s0 =	sand.u32 $0x1, s24  }
0x129: {  	p3 =	sne.s32 s29, $0xFFFFFFFF;
	s0 =	sshll.u32 s0, $0x6  }
0x12a: {  	v1 =	vld.msk @!p3 [tilespmem:s0+$0xF708], $0x1;
	_ =	sdelay $0x4  }
0x12b: {  	(v2sf) =	vpush @!p3 v1, $0x0;
	_ =	sdelay $0xc  }
.Ltmp12:
0x12c: {  	_ = 	snop;
	(pc) =	sbr.rel @p2 .LBB2_29-.Ltmp12, $4  }
0x12d: {  	_ = 	snop  }
0x12e: {  	s0 =	spop @!p3 (v2sf)  }
0x12f: {  	s25 =	simm.s32 @!p3 $0x0;
	s28 =	smov.u32 s0  }
0x130: {  	[sflag:s17] =	ssyncpa.u1 $0x0;
	s0 =	smov.u32 @p3 s5;
	s28 =	smov.u32 @p3 s29  }
0x131: {  	v1 =	vld.msk [tilespmem:s26+$0x0], $0x1;
	_ =	sdelay $0x4  }
0x132: {  	(v2sf) =	vpush v1, $0x0;
	_ =	sdelay $0xe  }
0x133: {  	s16 =	smov.u32 s13;
	s3 =	smul.u32 $0x18000, s4;
	s4 =	spop (v2sf)  }
0x134: {  	s13 =	smov.u32 s9;
	s9 =	smov.u32 s12;
	p2 =	seq.s32 s0, s4  }
0x135: {  	s29 =	simm.s32 $0x0;
	s30 =	ssub.s32 $0x0, s2;
	p3 =	sgt.s32 @!p2 s0, $0x0  }
0x136: {  	s7 =	smov.u32 s0;
	s5 =	smul.u32 @!p2 $0x600, s29;
	p3 =	por !p3, p2  }
0x137: {  	s2 =	sadd.s32 $0x1, s30;
	s3 =	sshrl.u32 s3, $0x2;
	s7 =	simm.s32 @p3 $0x0  }
0x138: {  	s31 =	sadd.s32 $0xF848, s3;
	s5 =	sshra.s32 @!p2 s5, $0x2;
	s7 =	smin.u32 @!p2 s7, $0x24BEF0  }
0x139: {  	p3 =	seq.s32 s2, $0x0;
	s10 =	sadd.s32 @!p2 $0x6488, s5;
	s15 =	sand.u32 @!p2 $0x3FFFF8, s7  }
0x13a: {  	s11 =	sadd.s32 @!p2 $0x80, s7;
	s12 =	sadd.s32 @!p2 s1, s15;
	s15 =	sand.u32 @!p2 $0x7, s7  }
0x13b: {  	[tilespmem:s10], [sflag:$0x2] =	stream.linear.gather @!p2 [hbm4b:s12+s15], $0x80, $0x38;
	[tilespmem:$0x1B788] =	vst v63  }
.Ltmp13:
0x13c: {  	s3 =	simm.s32 @!p2 $0x1;
	s11 =	sand.u32 @!p2 $0x7FFFF8, s11;
	(pc) =	sbr.rel @p3 .LBB2_21-.Ltmp13, $4  }
0x13d: {  	s7 =	sadd.s32 @!p2 $0x100, s7;
	s10 =	sadd.s32 @!p2 $0x6508, s5;
	s11 =	sadd.s32 @!p2 s1, s11  }
0x13e: {  	[tilespmem:s10], [sflag:$0x2] =	stream.linear.gather @!p2 [hbm4b:s11+s15], $0x80, $0x38;
	[tilespmem:$0x1B788] =	vst v63  }
0x13f: {  	s3 =	smov.u32 @p2 s29;
	s10 =	sand.u32 @!p2 $0x7FFFF8, s7  }
0x140: {  	s7 =	sadd.s32 @!p2 $0x6588, s5;
	s5 =	sadd.s32 $0x1, s26;
	s10 =	sadd.s32 @!p2 s1, s10  }
.LBB2_20:
0x141: {  	s11 =	smov.u32 s3  }
0x142: {  	[tilespmem:s7], [sflag:$0x2] =	stream.linear.gather @!p2 [hbm4b:s10+s15], $0x80, $0x38;
	[tilespmem:$0x1B788] =	vst v63  }
0x143: {  	s2 =	sadd.s32 $0x1, s2;
	s7 =	smov.u32 s4  }
0x144: {  	p3 =	seq.s32 s2, $0x0;
	v1 =	vld.msk [tilespmem:s5+$0x0], $0x1;
	_ =	sdelay $0x4  }
0x145: {  	(v2sf) =	vpush v1, $0x0;
	_ =	sdelay $0xe  }
0x146: {  	s4 =	spop (v2sf)  }
0x147: {  	p2 =	seq.s32 s7, s4  }
0x148: {  	p4 =	sgt.s32 @!p2 s7, $0x0  }
0x149: {  	s10 =	smul.u32 @!p2 $0x600, s3;
	s3 =	sadd.s32 @!p2 $0x1, s3;
	p4 =	por !p4, p2  }
0x14a: {  	s3 =	smov.u32 @p2 s11;
	s7 =	simm.s32 @p4 $0x0  }
0x14b: {  	s10 =	sshra.s32 @!p2 s10, $0x2;
	s7 =	smin.u32 @!p2 s7, $0x24BEF0  }
0x14c: {  	s11 =	sadd.s32 @!p2 $0x6488, s10;
	s12 =	sadd.s32 @!p2 $0x6508, s10;
	s15 =	sand.u32 @!p2 $0x3FFFF8, s7  }
0x14d: {  	s14 =	sadd.s32 @!p2 $0x80, s7;
	s17 =	sadd.s32 @!p2 $0x100, s7;
	s8 =	sadd.s32 @!p2 s1, s15  }
.Ltmp14:
0x14e: {  	s15 =	sand.u32 @!p2 $0x7, s7;
	s7 =	sand.u32 @!p2 $0x7FFFF8, s14;
	(pc) =	sbr.rel @!p3 .LBB2_20-.Ltmp14, $4  }
0x14f: {  	[tilespmem:s11], [sflag:$0x2] =	stream.linear.gather @!p2 [hbm4b:s8+s15], $0x80, $0x38;
	[tilespmem:$0x1B788] =	vst v63  }
0x150: {  	s8 =	sadd.s32 @!p2 s1, s7;
	s11 =	sand.u32 @!p2 $0x7FFFF8, s17;
	s7 =	sadd.s32 @!p2 $0x6588, s10  }
0x151: {  	[tilespmem:s12], [sflag:$0x2] =	stream.linear.gather @!p2 [hbm4b:s8+s15], $0x80, $0x38;
	[tilespmem:$0x1B788] =	vst v63  }
0x152: {  	s5 =	sadd.s32 $0x1, s5;
	s10 =	sadd.s32 @!p2 s1, s11  }
.LBB2_21:
0x153: {  	s2 =	smul.u32 $0x600, s3  }
0x154: {  	[tilespmem:s7], [sflag:$0x2] =	stream.linear.gather @!p2 [hbm4b:s10+s15], $0x80, $0x38;
	[tilespmem:$0x1B788] =	vst v63  }
.Ltmp15:
0x155: {  	s17 =	simm.s32 $0x2;
	(pc) =	sbr.rel .LBB2_22-.Ltmp15, $4  }
0x156: {  	s4 =	simm.s32 $0x0;
	s12 =	smov.u32 s9;
	s2 =	sshrl.u32 s2, $0x2  }
0x157: {  	s9 =	smov.u32 s13;
	s13 =	smov.u32 s16;
	_ =	swait.ge [sflag:s17], s2  }
0x158: {  	s10 =	simm.s32 $0x1;
	s2 =	ssub.s32 $0x0, s2;
	[sflag:s17] =	ssyncset.done $0x0  }
0x159: {  	s16 =	rddreg [dreg:$0x7];
	[sflag:s17] =	ssyncadd.s32 s2;
	s17 =	simm.s32 $0xC  }
.LBB2_23:
0x15a: {  	v1 =	vld [tilespmem:s31+$0xFFFFFF40];
	_ =	sdelay $0x4  }
0x15b: {  	[tilespmem:s2+$0x308] =	vst.add.f32.msk $0xffff, v1  }
0x15c: {  	v1 =	vld [tilespmem:s31+$0xFFFFFF50];
	_ =	sdelay $0x4  }
0x15d: {  	[tilespmem:s2+$0x318] =	vst.add.f32.msk $0xffff, v1  }
0x15e: {  	v1 =	vld [tilespmem:s31+$0xFFFFFF60];
	_ =	sdelay $0x4  }
0x15f: {  	[tilespmem:s2+$0x328] =	vst.add.f32.msk $0xffff, v1  }
0x160: {  	v1 =	vld [tilespmem:s31+$0xFFFFFF70];
	_ =	sdelay $0x4  }
0x161: {  	[tilespmem:s2+$0x338] =	vst.add.f32.msk $0xffff, v1  }
0x162: {  	v1 =	vld [tilespmem:s31+$0xFFFFFF80];
	_ =	sdelay $0x4  }
0x163: {  	[tilespmem:s2+$0x348] =	vst.add.f32.msk $0xffff, v1  }
0x164: {  	v1 =	vld [tilespmem:s31+$0xFFFFFF90];
	_ =	sdelay $0x4  }
0x165: {  	[tilespmem:s2+$0x358] =	vst.add.f32.msk $0xffff, v1  }
0x166: {  	v1 =	vld [tilespmem:s31+$0xFFFFFFA0];
	_ =	sdelay $0x4  }
0x167: {  	[tilespmem:s2+$0x368] =	vst.add.f32.msk $0xffff, v1  }
0x168: {  	v1 =	vld [tilespmem:s31+$0xFFFFFFB0];
	_ =	sdelay $0x4  }
0x169: {  	[tilespmem:s2+$0x378] =	vst.add.f32.msk $0xffff, v1  }
0x16a: {  	v1 =	vld [tilespmem:s31+$0xFFFFFFC0];
	_ =	sdelay $0x4  }
0x16b: {  	[tilespmem:s2+$0x388] =	vst.add.f32.msk $0xffff, v1  }
0x16c: {  	v1 =	vld [tilespmem:s31+$0xFFFFFFD0];
	_ =	sdelay $0x4  }
0x16d: {  	[tilespmem:s2+$0x398] =	vst.add.f32.msk $0xffff, v1  }
0x16e: {  	v1 =	vld [tilespmem:s31+$0xFFFFFFE0];
	_ =	sdelay $0x4  }
0x16f: {  	[tilespmem:s2+$0x3A8] =	vst.add.f32.msk $0xffff, v1  }
0x170: {  	v1 =	vld [tilespmem:s31+$0xFFFFFFF0];
	_ =	sdelay $0x4  }
0x171: {  	[tilespmem:s2+$0x3B8] =	vst.add.f32.msk $0xffff, v1  }
0x172: {  	v1 =	vld [tilespmem:s31+$0x0];
	_ =	sdelay $0x4  }
0x173: {  	[tilespmem:s2+$0x3C8] =	vst.add.f32.msk $0xffff, v1  }
0x174: {  	v1 =	vld [tilespmem:s31+$0x10];
	_ =	sdelay $0x4  }
0x175: {  	[tilespmem:s2+$0x3D8] =	vst.add.f32.msk $0xffff, v1  }
0x176: {  	v1 =	vld [tilespmem:s31+$0x20];
	_ =	sdelay $0x4  }
0x177: {  	[tilespmem:s2+$0x3E8] =	vst.add.f32.msk $0xffff, v1  }
0x178: {  	v1 =	vld [tilespmem:s31+$0x30];
	_ =	sdelay $0x4  }
0x179: {  	[tilespmem:s2+$0x3F8] =	vst.add.f32.msk $0xffff, v1  }
0x17a: {  	v1 =	vld [tilespmem:s31+$0x40];
	_ =	sdelay $0x4  }
0x17b: {  	[tilespmem:s2+$0x408] =	vst.add.f32.msk $0xffff, v1  }
0x17c: {  	v1 =	vld [tilespmem:s31+$0x50];
	_ =	sdelay $0x4  }
0x17d: {  	[tilespmem:s2+$0x418] =	vst.add.f32.msk $0xffff, v1  }
0x17e: {  	v1 =	vld [tilespmem:s31+$0x60];
	_ =	sdelay $0x4  }
0x17f: {  	[tilespmem:s2+$0x428] =	vst.add.f32.msk $0xffff, v1  }
0x180: {  	v1 =	vld [tilespmem:s31+$0x70];
	_ =	sdelay $0x4  }
0x181: {  	[tilespmem:s2+$0x438] =	vst.add.f32.msk $0xffff, v1  }
0x182: {  	v1 =	vld [tilespmem:s31+$0x80];
	_ =	sdelay $0x4  }
0x183: {  	[tilespmem:s2+$0x448] =	vst.add.f32.msk $0xffff, v1  }
0x184: {  	v1 =	vld [tilespmem:s31+$0x90];
	_ =	sdelay $0x4  }
0x185: {  	[tilespmem:s2+$0x458] =	vst.add.f32.msk $0xffff, v1  }
0x186: {  	v1 =	vld [tilespmem:s31+$0xA0];
	_ =	sdelay $0x4  }
0x187: {  	[tilespmem:s2+$0x468] =	vst.add.f32.msk $0xffff, v1  }
0x188: {  	v1 =	vld [tilespmem:s31+$0xB0];
	_ =	sdelay $0x4  }
0x189: {  	[tilespmem:s2+$0x478] =	vst.add.f32.msk $0xffff, v1  }
.LBB2_27:
0x18a: {  	s30 =	sadd.s32 $0x1, s30  }
0x18b: {  	p2 =	seq.s32 s30, $0x0  }
.Ltmp16:
0x18c: {  	_ = 	snop;
	(pc) =	sbr.rel @p2 .LBB2_28-.Ltmp16, $2  }
0x18d: {  	_ =	sdelay $0x2  }
0x18e: {  	s26 =	sadd.s32 $0x1, s26;
	s31 =	sadd.s32 $0x180, s31;
	s0 =	smov.u32 s5  }
.LBB2_22:
0x18f: {  	v1 =	vld.msk [tilespmem:s26+$0x0], $0x1;
	_ =	sdelay $0x4  }
0x190: {  	(v2sf) =	vpush v1, $0x0;
	_ =	sdelay $0xe  }
0x191: {  	s5 =	spop (v2sf)  }
0x192: {  	p2 =	sne.s32 s0, s5  }
.Ltmp17:
0x193: {  	_ = 	snop;
	(pc) =	sbr.rel @!p2 .LBB2_23-.Ltmp17, $3  }
0x194: {  	_ = 	snop  }
0x195: {  	s2 =	smul.u32 $0x600, s25;
	_ =	sdelay $0x1  }
0x196: {  	s2 =	sshra.s32 s2, $0x2  }
0x197: {  	p2 =	seq.s32 s0, s28  }
.Ltmp18:
0x198: {  	_ = 	snop;
	(pc) =	sbr.rel @!p2 .LBB2_25-.Ltmp18, $1  }
0x199: {  	_ =	sdelay $0x3  }
.Ltmp19:
0x19a: {  	s0 =	sadd.s32 $0x308, s2;
	(pc) =	sbr.rel .LBB2_26-.Ltmp19, $4  }
0x19b: {  	[spmem:s18] =	stream.linear.scatter [tilespmem:s0], [sflag:$0x1], $0x180, $0x38;
	[tilespmem:$0x1B788] =	vst v63  }
0x19c: {  	_ =	swait.ge [sflag:s10], $0x180  }
0x19d: {  	[sflag:s10] =	ssyncset.done $0x0  }
0x19e: {  	[sflag:s10] =	ssyncadd.s32 $0xFFFFFE80  }
.LBB2_25:
0x19f: {  	s3 =	smul.u32 $0x600, s29;
	_ =	sdelay $0x1  }
0x1a0: {  	s3 =	sshra.s32 s3, $0x2  }
0x1a1: {  	v1 =	vld [tilespmem:s3+$0x6488];
	_ =	sdelay $0x4  }
0x1a2: {  	[tilespmem:s2+$0x308] =	vst.add.f32.msk $0xffff, v1  }
0x1a3: {  	v1 =	vld [tilespmem:s3+$0x6498];
	_ =	sdelay $0x4  }
0x1a4: {  	[tilespmem:s2+$0x318] =	vst.add.f32.msk $0xffff, v1  }
0x1a5: {  	v1 =	vld [tilespmem:s3+$0x64A8];
	_ =	sdelay $0x4  }
0x1a6: {  	[tilespmem:s2+$0x328] =	vst.add.f32.msk $0xffff, v1  }
0x1a7: {  	v1 =	vld [tilespmem:s3+$0x64B8];
	_ =	sdelay $0x4  }
0x1a8: {  	[tilespmem:s2+$0x338] =	vst.add.f32.msk $0xffff, v1  }
0x1a9: {  	v1 =	vld [tilespmem:s3+$0x64C8];
	_ =	sdelay $0x4  }
0x1aa: {  	[tilespmem:s2+$0x348] =	vst.add.f32.msk $0xffff, v1  }
0x1ab: {  	v1 =	vld [tilespmem:s3+$0x64D8];
	_ =	sdelay $0x4  }
0x1ac: {  	[tilespmem:s2+$0x358] =	vst.add.f32.msk $0xffff, v1  }
0x1ad: {  	v1 =	vld [tilespmem:s3+$0x64E8];
	_ =	sdelay $0x4  }
0x1ae: {  	[tilespmem:s2+$0x368] =	vst.add.f32.msk $0xffff, v1  }
0x1af: {  	v1 =	vld [tilespmem:s3+$0x64F8];
	_ =	sdelay $0x4  }
0x1b0: {  	[tilespmem:s2+$0x378] =	vst.add.f32.msk $0xffff, v1  }
0x1b1: {  	v1 =	vld [tilespmem:s3+$0x6508];
	_ =	sdelay $0x4  }
0x1b2: {  	[tilespmem:s2+$0x388] =	vst.add.f32.msk $0xffff, v1  }
0x1b3: {  	v1 =	vld [tilespmem:s3+$0x6518];
	_ =	sdelay $0x4  }
0x1b4: {  	[tilespmem:s2+$0x398] =	vst.add.f32.msk $0xffff, v1  }
0x1b5: {  	v1 =	vld [tilespmem:s3+$0x6528];
	_ =	sdelay $0x4  }
0x1b6: {  	[tilespmem:s2+$0x3A8] =	vst.add.f32.msk $0xffff, v1  }
0x1b7: {  	v1 =	vld [tilespmem:s3+$0x6538];
	_ =	sdelay $0x4  }
0x1b8: {  	[tilespmem:s2+$0x3B8] =	vst.add.f32.msk $0xffff, v1  }
0x1b9: {  	v1 =	vld [tilespmem:s3+$0x6548];
	_ =	sdelay $0x4  }
0x1ba: {  	[tilespmem:s2+$0x3C8] =	vst.add.f32.msk $0xffff, v1  }
0x1bb: {  	v1 =	vld [tilespmem:s3+$0x6558];
	_ =	sdelay $0x4  }
0x1bc: {  	[tilespmem:s2+$0x3D8] =	vst.add.f32.msk $0xffff, v1  }
0x1bd: {  	v1 =	vld [tilespmem:s3+$0x6568];
	_ =	sdelay $0x4  }
0x1be: {  	[tilespmem:s2+$0x3E8] =	vst.add.f32.msk $0xffff, v1  }
0x1bf: {  	v1 =	vld [tilespmem:s3+$0x6578];
	_ =	sdelay $0x4  }
0x1c0: {  	[tilespmem:s2+$0x3F8] =	vst.add.f32.msk $0xffff, v1  }
0x1c1: {  	v1 =	vld [tilespmem:s3+$0x6588];
	_ =	sdelay $0x4  }
0x1c2: {  	[tilespmem:s2+$0x408] =	vst.add.f32.msk $0xffff, v1  }
0x1c3: {  	v1 =	vld [tilespmem:s3+$0x6598];
	_ =	sdelay $0x4  }
0x1c4: {  	[tilespmem:s2+$0x418] =	vst.add.f32.msk $0xffff, v1  }
0x1c5: {  	v1 =	vld [tilespmem:s3+$0x65A8];
	_ =	sdelay $0x4  }
0x1c6: {  	[tilespmem:s2+$0x428] =	vst.add.f32.msk $0xffff, v1  }
0x1c7: {  	v1 =	vld [tilespmem:s3+$0x65B8];
	_ =	sdelay $0x4  }
0x1c8: {  	[tilespmem:s2+$0x438] =	vst.add.f32.msk $0xffff, v1  }
0x1c9: {  	v1 =	vld [tilespmem:s3+$0x65C8];
	_ =	sdelay $0x4  }
0x1ca: {  	[tilespmem:s2+$0x448] =	vst.add.f32.msk $0xffff, v1  }
0x1cb: {  	v1 =	vld [tilespmem:s3+$0x65D8];
	_ =	sdelay $0x4  }
0x1cc: {  	[tilespmem:s2+$0x458] =	vst.add.f32.msk $0xffff, v1  }
0x1cd: {  	v1 =	vld [tilespmem:s3+$0x65E8];
	_ =	sdelay $0x4  }
0x1ce: {  	[tilespmem:s2+$0x468] =	vst.add.f32.msk $0xffff, v1  }
0x1cf: {  	v1 =	vld [tilespmem:s3+$0x65F8];
	_ =	sdelay $0x2  }
0x1d0: {  	p2 =	sgt.u32 s0, $0x24BEF0  }
0x1d1: {  	s3 =	sand.u32 @!p2 $0x3FFFF8, s0  }
0x1d2: {  	s7 =	sadd.s32 $0x308, s2;
	s8 =	sand.u32 @!p2 $0x7, s0;
	s3 =	sadd.s32 @!p2 s1, s3;
	[tilespmem:s2+$0x478] =	vst.add.f32.msk $0xffff, v1  }
0x1d3: {  	[hbm4b:s3+s8] =	stream.linear.scatter @!p2 [tilespmem:s7], [sflag:$0xC], $0x80, $0x38;
	[tilespmem:$0x1B788] =	vst v63  }
0x1d4: {  	s3 =	sadd.s32 @!p2 $0x80, s0  }
0x1d5: {  	s0 =	sadd.s32 @!p2 $0x100, s0;
	s3 =	sand.u32 @!p2 $0x7FFFF8, s3  }
0x1d6: {  	s7 =	sadd.s32 $0x388, s2;
	s0 =	sand.u32 @!p2 $0x7FFFF8, s0;
	s3 =	sadd.s32 @!p2 s1, s3  }
0x1d7: {  	[hbm4b:s3+s8] =	stream.linear.scatter @!p2 [tilespmem:s7], [sflag:$0xC], $0x80, $0x38;
	[tilespmem:$0x1B788] =	vst v63  }
0x1d8: {  	s2 =	sadd.s32 $0x408, s2;
	s0 =	sadd.s32 @!p2 s1, s0  }
0x1d9: {  	[hbm4b:s0+s8] =	stream.linear.scatter @!p2 [tilespmem:s2], [sflag:$0xC], $0x80, $0x38;
	[tilespmem:$0x1B788] =	vst v63  }
0x1da: {  	s0 =	simm.s32 $0x0  }
0x1db: {  	s0 =	simm.s32 @!p2 $0x600  }
0x1dc: {  	s4 =	sadd.s32 s0, s4  }
.LBB2_26:
0x1dd: {  	s0 =	sadd.s32 $0x1, s25;
	v1 =	vld [tilespmem:s31+$0xFFFFFF40]  }
0x1de: {  	s25 =	sand.u32 $0x3F, s0  }
0x1df: {  	s0 =	smul.u32 $0x600, s25;
	_ =	sdelay $0x1  }
0x1e0: {  	s0 =	sshrl.u32 s0, $0x2  }
0x1e1: {  	[tilespmem:s0+$0x308] =	vst v1  }
0x1e2: {  	v1 =	vld [tilespmem:s31+$0xFFFFFF50];
	_ =	sdelay $0x4  }
0x1e3: {  	[tilespmem:s0+$0x318] =	vst v1  }
0x1e4: {  	v1 =	vld [tilespmem:s31+$0xFFFFFF60];
	_ =	sdelay $0x4  }
0x1e5: {  	[tilespmem:s0+$0x328] =	vst v1  }
0x1e6: {  	v1 =	vld [tilespmem:s31+$0xFFFFFF70];
	_ =	sdelay $0x4  }
0x1e7: {  	[tilespmem:s0+$0x338] =	vst v1  }
0x1e8: {  	v1 =	vld [tilespmem:s31+$0xFFFFFF80];
	_ =	sdelay $0x4  }
0x1e9: {  	[tilespmem:s0+$0x348] =	vst v1  }
0x1ea: {  	v1 =	vld [tilespmem:s31+$0xFFFFFF90];
	_ =	sdelay $0x4  }
0x1eb: {  	[tilespmem:s0+$0x358] =	vst v1  }
0x1ec: {  	v1 =	vld [tilespmem:s31+$0xFFFFFFA0];
	_ =	sdelay $0x4  }
0x1ed: {  	[tilespmem:s0+$0x368] =	vst v1  }
0x1ee: {  	v1 =	vld [tilespmem:s31+$0xFFFFFFB0];
	_ =	sdelay $0x4  }
0x1ef: {  	[tilespmem:s0+$0x378] =	vst v1  }
0x1f0: {  	v1 =	vld [tilespmem:s31+$0xFFFFFFC0];
	_ =	sdelay $0x4  }
0x1f1: {  	[tilespmem:s0+$0x388] =	vst v1  }
0x1f2: {  	v1 =	vld [tilespmem:s31+$0xFFFFFFD0];
	_ =	sdelay $0x4  }
0x1f3: {  	[tilespmem:s0+$0x398] =	vst v1  }
0x1f4: {  	v1 =	vld [tilespmem:s31+$0xFFFFFFE0];
	_ =	sdelay $0x4  }
0x1f5: {  	[tilespmem:s0+$0x3A8] =	vst v1  }
0x1f6: {  	v1 =	vld [tilespmem:s31+$0xFFFFFFF0];
	_ =	sdelay $0x4  }
0x1f7: {  	[tilespmem:s0+$0x3B8] =	vst v1  }
0x1f8: {  	v1 =	vld [tilespmem:s31+$0x0];
	_ =	sdelay $0x4  }
0x1f9: {  	[tilespmem:s0+$0x3C8] =	vst v1  }
0x1fa: {  	v1 =	vld [tilespmem:s31+$0x10];
	_ =	sdelay $0x4  }
0x1fb: {  	[tilespmem:s0+$0x3D8] =	vst v1  }
0x1fc: {  	v1 =	vld [tilespmem:s31+$0x20];
	_ =	sdelay $0x4  }
0x1fd: {  	[tilespmem:s0+$0x3E8] =	vst v1  }
0x1fe: {  	v1 =	vld [tilespmem:s31+$0x30];
	_ =	sdelay $0x4  }
0x1ff: {  	[tilespmem:s0+$0x3F8] =	vst v1  }
0x200: {  	v1 =	vld [tilespmem:s31+$0x40];
	_ =	sdelay $0x4  }
0x201: {  	[tilespmem:s0+$0x408] =	vst v1  }
0x202: {  	v1 =	vld [tilespmem:s31+$0x50];
	_ =	sdelay $0x4  }
0x203: {  	[tilespmem:s0+$0x418] =	vst v1  }
0x204: {  	v1 =	vld [tilespmem:s31+$0x60];
	_ =	sdelay $0x4  }
0x205: {  	[tilespmem:s0+$0x428] =	vst v1  }
0x206: {  	v1 =	vld [tilespmem:s31+$0x70];
	_ =	sdelay $0x4  }
0x207: {  	[tilespmem:s0+$0x438] =	vst v1  }
0x208: {  	v1 =	vld [tilespmem:s31+$0x80];
	_ =	sdelay $0x4  }
0x209: {  	[tilespmem:s0+$0x448] =	vst v1  }
0x20a: {  	v1 =	vld [tilespmem:s31+$0x90];
	_ =	sdelay $0x4  }
0x20b: {  	[tilespmem:s0+$0x458] =	vst v1  }
0x20c: {  	v1 =	vld [tilespmem:s31+$0xA0];
	_ =	sdelay $0x4  }
0x20d: {  	[tilespmem:s0+$0x468] =	vst v1  }
0x20e: {  	v1 =	vld [tilespmem:s31+$0xB0]  }
.Ltmp20:
0x20f: {  	_ = 	snop;
	(pc) =	sbr.rel .LBB2_27-.Ltmp20, $2  }
0x210: {  	_ =	sdelay $0x2  }
0x211: {  	s29 =	sadd.s32 $0x1, s29;
	[tilespmem:s0+$0x478] =	vst v1  }
.LBB2_29:
.Ltmp21:
0x212: {  	(pc) =	sbr.rel .LBB2_30-.Ltmp21, $4  }
0x213: {  	_ = 	snop  }
0x214: {  	s2 =	simm.s32 $0x2  }
0x215: {  	_ =	swait.ge [sflag:s2], $0x0  }
0x216: {  	s5 =	smov.u32 s0;
	[sflag:s2] =	ssyncset.done $0x0;
	s2 =	simm.s32 $0x0  }
.LBB2_32:
0x217: {  	_ =	sfence.sel $0x180000  }
0x218: {  	s0 =	simm.s32 $0x9;
	[bflag:$0x0] =	sbarrier.arrive $0xFFFF  }
0x219: {  	s24 =	simm.s32 $0xA;
	[sflag:s0] =	ssyncpa.u1 $0x1  }
0x21a: {  	s25 =	simm.s32 $0xB;
	[sflag:s24] =	ssyncpa.u1 $0x1  }
0x21b: {  	s26 =	simm.s32 $0x2;
	[sflag:s25] =	ssyncpa.u1 $0x1  }
0x21c: {  	[sflag:s26] =	ssyncpa.u1 $0x1  }
0x21d: {  	v0 =	vld [tilespmem:$0xC608];
	_ =	sdelay $0x4  }
0x21e: {  	(v2sf) =	vpush v0, $0x0  }
0x21f: {  	(v2sf) =	vpush v0, $0x1  }
0x220: {  	(v2sf) =	vpush v0, $0x2;
	_ =	sdelay $0xc  }
0x221: {  	s0 =	spop (v2sf)  }
0x222: {  	s2 =	spop (v2sf)  }
0x223: {  	s3 =	smov.u32 s0;
	p0 =	sne.s32 s0, s2;
	s4 =	spop (v2sf)  }
0x224: {  	s3 =	simm.s32 @!p0 $0xFFFFFFFF;
	p0 =	seq.s32 s4, $0xFFFFFFFF  }
0x225: {  	v2 =	vimm.s32 $0x1;
	v3 =	vlaneseq.u32;
	v1 =	vmov s3;
	p1 =	sne.s32 @!p0 s0, s2  }
0x226: {  	s16 =	stileid.u32;
	v0 =	vperm.xlane v0, v2;
	s0 =	simm.s32 @!p0 $0x1;
	v1 =	vperm.xlane v1, v3;
	p1 =	por !p1, p0  }
0x227: {  	vm0 =	vcmask $0x3F04;
	s3 =	sshll.u32 s16, $0x1;
	s2 =	smul.u32 @!p0 $0x600, s4;
	s0 =	simm.s32 @p1 $0x0  }
0x228: {  	s6 =	simm.s32 $0xC608;
	v0 =	vsel vm0, v1, v0;
	s0 =	sor.u32 @!p0 s0, s3  }
0x229: {  	s5 =	sor.u32 $0x3000, s3;
	s2 =	sshra.s32 @!p0 s2, $0x2;
	[tilespmem:$0xC608] =	vst v0;
	s0 =	smul.u32 @!p0 $0x600, s0  }
0x22a: {  	[spmem:s5] =	stream.linear.scatter [tilespmem:s6], [sflag:$0x1], $0x2, $0x38;
	[tilespmem:$0x1B788] =	vst v63  }
0x22b: {  	s2 =	sadd.s32 @!p0 $0x308, s2;
	s0 =	sshrl.u32 @!p0 s0, $0x2  }
0x22c: {  	[spmem:s0] =	stream.linear.scatter @!p0 [tilespmem:s2], [sflag:$0x1], $0x180, $0x38;
	[tilespmem:$0x1B788] =	vst v63  }
0x22d: {  	s0 =	simm.s32 @!p0 $0x182  }
0x22e: {  	s28 =	simm.s32 $0x1;
	s0 =	simm.s32 @p0 $0x2  }
0x22f: {  	_ =	swait.ge [sflag:s28], s0  }
0x230: {  	s0 =	ssub.s32 $0x0, s0;
	[sflag:s28] =	ssyncset.done $0x0  }
0x231: {  	p0 =	sne.s32 s16, $0x0;
	[sflag:s28] =	ssyncadd.s32 s0  }
.Ltmp22:
0x232: {  	_ =	sfence.stream.spmem;
	(pc) =	sbr.rel @p0 .LBB2_52-.Ltmp22, $4  }
0x233: {  	s29 =	simm.s32 $0x3;
	[bflag:$0x0] =	sbarrier.arrive $0xFFFF  }
0x234: {  	s30 =	simm.s32 $0x4;
	[sflag:s29] =	ssyncpa.u1 $0x1  }
0x235: {  	s31 =	simm.s32 $0x3C;
	[sflag:s30] =	ssyncpa.u1 $0x1  }
0x236: {  	s15 =	rddreg [dreg:$0x5];
	[sflag:s31] =	ssyncpa.u1 $0x1  }
0x237: {  	_ =	sfence.stream.spmem;
	s0 =	simm.s32 $0x5  }
0x238: {  	s2 =	simm.s32 $0x3000;
	s3 =	simm.s32 $0xC618;
	[sflag:s0] =	ssyncpa.u1 $0x0  }
0x239: {  	[tilespmem:s3], [sflag:$0x5] =	stream.linear.gather [spmem:s2], $0x20, $0x38;
	[tilespmem:$0x1B788] =	vst v63  }
0x23a: {  	s26 =	simm.s32 $0x0;
	s28 =	simm.s32 $0xC638  }
0x23b: {  	[tilespmem:s28], [sflag:$0x5] =	stream.linear.gather [spmem:s26], $0x3000, $0x38;
	[tilespmem:$0x1B788] =	vst v63  }
0x23c: {  	_ =	swait.ge [sflag:s0], $0x3020  }
0x23d: {  	[sflag:s0] =	ssyncset.done $0x0  }
0x23e: {  	s29 =	simm.s32 $0x0;
	[sflag:s0] =	ssyncadd.s32 $0xFFFFCFE0  }
0x23f: {  	v0 =	vld.msk [tilespmem:s29+$0xC618], $0x1;
	_ =	sdelay $0x1  }
0x240: {  	s30 =	simm.s32 $0x1  }
0x241: {  	v1 =	vld.msk [tilespmem:s30+$0xC618], $0x1;
	_ =	sdelay $0x1  }
0x242: {  	(v2sf) =	vpush v0, $0x0;
	_ =	sdelay $0x2  }
0x243: {  	(v2sf) =	vpush v1, $0x0;
	_ =	sdelay $0x2  }
0x244: {  	s31 =	simm.s32 $0x2  }
0x245: {  	v0 =	vld.msk [tilespmem:s31+$0xC618], $0x1;
	_ =	sdelay $0x2  }
0x246: {  	s3 =	simm.s32 $0xFFFFFFFF;
	s2 =	simm.s32 $0xFFFFFFFF;
	s0 =	simm.s32 $0xC  }
.LBB2_34:
0x247: {  	s4 =	smov.u32 s2;
	s5 =	smov.u32 s3  }
0x248: {  	s2 =	sshra.s32 s0, $0x2;
	p1 =	sne.s32 s0, $0x7C;
	s0 =	sadd.s32 $0x4, s0;
	(v2sf) =	vpush v0, $0x0  }
0x249: {  	v0 =	vld.msk [tilespmem:s2+$0xC618], $0x1  }
.Ltmp23:
0x24a: {  	(pc) =	sbr.rel @p1 .LBB2_34-.Ltmp23, $4  }
0x24b: {  	s2 =	spop (v2sf)  }
0x24c: {  	p2 =	sne.s32 s3, $0xFFFFFFFF;
	s3 =	smov.u32 s2  }
0x24d: {  	p3 =	seq.s32 s2, $0xFFFFFFFF;
	s3 =	smov.u32 @p2 s5  }
0x24e: {  	s2 =	smov.u32 @p3 s4;
	s3 =	smov.u32 @p3 s5  }
0x24f: {  	(v2sf) =	vpush v0, $0x0;
	_ =	sdelay $0x8  }
0x250: {  	s0 =	spop (v2sf);
	p1 =	sne.s32 s3, $0xFFFFFFFF  }
0x251: {  	s9 =	simm.s32 $0x6;
	s6 =	simm.s32 $0x0;
	s4 =	smov.u32 s0  }
0x252: {  	s10 =	simm.s32 $0xC488;
	p2 =	seq.s32 s0, $0xFFFFFFFF;
	s4 =	smov.u32 @p1 s3  }
0x253: {  	s11 =	simm.s32 $0xC508;
	s4 =	smov.u32 @p2 s3;
	s3 =	spop (v2sf)  }
0x254: {  	s12 =	simm.s32 $0xC588;
	p1 =	sne.s32 s4, $0xFFFFFFFF;
	s5 =	smov.u32 s3  }
.Ltmp24:
0x255: {  	s5 =	smov.u32 @p1 s4;
	p1 =	seq.s32 s3, $0xFFFFFFFF;
	(pc) =	sbr.rel .LBB2_36-.Ltmp24, $4  }
0x256: {  	s13 =	simm.s32 $0x0;
	s5 =	smov.u32 @p1 s4;
	s7 =	spop (v2sf)  }
0x257: {  	s0 =	smov.u32 @p2 s2;
	p2 =	sne.s32 s5, $0xFFFFFFFF;
	s8 =	smov.u32 s7  }
0x258: {  	s3 =	smov.u32 @p1 s0;
	p1 =	seq.s32 s7, $0xFFFFFFFF;
	s8 =	smov.u32 @p2 s5  }
0x259: {  	[sflag:s9] =	ssyncpa.u1 $0x0;
	s7 =	smov.u32 @p1 s3;
	s8 =	smov.u32 @p1 s5  }
.LBB2_41:
0x25a: {  	s0 =	smul.u32 $0x600, s13;
	_ =	sdelay $0x1  }
0x25b: {  	s0 =	sshra.s32 s0, $0x2  }
0x25c: {  	v0 =	vld [tilespmem:s0+$0xC638];
	_ =	sdelay $0x1  }
0x25d: {  	s2 =	smul.u32 $0x600, s3;
	_ =	sdelay $0x1  }
0x25e: {  	s2 =	sshra.s32 s2, $0x2  }
0x25f: {  	[tilespmem:s2+$0xC638] =	vst.add.f32.msk $0xffff, v0  }
0x260: {  	v0 =	vld [tilespmem:s0+$0xC648];
	_ =	sdelay $0x4  }
0x261: {  	[tilespmem:s2+$0xC648] =	vst.add.f32.msk $0xffff, v0  }
0x262: {  	v0 =	vld [tilespmem:s0+$0xC658];
	_ =	sdelay $0x4  }
0x263: {  	[tilespmem:s2+$0xC658] =	vst.add.f32.msk $0xffff, v0  }
0x264: {  	v0 =	vld [tilespmem:s0+$0xC668];
	_ =	sdelay $0x4  }
0x265: {  	[tilespmem:s2+$0xC668] =	vst.add.f32.msk $0xffff, v0  }
0x266: {  	v0 =	vld [tilespmem:s0+$0xC678];
	_ =	sdelay $0x4  }
0x267: {  	[tilespmem:s2+$0xC678] =	vst.add.f32.msk $0xffff, v0  }
0x268: {  	v0 =	vld [tilespmem:s0+$0xC688];
	_ =	sdelay $0x4  }
0x269: {  	[tilespmem:s2+$0xC688] =	vst.add.f32.msk $0xffff, v0  }
0x26a: {  	v0 =	vld [tilespmem:s0+$0xC698];
	_ =	sdelay $0x4  }
0x26b: {  	[tilespmem:s2+$0xC698] =	vst.add.f32.msk $0xffff, v0  }
0x26c: {  	v0 =	vld [tilespmem:s0+$0xC6A8];
	_ =	sdelay $0x4  }
0x26d: {  	[tilespmem:s2+$0xC6A8] =	vst.add.f32.msk $0xffff, v0  }
0x26e: {  	v0 =	vld [tilespmem:s0+$0xC6B8];
	_ =	sdelay $0x4  }
0x26f: {  	[tilespmem:s2+$0xC6B8] =	vst.add.f32.msk $0xffff, v0  }
0x270: {  	v0 =	vld [tilespmem:s0+$0xC6C8];
	_ =	sdelay $0x4  }
0x271: {  	[tilespmem:s2+$0xC6C8] =	vst.add.f32.msk $0xffff, v0  }
0x272: {  	v0 =	vld [tilespmem:s0+$0xC6D8];
	_ =	sdelay $0x4  }
0x273: {  	[tilespmem:s2+$0xC6D8] =	vst.add.f32.msk $0xffff, v0  }
0x274: {  	v0 =	vld [tilespmem:s0+$0xC6E8];
	_ =	sdelay $0x4  }
0x275: {  	[tilespmem:s2+$0xC6E8] =	vst.add.f32.msk $0xffff, v0  }
0x276: {  	v0 =	vld [tilespmem:s0+$0xC6F8];
	_ =	sdelay $0x4  }
0x277: {  	[tilespmem:s2+$0xC6F8] =	vst.add.f32.msk $0xffff, v0  }
0x278: {  	v0 =	vld [tilespmem:s0+$0xC708];
	_ =	sdelay $0x4  }
0x279: {  	[tilespmem:s2+$0xC708] =	vst.add.f32.msk $0xffff, v0  }
0x27a: {  	v0 =	vld [tilespmem:s0+$0xC718];
	_ =	sdelay $0x4  }
0x27b: {  	[tilespmem:s2+$0xC718] =	vst.add.f32.msk $0xffff, v0  }
0x27c: {  	v0 =	vld [tilespmem:s0+$0xC728];
	_ =	sdelay $0x4  }
0x27d: {  	[tilespmem:s2+$0xC728] =	vst.add.f32.msk $0xffff, v0  }
0x27e: {  	v0 =	vld [tilespmem:s0+$0xC738];
	_ =	sdelay $0x4  }
0x27f: {  	[tilespmem:s2+$0xC738] =	vst.add.f32.msk $0xffff, v0  }
0x280: {  	v0 =	vld [tilespmem:s0+$0xC748];
	_ =	sdelay $0x4  }
0x281: {  	[tilespmem:s2+$0xC748] =	vst.add.f32.msk $0xffff, v0  }
0x282: {  	v0 =	vld [tilespmem:s0+$0xC758];
	_ =	sdelay $0x4  }
0x283: {  	[tilespmem:s2+$0xC758] =	vst.add.f32.msk $0xffff, v0  }
0x284: {  	v0 =	vld [tilespmem:s0+$0xC768];
	_ =	sdelay $0x4  }
0x285: {  	[tilespmem:s2+$0xC768] =	vst.add.f32.msk $0xffff, v0  }
0x286: {  	v0 =	vld [tilespmem:s0+$0xC778];
	_ =	sdelay $0x4  }
0x287: {  	[tilespmem:s2+$0xC778] =	vst.add.f32.msk $0xffff, v0  }
0x288: {  	v0 =	vld [tilespmem:s0+$0xC788];
	_ =	sdelay $0x4  }
0x289: {  	[tilespmem:s2+$0xC788] =	vst.add.f32.msk $0xffff, v0  }
0x28a: {  	v0 =	vld [tilespmem:s0+$0xC798];
	_ =	sdelay $0x4  }
0x28b: {  	[tilespmem:s2+$0xC798] =	vst.add.f32.msk $0xffff, v0  }
0x28c: {  	v0 =	vld [tilespmem:s0+$0xC7A8];
	_ =	sdelay $0x4  }
0x28d: {  	[tilespmem:s2+$0xC7A8] =	vst.add.f32.msk $0xffff, v0  }
.LBB2_46:
0x28e: {  	s13 =	sadd.s32 $0x1, s13  }
0x28f: {  	p1 =	sne.s32 s13, $0x20  }
.Ltmp25:
0x290: {  	_ = 	snop;
	(pc) =	sbr.rel @!p1 .LBB2_47-.Ltmp25, $1  }
0x291: {  	_ =	sdelay $0x3  }
.LBB2_36:
0x292: {  	v0 =	vld.msk [tilespmem:s13+$0xC618], $0x1;
	_ =	sdelay $0x4  }
0x293: {  	(v2sf) =	vpush v0, $0x0;
	_ =	sdelay $0xe  }
0x294: {  	s0 =	spop (v2sf)  }
0x295: {  	p1 =	seq.s32 s0, $0xFFFFFFFF  }
.Ltmp26:
0x296: {  	_ = 	snop;
	(pc) =	sbr.rel @p1 .LBB2_46-.Ltmp26, $1  }
0x297: {  	_ =	sdelay $0x3  }
0x298: {  	p1 =	slt.s32 s6, $0x1  }
.Ltmp27:
0x299: {  	_ = 	snop;
	(pc) =	sbr.rel @p1 .LBB2_42-.Ltmp27, $1  }
0x29a: {  	_ =	sdelay $0x3  }
0x29b: {  	s2 =	simm.s32 $0xC618;
	p1 =	por $0x0, $0x0  }
0x29c: {  	v1 =	vld.msk @!p1 [tilespmem:s2+$0x0], $0x1;
	_ =	sdelay $0x4  }
0x29d: {  	(v2sf) =	vpush @!p1 v1, $0x0;
	_ =	sdelay $0xd  }
0x29e: {  	p3 =	sne.s32 s6, $0x1  }
.Ltmp28:
0x29f: {  	s3 =	spop @!p1 (v2sf);
	(pc) =	sbr.rel @!p3 .LBB2_40-.Ltmp28, $4  }
0x2a0: {  	p2 =	seq.s32 @!p1 s0, s3  }
0x2a1: {  	s3 =	simm.s32 $0x0;
	p2 =	por !p2, p1  }
0x2a2: {  	s5 =	simm.s32 $0xFFFFFFFF;
	s3 =	simm.s32 @p2 $0xFFFFFFFF  }
0x2a3: {  	s4 =	simm.s32 $0x1;
	s3 =	smov.u32 @p1 s5  }
.LBB2_39:
0x2a4: {  	s5 =	smov.u32 s3;
	p1 =	sne.s32 s3, $0xFFFFFFFF  }
0x2a5: {  	s2 =	sadd.s32 $0x1, s2;
	s3 =	smov.u32 s4;
	s4 =	sadd.s32 $0x1, s4  }
0x2a6: {  	p2 =	sne.s32 s6, s4;
	v1 =	vld.msk @!p1 [tilespmem:s2+$0x0], $0x1;
	_ =	sdelay $0x4  }
0x2a7: {  	(v2sf) =	vpush @!p1 v1, $0x0;
	_ =	sdelay $0xe  }
.Ltmp29:
0x2a8: {  	s14 =	spop @!p1 (v2sf);
	(pc) =	sbr.rel @p2 .LBB2_39-.Ltmp29, $4  }
0x2a9: {  	p3 =	seq.s32 @!p1 s0, s14  }
0x2aa: {  	p3 =	por !p3, p1  }
0x2ab: {  	s3 =	simm.s32 @p3 $0xFFFFFFFF  }
0x2ac: {  	s3 =	smov.u32 @p1 s5  }
.LBB2_40:
0x2ad: {  	p1 =	seq.s32 s3, $0xFFFFFFFF  }
.Ltmp30:
0x2ae: {  	_ = 	snop;
	(pc) =	sbr.rel @!p1 .LBB2_41-.Ltmp30, $1  }
0x2af: {  	_ =	sdelay $0x3  }
.LBB2_42:
0x2b0: {  	p1 =	sgt.u32 s0, $0x24BEF0  }
0x2b1: {  	p2 =	seq.s32 @!p1 s0, s8  }
0x2b2: {  	p1 =	por p1, p2  }
0x2b3: {  	p2 =	sne.s32 @!p1 s0, s7  }
0x2b4: {  	p1 =	por p1, !p2  }
.Ltmp31:
0x2b5: {  	_ = 	snop;
	(pc) =	sbr.rel @p1 .LBB2_43-.Ltmp31, $1  }
0x2b6: {  	_ =	sdelay $0x3  }
0x2b7: {  	s2 =	sand.u32 $0x3FFFF8, s0  }
0x2b8: {  	s3 =	sand.u32 $0x7, s0;
	s29 =	sadd.s32 $0x80, s0;
	s2 =	sadd.s32 s1, s2  }
0x2b9: {  	[tilespmem:s10], [sflag:$0x6] =	stream.linear.gather [hbm4b:s2+s3], $0x80, $0x38;
	[tilespmem:$0x1B788] =	vst v63  }
0x2ba: {  	s30 =	sadd.s32 $0x100, s0;
	s2 =	sand.u32 $0x7FFFF8, s29  }
0x2bb: {  	s0 =	sand.u32 $0x7FFFF8, s30;
	s2 =	sadd.s32 s1, s2  }
0x2bc: {  	[tilespmem:s11], [sflag:$0x6] =	stream.linear.gather [hbm4b:s2+s3], $0x80, $0x38;
	[tilespmem:$0x1B788] =	vst v63  }
0x2bd: {  	s0 =	sadd.s32 s1, s0  }
0x2be: {  	[tilespmem:s12], [sflag:$0x6] =	stream.linear.gather [hbm4b:s0+s3], $0x80, $0x38;
	[tilespmem:$0x1B788] =	vst v63  }
0x2bf: {  	_ =	swait.ge [sflag:s9], $0x180  }
0x2c0: {  	[sflag:s9] =	ssyncset.done $0x0  }
0x2c1: {  	[sflag:s9] =	ssyncadd.s32 $0xFFFFFE80  }
0x2c2: {  	v1 =	vld [tilespmem:$0xC488];
	_ =	sdelay $0x1  }
0x2c3: {  	s0 =	smul.u32 $0x600, s13;
	_ =	sdelay $0x1  }
0x2c4: {  	s31 =	sshra.s32 s0, $0x2  }
0x2c5: {  	[tilespmem:s31+$0xC638] =	vst.add.f32.msk $0xffff, v1  }
0x2c6: {  	v1 =	vld [tilespmem:$0xC498];
	_ =	sdelay $0x4  }
0x2c7: {  	[tilespmem:s31+$0xC648] =	vst.add.f32.msk $0xffff, v1  }
0x2c8: {  	v1 =	vld [tilespmem:$0xC4A8];
	_ =	sdelay $0x4  }
0x2c9: {  	[tilespmem:s31+$0xC658] =	vst.add.f32.msk $0xffff, v1  }
0x2ca: {  	v1 =	vld [tilespmem:$0xC4B8];
	_ =	sdelay $0x4  }
0x2cb: {  	[tilespmem:s31+$0xC668] =	vst.add.f32.msk $0xffff, v1  }
0x2cc: {  	v1 =	vld [tilespmem:$0xC4C8];
	_ =	sdelay $0x4  }
0x2cd: {  	[tilespmem:s31+$0xC678] =	vst.add.f32.msk $0xffff, v1  }
0x2ce: {  	v1 =	vld [tilespmem:$0xC4D8];
	_ =	sdelay $0x4  }
0x2cf: {  	[tilespmem:s31+$0xC688] =	vst.add.f32.msk $0xffff, v1  }
0x2d0: {  	v1 =	vld [tilespmem:$0xC4E8];
	_ =	sdelay $0x4  }
0x2d1: {  	[tilespmem:s31+$0xC698] =	vst.add.f32.msk $0xffff, v1  }
0x2d2: {  	v1 =	vld [tilespmem:$0xC4F8];
	_ =	sdelay $0x4  }
0x2d3: {  	[tilespmem:s31+$0xC6A8] =	vst.add.f32.msk $0xffff, v1  }
0x2d4: {  	v1 =	vld [tilespmem:$0xC508];
	_ =	sdelay $0x4  }
0x2d5: {  	[tilespmem:s31+$0xC6B8] =	vst.add.f32.msk $0xffff, v1  }
0x2d6: {  	v1 =	vld [tilespmem:$0xC518];
	_ =	sdelay $0x4  }
0x2d7: {  	[tilespmem:s31+$0xC6C8] =	vst.add.f32.msk $0xffff, v1  }
0x2d8: {  	v1 =	vld [tilespmem:$0xC528];
	_ =	sdelay $0x4  }
0x2d9: {  	[tilespmem:s31+$0xC6D8] =	vst.add.f32.msk $0xffff, v1  }
0x2da: {  	v1 =	vld [tilespmem:$0xC538];
	_ =	sdelay $0x4  }
0x2db: {  	[tilespmem:s31+$0xC6E8] =	vst.add.f32.msk $0xffff, v1  }
0x2dc: {  	v1 =	vld [tilespmem:$0xC548];
	_ =	sdelay $0x4  }
0x2dd: {  	[tilespmem:s31+$0xC6F8] =	vst.add.f32.msk $0xffff, v1  }
0x2de: {  	v1 =	vld [tilespmem:$0xC558];
	_ =	sdelay $0x4  }
0x2df: {  	[tilespmem:s31+$0xC708] =	vst.add.f32.msk $0xffff, v1  }
0x2e0: {  	v1 =	vld [tilespmem:$0xC568];
	_ =	sdelay $0x4  }
0x2e1: {  	[tilespmem:s31+$0xC718] =	vst.add.f32.msk $0xffff, v1  }
0x2e2: {  	v1 =	vld [tilespmem:$0xC578];
	_ =	sdelay $0x4  }
0x2e3: {  	[tilespmem:s31+$0xC728] =	vst.add.f32.msk $0xffff, v1  }
0x2e4: {  	v1 =	vld [tilespmem:$0xC588];
	_ =	sdelay $0x4  }
0x2e5: {  	[tilespmem:s31+$0xC738] =	vst.add.f32.msk $0xffff, v1  }
0x2e6: {  	v1 =	vld [tilespmem:$0xC598];
	_ =	sdelay $0x4  }
0x2e7: {  	[tilespmem:s31+$0xC748] =	vst.add.f32.msk $0xffff, v1  }
0x2e8: {  	v1 =	vld [tilespmem:$0xC5A8];
	_ =	sdelay $0x4  }
0x2e9: {  	[tilespmem:s31+$0xC758] =	vst.add.f32.msk $0xffff, v1  }
0x2ea: {  	v1 =	vld [tilespmem:$0xC5B8];
	_ =	sdelay $0x4  }
0x2eb: {  	[tilespmem:s31+$0xC768] =	vst.add.f32.msk $0xffff, v1  }
0x2ec: {  	v1 =	vld [tilespmem:$0xC5C8];
	_ =	sdelay $0x4  }
0x2ed: {  	[tilespmem:s31+$0xC778] =	vst.add.f32.msk $0xffff, v1  }
0x2ee: {  	v1 =	vld [tilespmem:$0xC5D8];
	_ =	sdelay $0x4  }
0x2ef: {  	[tilespmem:s31+$0xC788] =	vst.add.f32.msk $0xffff, v1  }
0x2f0: {  	v1 =	vld [tilespmem:$0xC5E8];
	_ =	sdelay $0x4  }
0x2f1: {  	[tilespmem:s31+$0xC798] =	vst.add.f32.msk $0xffff, v1  }
0x2f2: {  	v1 =	vld [tilespmem:$0xC5F8];
	_ =	sdelay $0x4  }
0x2f3: {  	[tilespmem:s31+$0xC7A8] =	vst.add.f32.msk $0xffff, v1  }
.LBB2_45:
0x2f4: {  	[tilespmem:s6+$0xC618] =	vst.msk $0x1, v0;
	s0 =	sshra.s32 s0, $0x2  }
0x2f5: {  	v0 =	vld [tilespmem:s0+$0xC638];
	_ =	sdelay $0x1  }
0x2f6: {  	s2 =	smul.u32 $0x600, s6;
	_ =	sdelay $0x1  }
0x2f7: {  	s2 =	sshra.s32 s2, $0x2  }
0x2f8: {  	[tilespmem:s2+$0xC638] =	vst v0  }
0x2f9: {  	v0 =	vld [tilespmem:s0+$0xC648];
	_ =	sdelay $0x4  }
0x2fa: {  	[tilespmem:s2+$0xC648] =	vst v0  }
0x2fb: {  	v0 =	vld [tilespmem:s0+$0xC658];
	_ =	sdelay $0x4  }
0x2fc: {  	[tilespmem:s2+$0xC658] =	vst v0  }
0x2fd: {  	v0 =	vld [tilespmem:s0+$0xC668];
	_ =	sdelay $0x4  }
0x2fe: {  	[tilespmem:s2+$0xC668] =	vst v0  }
0x2ff: {  	v0 =	vld [tilespmem:s0+$0xC678];
	_ =	sdelay $0x4  }
0x300: {  	[tilespmem:s2+$0xC678] =	vst v0  }
0x301: {  	v0 =	vld [tilespmem:s0+$0xC688];
	_ =	sdelay $0x4  }
0x302: {  	[tilespmem:s2+$0xC688] =	vst v0  }
0x303: {  	v0 =	vld [tilespmem:s0+$0xC698];
	_ =	sdelay $0x4  }
0x304: {  	[tilespmem:s2+$0xC698] =	vst v0  }
0x305: {  	v0 =	vld [tilespmem:s0+$0xC6A8];
	_ =	sdelay $0x4  }
0x306: {  	[tilespmem:s2+$0xC6A8] =	vst v0  }
0x307: {  	v0 =	vld [tilespmem:s0+$0xC6B8];
	_ =	sdelay $0x4  }
0x308: {  	[tilespmem:s2+$0xC6B8] =	vst v0  }
0x309: {  	v0 =	vld [tilespmem:s0+$0xC6C8];
	_ =	sdelay $0x4  }
0x30a: {  	[tilespmem:s2+$0xC6C8] =	vst v0  }
0x30b: {  	v0 =	vld [tilespmem:s0+$0xC6D8];
	_ =	sdelay $0x4  }
0x30c: {  	[tilespmem:s2+$0xC6D8] =	vst v0  }
0x30d: {  	v0 =	vld [tilespmem:s0+$0xC6E8];
	_ =	sdelay $0x4  }
0x30e: {  	[tilespmem:s2+$0xC6E8] =	vst v0  }
0x30f: {  	v0 =	vld [tilespmem:s0+$0xC6F8];
	_ =	sdelay $0x4  }
0x310: {  	[tilespmem:s2+$0xC6F8] =	vst v0  }
0x311: {  	v0 =	vld [tilespmem:s0+$0xC708];
	_ =	sdelay $0x4  }
0x312: {  	[tilespmem:s2+$0xC708] =	vst v0  }
0x313: {  	v0 =	vld [tilespmem:s0+$0xC718];
	_ =	sdelay $0x4  }
0x314: {  	[tilespmem:s2+$0xC718] =	vst v0  }
0x315: {  	v0 =	vld [tilespmem:s0+$0xC728];
	_ =	sdelay $0x4  }
0x316: {  	[tilespmem:s2+$0xC728] =	vst v0  }
0x317: {  	v0 =	vld [tilespmem:s0+$0xC738];
	_ =	sdelay $0x4  }
0x318: {  	[tilespmem:s2+$0xC738] =	vst v0  }
0x319: {  	v0 =	vld [tilespmem:s0+$0xC748];
	_ =	sdelay $0x4  }
0x31a: {  	[tilespmem:s2+$0xC748] =	vst v0  }
0x31b: {  	v0 =	vld [tilespmem:s0+$0xC758];
	_ =	sdelay $0x4  }
0x31c: {  	[tilespmem:s2+$0xC758] =	vst v0  }
0x31d: {  	v0 =	vld [tilespmem:s0+$0xC768];
	_ =	sdelay $0x4  }
0x31e: {  	[tilespmem:s2+$0xC768] =	vst v0  }
0x31f: {  	v0 =	vld [tilespmem:s0+$0xC778];
	_ =	sdelay $0x4  }
0x320: {  	[tilespmem:s2+$0xC778] =	vst v0  }
0x321: {  	v0 =	vld [tilespmem:s0+$0xC788];
	_ =	sdelay $0x4  }
0x322: {  	[tilespmem:s2+$0xC788] =	vst v0  }
0x323: {  	v0 =	vld [tilespmem:s0+$0xC798];
	_ =	sdelay $0x4  }
0x324: {  	[tilespmem:s2+$0xC798] =	vst v0  }
0x325: {  	v0 =	vld [tilespmem:s0+$0xC7A8]  }
.Ltmp32:
0x326: {  	_ = 	snop;
	(pc) =	sbr.rel .LBB2_46-.Ltmp32, $2  }
0x327: {  	_ =	sdelay $0x2  }
0x328: {  	s6 =	sadd.s32 $0x1, s6;
	[tilespmem:s2+$0xC7A8] =	vst v0  }
.LBB2_43:
.Ltmp33:
0x329: {  	(pc) =	sbr.rel .LBB2_45-.Ltmp33, $2  }
0x32a: {  	_ =	sdelay $0x1  }
0x32b: {  	s0 =	smul.u32 $0x600, s13;
	_ =	sdelay $0x1  }
.LBB2_47:
0x32c: {  	s0 =	simm.s32 $0x6;
	p1 =	seq.s32 s6, $0x0  }
0x32d: {  	[sflag:s0] =	ssyncpa.u1 $0x1;
	v0 =	vimm.s32 @p1 $0xFFFFFFFF  }
0x32e: {  	s0 =	sadd.s32 $0xFFFFFFFF, s6;
	[tilespmem:$0xF638] =	vst @p1 v0  }
0x32f: {  	v0 =	vld.msk @!p1 [tilespmem:s0+$0xC618], $0x1;
	_ =	sdelay $0x1  }
0x330: {  	v1 =	vld.msk @!p1 [tilespmem:$0xC618], $0x1;
	_ =	sdelay $0x2  }
0x331: {  	p2 =	seq.s32 @!p1 s0, $0x0;
	v0 =	vbroadcast @!p1 v0, $0x0  }
0x332: {  	vm0 =	vmmov @!p1 $0x1;
	p3 =	por !p2, p1  }
0x333: {  	p2 =	sne.s32 @!p1 s8, s7;
	v1 =	vnsel @!p1 vm0, $0xFFFFFFFF, v1;
	vm0 =	vcmask @!p1 $0x308;
	v0 =	vpsel !p3, $0xFFFFFFFF, v0  }
0x334: {  	p3 =	por !p2, p1;
	v0 =	vsel @!p1 vm0, v1, v0  }
0x335: {  	s2 =	simm.s32 @!p1 $0xC638;
	s3 =	simm.s32 @!p1 $0x0;
	s4 =	smul.u32 @!p3 $0x600, s0;
	[tilespmem:$0xF638] =	vst @!p1 v0  }
0x336: {  	[spmem:s3] =	stream.linear.scatter @!p1 [tilespmem:s2], [sflag:$0x1], $0x180, $0x38;
	[tilespmem:$0x1B788] =	vst v63  }
0x337: {  	s2 =	sshra.s32 @!p3 s4, $0x2  }
0x338: {  	s3 =	simm.s32 @!p3 $0x180;
	s2 =	sadd.s32 @!p3 $0xC638, s2  }
0x339: {  	[spmem:s3] =	stream.linear.scatter @!p3 [tilespmem:s2], [sflag:$0x1], $0x180, $0x38;
	[tilespmem:$0x1B788] =	vst v63  }
0x33a: {  	s2 =	simm.s32 @!p3 $0x1  }
0x33b: {  	_ =	swait.ge @!p3 [sflag:s2], $0x300  }
0x33c: {  	p1 =	por p2, p1;
	[sflag:s2] =	ssyncset.done @!p3 $0x0  }
0x33d: {  	[sflag:s2] =	ssyncadd.s32 @!p3 $0xFFFFFD00;
	s2 =	simm.s32 @!p1 $0x1  }
0x33e: {  	_ =	swait.ge @!p1 [sflag:s2], $0x180  }
0x33f: {  	s29 =	simm.s32 $0xF638;
	[sflag:s2] =	ssyncset.done @!p1 $0x0  }
0x340: {  	s30 =	simm.s32 $0x3000;
	s31 =	simm.s32 $0x1;
	[sflag:s2] =	ssyncadd.s32 @!p1 $0xFFFFFE80  }
0x341: {  	[spmem:s30] =	stream.linear.scatter [tilespmem:s29], [sflag:$0x1], $0x10, $0x38;
	[tilespmem:$0x1B788] =	vst v63  }
0x342: {  	_ =	swait.ge [sflag:s31], $0x10  }
0x343: {  	[sflag:s31] =	ssyncset.done $0x0  }
0x344: {  	p1 =	seq.s32 s15, $0x0;
	s9 =	rddreg [dreg:$0x2];
	[sflag:s31] =	ssyncadd.s32 $0xFFFFFFF0  }
0x345: {  	s3 =	sshll.u32 @p1 s9, $0xE;
	s8 =	rddreg [dreg:$0x3]  }
0x346: {  	s2 =	sadd.s32 @p1 $0x15C3C, s3;
	s3 =	sshll.u32 @p1 s8, $0x11  }
0x347: {  	_ =	sfence.stream.spmem;
	s2 =	sor.u32 @p1 s3, s2  }
0x348: {  	[sflag:s2] =	ssyncadd.remote.s32 @p1 $0x1;
	s2 =	simm.s32 @p1 $0x4  }
0x349: {  	s4 =	simm.s32 @!p1 $0x3C;
	s3 =	sand.u32 $0xFFFFFFFE, s9;
	_ =	swait.ge @p1 [sflag:s2], $0x62  }
0x34a: {  	s5 =	simm.s32 @!p1 $0x0;
	s3 =	sadd.s32 @!p1 $0x4, s3;
	[sflag:s2] =	ssyncset.done @p1 $0x0  }
0x34b: {  	s7 =	simm.s32 @!p1 $0x300;
	[sflag:s2] =	ssyncadd.s32 @p1 $0xFFFFFF9E;
	s2 =	sshll.u32 @!p1 s3, $0x1A  }
0x34c: {  	s3 =	sshll.u32 @!p1 s3, $0xD;
	s2 =	sor.u32 @!p1 s2, s8;
	_ =	swait.eq @!p1 [sflag:s4], $0x1  }
0x34d: {  	s3 =	sor.u32 @!p1 $0x1C04, s3;
	s4 =	simm.s32 @!p1 $0x1C03;
	s2 =	sor.u32 @!p1 $0x80004000, s2  }
0x34e: {  	[spmem:s7], [sflag:s3] =	dma.general @!p1 [spmem:s5], [sflag:s4], length:$0x60, [dreg:$0x0], stride_count:$0x0, ici_dest:s2, dma_misc:DstOpCode:WRITE  }
0x34f: {  	p2 =	slt.s32 s0, $0x2;
	s5 =	simm.s32 @!p1 $0x600;
	s7 =	simm.s32 @!p1 $0x602  }
0x350: {  	[spmem:s7], [sflag:s3] =	dma.general @!p1 [spmem:s5], [sflag:s4], length:$0x2, [dreg:$0x0], stride_count:$0x0, ici_dest:s2, dma_misc:DstOpCode:WRITE  }
.Ltmp34:
0x351: {  	s2 =	simm.s32 @!p1 $0x3;
	(pc) =	sbr.rel @p2 .LBB2_51-.Ltmp34, $4  }
0x352: {  	s3 =	sshll.u32 @!p1 s9, $0xE;
	_ =	swait.ge @!p1 [sflag:s2], $0x62  }
0x353: {  	s4 =	sshll.u32 @!p1 s8, $0x11;
	s3 =	sadd.s32 @!p1 $0x11C3C, s3;
	[sflag:s2] =	ssyncset.done @!p1 $0x0  }
0x354: {  	[sflag:s2] =	ssyncadd.s32 @!p1 $0xFFFFFF9E;
	s2 =	sor.u32 @!p1 s4, s3  }
0x355: {  	s0 =	simm.s32 $0x0;
	[sflag:s2] =	ssyncadd.remote.s32 @!p1 $0xFFFFFFFF  }
0x356: {  	s0 =	simm.s32 $0xC619  }
0x357: {  	v0 =	vld.msk [tilespmem:s0+$0x0], $0x1;
	_ =	sdelay $0x4  }
0x358: {  	(v2sf) =	vpush v0, $0x0;
	_ =	sdelay $0xe  }
0x359: {  	s2 =	spop (v2sf)  }
0x35a: {  	s3 =	sadd.s32 $0xFFFFFFFE, s6;
	s0 =	simm.s32 $0xC7B8;
	p1 =	sgt.u32 s2, $0x24BEF0  }
0x35b: {  	s4 =	sand.u32 @!p1 $0x3FFFF8, s2;
	s5 =	sadd.s32 @!p1 $0x80, s2;
	s6 =	sadd.s32 @!p1 $0x100, s2  }
0x35c: {  	s7 =	sand.u32 @!p1 $0x7, s2;
	s4 =	sadd.s32 @!p1 s1, s4;
	s2 =	sand.u32 @!p1 $0x7FFFF8, s5  }
0x35d: {  	[hbm4b:s4+s7] =	stream.linear.scatter @!p1 [tilespmem:s0], [sflag:$0x5], $0x80, $0x38;
	[tilespmem:$0x1B788] =	vst v63  }
0x35e: {  	s4 =	simm.s32 @!p1 $0xC838;
	s2 =	sadd.s32 @!p1 s1, s2  }
0x35f: {  	[hbm4b:s2+s7] =	stream.linear.scatter @!p1 [tilespmem:s4], [sflag:$0x5], $0x80, $0x38;
	[tilespmem:$0x1B788] =	vst v63  }
0x360: {  	s2 =	sadd.s32 $0xFFFFFFFF, s3  }
0x361: {  	p2 =	sne.s32 s2, $0x0  }
.Ltmp35:
0x362: {  	_ = 	snop;
	(pc) =	sbr.rel @!p2 .LBB2_50-.Ltmp35, $4  }
0x363: {  	s5 =	sand.u32 @!p1 $0x7FFFF8, s6  }
0x364: {  	s3 =	simm.s32 @!p1 $0xC8B8;
	s4 =	sadd.s32 @!p1 s1, s5  }
0x365: {  	[hbm4b:s4+s7] =	stream.linear.scatter @!p1 [tilespmem:s3], [sflag:$0x5], $0x80, $0x38;
	[tilespmem:$0x1B788] =	vst v63  }
0x366: {  	s6 =	simm.s32 $0xC61A;
	s5 =	simm.s32 $0x0;
	s4 =	simm.s32 $0x0  }
.LBB2_49:
0x367: {  	s3 =	simm.s32 $0x0  }
0x368: {  	v0 =	vld.msk [tilespmem:s6+$0x0], $0x1;
	s2 =	sadd.s32 $0xFFFFFFFF, s2;
	s3 =	simm.s32 @!p1 $0x600  }
0x369: {  	p2 =	sne.s32 s2, $0x0;
	s5 =	sadd.s32 s5, s3;
	_ =	sdelay $0x3  }
0x36a: {  	(v2sf) =	vpush v0, $0x0;
	_ =	sdelay $0xe  }
0x36b: {  	s3 =	spop (v2sf)  }
0x36c: {  	s0 =	sadd.s32 $0x180, s0;
	p1 =	sgt.u32 s3, $0x24BEF0  }
0x36d: {  	s7 =	sand.u32 @!p1 $0x3FFFF8, s3;
	s8 =	sadd.s32 @!p1 $0x80, s3;
	s9 =	sadd.s32 @!p1 $0x100, s3  }
0x36e: {  	s3 =	sand.u32 @!p1 $0x7, s3;
	s7 =	sadd.s32 @!p1 s1, s7;
	s8 =	sand.u32 @!p1 $0x7FFFF8, s8  }
0x36f: {  	[hbm4b:s7+s3] =	stream.linear.scatter @!p1 [tilespmem:s0], [sflag:$0x5], $0x80, $0x38;
	[tilespmem:$0x1B788] =	vst v63  }
.Ltmp36:
0x370: {  	_ = 	snop;
	(pc) =	sbr.rel @p2 .LBB2_49-.Ltmp36, $4  }
0x371: {  	s9 =	sand.u32 @!p1 $0x7FFFF8, s9;
	s7 =	sadd.s32 @!p1 $0x80, s0;
	s8 =	sadd.s32 @!p1 s1, s8  }
0x372: {  	[hbm4b:s8+s3] =	stream.linear.scatter @!p1 [tilespmem:s7], [sflag:$0x5], $0x80, $0x38;
	[tilespmem:$0x1B788] =	vst v63  }
0x373: {  	s6 =	sadd.s32 $0x1, s6;
	s7 =	sadd.s32 @!p1 $0x100, s0;
	s8 =	sadd.s32 @!p1 s1, s9  }
0x374: {  	[hbm4b:s8+s3] =	stream.linear.scatter @!p1 [tilespmem:s7], [sflag:$0x5], $0x80, $0x38;
	[tilespmem:$0x1B788] =	vst v63  }
.LBB2_50:
0x375: {  	s4 =	simm.s32 @!p1 $0x600  }
0x376: {  	s0 =	sadd.s32 s5, s4  }
0x377: {  	s0 =	sshrl.u32 s0, $0x2  }
.LBB2_51:
0x378: {  	s2 =	simm.s32 $0x5  }
0x379: {  	_ =	swait.ge [sflag:s2], s0  }
0x37a: {  	s31 =	ssub.s32 $0x0, s0;
	[sflag:s2] =	ssyncset.done $0x0  }
0x37b: {  	[sflag:s2] =	ssyncadd.s32 s31  }
0x37c: {  	[sflag:s2] =	ssyncpa.u1 $0x1  }
.LBB2_52:
0x37d: {  	s0 =	sor.u32 s15, s16  }
0x37e: {  	p1 =	sne.s32 s0, $0x0  }
.Ltmp37:
0x37f: {  	_ = 	snop;
	(pc) =	sbr.rel @p1 .LBB2_70-.Ltmp37, $3  }
0x380: {  	_ =	sdelay $0x1  }
0x381: {  	[bflag:$0x0] =	sbarrier.arrive $0xFFFF  }
0x382: {  	_ =	sfence  }
0x383: {  	s0 =	simm.s32 $0x7  }
0x384: {  	s2 =	simm.s32 $0x3000;
	s3 =	simm.s32 $0xC618;
	[sflag:s0] =	ssyncpa.u1 $0x0  }
0x385: {  	[tilespmem:s3], [sflag:$0x7] =	stream.linear.gather [spmem:s2], $0x20, $0x38;
	[tilespmem:$0x1B788] =	vst v63  }
0x386: {  	s31 =	simm.s32 $0xC638;
	s2 =	simm.s32 $0x0  }
0x387: {  	[tilespmem:s31], [sflag:$0x7] =	stream.linear.gather [spmem:s2], $0x3000, $0x38;
	[tilespmem:$0x1B788] =	vst v63  }
.Ltmp38:
0x388: {  	_ = 	snop;
	(pc) =	sbr.rel .LBB2_54-.Ltmp38, $4  }
0x389: {  	_ =	swait.ge [sflag:s0], $0x3020  }
0x38a: {  	s4 =	simm.s32 $0xC488;
	[sflag:s0] =	ssyncset.done $0x0  }
0x38b: {  	s5 =	simm.s32 $0xC508;
	s3 =	simm.s32 $0x8;
	[sflag:s0] =	ssyncadd.s32 $0xFFFFCFE0  }
0x38c: {  	s6 =	simm.s32 $0xC588;
	s7 =	simm.s32 $0x0;
	[sflag:s3] =	ssyncpa.u1 $0x0  }
.LBB2_62:
0x38d: {  	s8 =	sand.u32 $0x3FFFF8, s0  }
0x38e: {  	s9 =	sand.u32 $0x7, s0;
	s29 =	sadd.s32 $0x80, s0;
	s8 =	sadd.s32 s1, s8  }
0x38f: {  	[tilespmem:s4], [sflag:$0x8] =	stream.linear.gather [hbm4b:s8+s9], $0x80, $0x38;
	[tilespmem:$0x1B788] =	vst v63  }
0x390: {  	s30 =	sadd.s32 $0x100, s0;
	s8 =	sand.u32 $0x7FFFF8, s29  }
0x391: {  	s0 =	sand.u32 $0x7FFFF8, s30;
	s8 =	sadd.s32 s1, s8  }
0x392: {  	[tilespmem:s5], [sflag:$0x8] =	stream.linear.gather [hbm4b:s8+s9], $0x80, $0x38;
	[tilespmem:$0x1B788] =	vst v63  }
0x393: {  	s0 =	sadd.s32 s1, s0  }
0x394: {  	[tilespmem:s6], [sflag:$0x8] =	stream.linear.gather [hbm4b:s0+s9], $0x80, $0x38;
	[tilespmem:$0x1B788] =	vst v63  }
0x395: {  	_ =	swait.ge [sflag:s3], $0x180  }
0x396: {  	[sflag:s3] =	ssyncset.done $0x0  }
0x397: {  	[sflag:s3] =	ssyncadd.s32 $0xFFFFFE80  }
0x398: {  	v1 =	vld [tilespmem:$0xC488];
	_ =	sdelay $0x1  }
0x399: {  	s0 =	smul.u32 $0x600, s7;
	_ =	sdelay $0x1  }
0x39a: {  	s31 =	sshra.s32 s0, $0x2  }
0x39b: {  	[tilespmem:s31+$0xC638] =	vst.add.f32.msk $0xffff, v1  }
0x39c: {  	v1 =	vld [tilespmem:$0xC498];
	_ =	sdelay $0x4  }
0x39d: {  	[tilespmem:s31+$0xC648] =	vst.add.f32.msk $0xffff, v1  }
0x39e: {  	v1 =	vld [tilespmem:$0xC4A8];
	_ =	sdelay $0x4  }
0x39f: {  	[tilespmem:s31+$0xC658] =	vst.add.f32.msk $0xffff, v1  }
0x3a0: {  	v1 =	vld [tilespmem:$0xC4B8];
	_ =	sdelay $0x4  }
0x3a1: {  	[tilespmem:s31+$0xC668] =	vst.add.f32.msk $0xffff, v1  }
0x3a2: {  	v1 =	vld [tilespmem:$0xC4C8];
	_ =	sdelay $0x4  }
0x3a3: {  	[tilespmem:s31+$0xC678] =	vst.add.f32.msk $0xffff, v1  }
0x3a4: {  	v1 =	vld [tilespmem:$0xC4D8];
	_ =	sdelay $0x4  }
0x3a5: {  	[tilespmem:s31+$0xC688] =	vst.add.f32.msk $0xffff, v1  }
0x3a6: {  	v1 =	vld [tilespmem:$0xC4E8];
	_ =	sdelay $0x4  }
0x3a7: {  	[tilespmem:s31+$0xC698] =	vst.add.f32.msk $0xffff, v1  }
0x3a8: {  	v1 =	vld [tilespmem:$0xC4F8];
	_ =	sdelay $0x4  }
0x3a9: {  	[tilespmem:s31+$0xC6A8] =	vst.add.f32.msk $0xffff, v1  }
0x3aa: {  	v1 =	vld [tilespmem:$0xC508];
	_ =	sdelay $0x4  }
0x3ab: {  	[tilespmem:s31+$0xC6B8] =	vst.add.f32.msk $0xffff, v1  }
0x3ac: {  	v1 =	vld [tilespmem:$0xC518];
	_ =	sdelay $0x4  }
0x3ad: {  	[tilespmem:s31+$0xC6C8] =	vst.add.f32.msk $0xffff, v1  }
0x3ae: {  	v1 =	vld [tilespmem:$0xC528];
	_ =	sdelay $0x4  }
0x3af: {  	[tilespmem:s31+$0xC6D8] =	vst.add.f32.msk $0xffff, v1  }
0x3b0: {  	v1 =	vld [tilespmem:$0xC538];
	_ =	sdelay $0x4  }
0x3b1: {  	[tilespmem:s31+$0xC6E8] =	vst.add.f32.msk $0xffff, v1  }
0x3b2: {  	v1 =	vld [tilespmem:$0xC548];
	_ =	sdelay $0x4  }
0x3b3: {  	[tilespmem:s31+$0xC6F8] =	vst.add.f32.msk $0xffff, v1  }
0x3b4: {  	v1 =	vld [tilespmem:$0xC558];
	_ =	sdelay $0x4  }
0x3b5: {  	[tilespmem:s31+$0xC708] =	vst.add.f32.msk $0xffff, v1  }
0x3b6: {  	v1 =	vld [tilespmem:$0xC568];
	_ =	sdelay $0x4  }
0x3b7: {  	[tilespmem:s31+$0xC718] =	vst.add.f32.msk $0xffff, v1  }
0x3b8: {  	v1 =	vld [tilespmem:$0xC578];
	_ =	sdelay $0x4  }
0x3b9: {  	[tilespmem:s31+$0xC728] =	vst.add.f32.msk $0xffff, v1  }
0x3ba: {  	v1 =	vld [tilespmem:$0xC588];
	_ =	sdelay $0x4  }
0x3bb: {  	[tilespmem:s31+$0xC738] =	vst.add.f32.msk $0xffff, v1  }
0x3bc: {  	v1 =	vld [tilespmem:$0xC598];
	_ =	sdelay $0x4  }
0x3bd: {  	[tilespmem:s31+$0xC748] =	vst.add.f32.msk $0xffff, v1  }
0x3be: {  	v1 =	vld [tilespmem:$0xC5A8];
	_ =	sdelay $0x4  }
0x3bf: {  	[tilespmem:s31+$0xC758] =	vst.add.f32.msk $0xffff, v1  }
0x3c0: {  	v1 =	vld [tilespmem:$0xC5B8];
	_ =	sdelay $0x4  }
0x3c1: {  	[tilespmem:s31+$0xC768] =	vst.add.f32.msk $0xffff, v1  }
0x3c2: {  	v1 =	vld [tilespmem:$0xC5C8];
	_ =	sdelay $0x4  }
0x3c3: {  	[tilespmem:s31+$0xC778] =	vst.add.f32.msk $0xffff, v1  }
0x3c4: {  	v1 =	vld [tilespmem:$0xC5D8];
	_ =	sdelay $0x4  }
0x3c5: {  	[tilespmem:s31+$0xC788] =	vst.add.f32.msk $0xffff, v1  }
0x3c6: {  	v1 =	vld [tilespmem:$0xC5E8];
	_ =	sdelay $0x4  }
0x3c7: {  	[tilespmem:s31+$0xC798] =	vst.add.f32.msk $0xffff, v1  }
0x3c8: {  	v1 =	vld [tilespmem:$0xC5F8];
	_ =	sdelay $0x4  }
0x3c9: {  	[tilespmem:s31+$0xC7A8] =	vst.add.f32.msk $0xffff, v1  }
.LBB2_63:
0x3ca: {  	[tilespmem:s2+$0xC618] =	vst.msk $0x1, v0;
	s0 =	sshra.s32 s0, $0x2  }
0x3cb: {  	v0 =	vld [tilespmem:s0+$0xC638];
	_ =	sdelay $0x1  }
0x3cc: {  	s8 =	smul.u32 $0x600, s2;
	_ =	sdelay $0x1  }
0x3cd: {  	s8 =	sshra.s32 s8, $0x2  }
0x3ce: {  	[tilespmem:s8+$0xC638] =	vst v0  }
0x3cf: {  	v0 =	vld [tilespmem:s0+$0xC648];
	_ =	sdelay $0x4  }
0x3d0: {  	[tilespmem:s8+$0xC648] =	vst v0  }
0x3d1: {  	v0 =	vld [tilespmem:s0+$0xC658];
	_ =	sdelay $0x4  }
0x3d2: {  	[tilespmem:s8+$0xC658] =	vst v0  }
0x3d3: {  	v0 =	vld [tilespmem:s0+$0xC668];
	_ =	sdelay $0x4  }
0x3d4: {  	[tilespmem:s8+$0xC668] =	vst v0  }
0x3d5: {  	v0 =	vld [tilespmem:s0+$0xC678];
	_ =	sdelay $0x4  }
0x3d6: {  	[tilespmem:s8+$0xC678] =	vst v0  }
0x3d7: {  	v0 =	vld [tilespmem:s0+$0xC688];
	_ =	sdelay $0x4  }
0x3d8: {  	[tilespmem:s8+$0xC688] =	vst v0  }
0x3d9: {  	v0 =	vld [tilespmem:s0+$0xC698];
	_ =	sdelay $0x4  }
0x3da: {  	[tilespmem:s8+$0xC698] =	vst v0  }
0x3db: {  	v0 =	vld [tilespmem:s0+$0xC6A8];
	_ =	sdelay $0x4  }
0x3dc: {  	[tilespmem:s8+$0xC6A8] =	vst v0  }
0x3dd: {  	v0 =	vld [tilespmem:s0+$0xC6B8];
	_ =	sdelay $0x4  }
0x3de: {  	[tilespmem:s8+$0xC6B8] =	vst v0  }
0x3df: {  	v0 =	vld [tilespmem:s0+$0xC6C8];
	_ =	sdelay $0x4  }
0x3e0: {  	[tilespmem:s8+$0xC6C8] =	vst v0  }
0x3e1: {  	v0 =	vld [tilespmem:s0+$0xC6D8];
	_ =	sdelay $0x4  }
0x3e2: {  	[tilespmem:s8+$0xC6D8] =	vst v0  }
0x3e3: {  	v0 =	vld [tilespmem:s0+$0xC6E8];
	_ =	sdelay $0x4  }
0x3e4: {  	[tilespmem:s8+$0xC6E8] =	vst v0  }
0x3e5: {  	v0 =	vld [tilespmem:s0+$0xC6F8];
	_ =	sdelay $0x4  }
0x3e6: {  	[tilespmem:s8+$0xC6F8] =	vst v0  }
0x3e7: {  	v0 =	vld [tilespmem:s0+$0xC708];
	_ =	sdelay $0x4  }
0x3e8: {  	[tilespmem:s8+$0xC708] =	vst v0  }
0x3e9: {  	v0 =	vld [tilespmem:s0+$0xC718];
	_ =	sdelay $0x4  }
0x3ea: {  	[tilespmem:s8+$0xC718] =	vst v0  }
0x3eb: {  	v0 =	vld [tilespmem:s0+$0xC728];
	_ =	sdelay $0x4  }
0x3ec: {  	[tilespmem:s8+$0xC728] =	vst v0  }
0x3ed: {  	v0 =	vld [tilespmem:s0+$0xC738];
	_ =	sdelay $0x4  }
0x3ee: {  	[tilespmem:s8+$0xC738] =	vst v0  }
0x3ef: {  	v0 =	vld [tilespmem:s0+$0xC748];
	_ =	sdelay $0x4  }
0x3f0: {  	[tilespmem:s8+$0xC748] =	vst v0  }
0x3f1: {  	v0 =	vld [tilespmem:s0+$0xC758];
	_ =	sdelay $0x4  }
0x3f2: {  	[tilespmem:s8+$0xC758] =	vst v0  }
0x3f3: {  	v0 =	vld [tilespmem:s0+$0xC768];
	_ =	sdelay $0x4  }
0x3f4: {  	[tilespmem:s8+$0xC768] =	vst v0  }
0x3f5: {  	v0 =	vld [tilespmem:s0+$0xC778];
	_ =	sdelay $0x4  }
0x3f6: {  	[tilespmem:s8+$0xC778] =	vst v0  }
0x3f7: {  	v0 =	vld [tilespmem:s0+$0xC788];
	_ =	sdelay $0x4  }
0x3f8: {  	[tilespmem:s8+$0xC788] =	vst v0  }
0x3f9: {  	v0 =	vld [tilespmem:s0+$0xC798];
	_ =	sdelay $0x4  }
0x3fa: {  	[tilespmem:s8+$0xC798] =	vst v0  }
0x3fb: {  	v0 =	vld [tilespmem:s0+$0xC7A8];
	_ =	sdelay $0x4  }
0x3fc: {  	s2 =	sadd.s32 $0x1, s2;
	[tilespmem:s8+$0xC7A8] =	vst v0  }
.LBB2_64:
0x3fd: {  	s7 =	sadd.s32 $0x1, s7  }
0x3fe: {  	p1 =	sne.s32 s7, $0x20  }
.Ltmp39:
0x3ff: {  	_ = 	snop;
	(pc) =	sbr.rel @!p1 .LBB2_65-.Ltmp39, $1  }
0x400: {  	_ =	sdelay $0x3  }
.LBB2_54:
0x401: {  	v0 =	vld.msk [tilespmem:s7+$0xC618], $0x1;
	_ =	sdelay $0x4  }
0x402: {  	(v2sf) =	vpush v0, $0x0;
	_ =	sdelay $0xe  }
0x403: {  	s0 =	spop (v2sf)  }
0x404: {  	p1 =	seq.s32 s0, $0xFFFFFFFF  }
.Ltmp40:
0x405: {  	_ = 	snop;
	(pc) =	sbr.rel @p1 .LBB2_64-.Ltmp40, $1  }
0x406: {  	_ =	sdelay $0x3  }
0x407: {  	p1 =	slt.s32 s2, $0x1  }
.Ltmp41:
0x408: {  	_ = 	snop;
	(pc) =	sbr.rel @p1 .LBB2_60-.Ltmp41, $1  }
0x409: {  	_ =	sdelay $0x3  }
0x40a: {  	s8 =	simm.s32 $0xC618;
	p1 =	por $0x0, $0x0  }
0x40b: {  	v1 =	vld.msk @!p1 [tilespmem:s8+$0x0], $0x1;
	_ =	sdelay $0x4  }
0x40c: {  	(v2sf) =	vpush @!p1 v1, $0x0;
	_ =	sdelay $0xd  }
0x40d: {  	p3 =	sne.s32 s2, $0x1  }
.Ltmp42:
0x40e: {  	s9 =	spop @!p1 (v2sf);
	(pc) =	sbr.rel @!p3 .LBB2_58-.Ltmp42, $4  }
0x40f: {  	p2 =	seq.s32 @!p1 s0, s9  }
0x410: {  	s9 =	simm.s32 $0x0;
	p2 =	por !p2, p1  }
0x411: {  	s11 =	simm.s32 $0xFFFFFFFF;
	s9 =	simm.s32 @p2 $0xFFFFFFFF  }
0x412: {  	s10 =	simm.s32 $0x1;
	s9 =	smov.u32 @p1 s11  }
.LBB2_57:
0x413: {  	s11 =	smov.u32 s9;
	p1 =	sne.s32 s9, $0xFFFFFFFF  }
0x414: {  	s8 =	sadd.s32 $0x1, s8;
	s9 =	smov.u32 s10;
	s10 =	sadd.s32 $0x1, s10  }
0x415: {  	p2 =	sne.s32 s2, s10;
	v1 =	vld.msk @!p1 [tilespmem:s8+$0x0], $0x1;
	_ =	sdelay $0x4  }
0x416: {  	(v2sf) =	vpush @!p1 v1, $0x0;
	_ =	sdelay $0xe  }
.Ltmp43:
0x417: {  	s12 =	spop @!p1 (v2sf);
	(pc) =	sbr.rel @p2 .LBB2_57-.Ltmp43, $4  }
0x418: {  	p3 =	seq.s32 @!p1 s0, s12  }
0x419: {  	p3 =	por !p3, p1  }
0x41a: {  	s9 =	simm.s32 @p3 $0xFFFFFFFF  }
0x41b: {  	s9 =	smov.u32 @p1 s11  }
.LBB2_58:
0x41c: {  	p1 =	seq.s32 s9, $0xFFFFFFFF  }
.Ltmp44:
0x41d: {  	_ = 	snop;
	(pc) =	sbr.rel @p1 .LBB2_60-.Ltmp44, $1  }
0x41e: {  	_ =	sdelay $0x3  }
0x41f: {  	s0 =	smul.u32 $0x600, s7;
	_ =	sdelay $0x1  }
0x420: {  	s0 =	sshra.s32 s0, $0x2  }
0x421: {  	v0 =	vld [tilespmem:s0+$0xC638];
	_ =	sdelay $0x1  }
0x422: {  	s8 =	smul.u32 $0x600, s9;
	_ =	sdelay $0x1  }
0x423: {  	s8 =	sshra.s32 s8, $0x2  }
0x424: {  	[tilespmem:s8+$0xC638] =	vst.add.f32.msk $0xffff, v0  }
0x425: {  	v0 =	vld [tilespmem:s0+$0xC648];
	_ =	sdelay $0x4  }
0x426: {  	[tilespmem:s8+$0xC648] =	vst.add.f32.msk $0xffff, v0  }
0x427: {  	v0 =	vld [tilespmem:s0+$0xC658];
	_ =	sdelay $0x4  }
0x428: {  	[tilespmem:s8+$0xC658] =	vst.add.f32.msk $0xffff, v0  }
0x429: {  	v0 =	vld [tilespmem:s0+$0xC668];
	_ =	sdelay $0x4  }
0x42a: {  	[tilespmem:s8+$0xC668] =	vst.add.f32.msk $0xffff, v0  }
0x42b: {  	v0 =	vld [tilespmem:s0+$0xC678];
	_ =	sdelay $0x4  }
0x42c: {  	[tilespmem:s8+$0xC678] =	vst.add.f32.msk $0xffff, v0  }
0x42d: {  	v0 =	vld [tilespmem:s0+$0xC688];
	_ =	sdelay $0x4  }
0x42e: {  	[tilespmem:s8+$0xC688] =	vst.add.f32.msk $0xffff, v0  }
0x42f: {  	v0 =	vld [tilespmem:s0+$0xC698];
	_ =	sdelay $0x4  }
0x430: {  	[tilespmem:s8+$0xC698] =	vst.add.f32.msk $0xffff, v0  }
0x431: {  	v0 =	vld [tilespmem:s0+$0xC6A8];
	_ =	sdelay $0x4  }
0x432: {  	[tilespmem:s8+$0xC6A8] =	vst.add.f32.msk $0xffff, v0  }
0x433: {  	v0 =	vld [tilespmem:s0+$0xC6B8];
	_ =	sdelay $0x4  }
0x434: {  	[tilespmem:s8+$0xC6B8] =	vst.add.f32.msk $0xffff, v0  }
0x435: {  	v0 =	vld [tilespmem:s0+$0xC6C8];
	_ =	sdelay $0x4  }
0x436: {  	[tilespmem:s8+$0xC6C8] =	vst.add.f32.msk $0xffff, v0  }
0x437: {  	v0 =	vld [tilespmem:s0+$0xC6D8];
	_ =	sdelay $0x4  }
0x438: {  	[tilespmem:s8+$0xC6D8] =	vst.add.f32.msk $0xffff, v0  }
0x439: {  	v0 =	vld [tilespmem:s0+$0xC6E8];
	_ =	sdelay $0x4  }
0x43a: {  	[tilespmem:s8+$0xC6E8] =	vst.add.f32.msk $0xffff, v0  }
0x43b: {  	v0 =	vld [tilespmem:s0+$0xC6F8];
	_ =	sdelay $0x4  }
0x43c: {  	[tilespmem:s8+$0xC6F8] =	vst.add.f32.msk $0xffff, v0  }
0x43d: {  	v0 =	vld [tilespmem:s0+$0xC708];
	_ =	sdelay $0x4  }
0x43e: {  	[tilespmem:s8+$0xC708] =	vst.add.f32.msk $0xffff, v0  }
0x43f: {  	v0 =	vld [tilespmem:s0+$0xC718];
	_ =	sdelay $0x4  }
0x440: {  	[tilespmem:s8+$0xC718] =	vst.add.f32.msk $0xffff, v0  }
0x441: {  	v0 =	vld [tilespmem:s0+$0xC728];
	_ =	sdelay $0x4  }
0x442: {  	[tilespmem:s8+$0xC728] =	vst.add.f32.msk $0xffff, v0  }
0x443: {  	v0 =	vld [tilespmem:s0+$0xC738];
	_ =	sdelay $0x4  }
0x444: {  	[tilespmem:s8+$0xC738] =	vst.add.f32.msk $0xffff, v0  }
0x445: {  	v0 =	vld [tilespmem:s0+$0xC748];
	_ =	sdelay $0x4  }
0x446: {  	[tilespmem:s8+$0xC748] =	vst.add.f32.msk $0xffff, v0  }
0x447: {  	v0 =	vld [tilespmem:s0+$0xC758];
	_ =	sdelay $0x4  }
0x448: {  	[tilespmem:s8+$0xC758] =	vst.add.f32.msk $0xffff, v0  }
0x449: {  	v0 =	vld [tilespmem:s0+$0xC768];
	_ =	sdelay $0x4  }
0x44a: {  	[tilespmem:s8+$0xC768] =	vst.add.f32.msk $0xffff, v0  }
0x44b: {  	v0 =	vld [tilespmem:s0+$0xC778];
	_ =	sdelay $0x4  }
0x44c: {  	[tilespmem:s8+$0xC778] =	vst.add.f32.msk $0xffff, v0  }
0x44d: {  	v0 =	vld [tilespmem:s0+$0xC788];
	_ =	sdelay $0x4  }
0x44e: {  	[tilespmem:s8+$0xC788] =	vst.add.f32.msk $0xffff, v0  }
0x44f: {  	v0 =	vld [tilespmem:s0+$0xC798];
	_ =	sdelay $0x4  }
0x450: {  	[tilespmem:s8+$0xC798] =	vst.add.f32.msk $0xffff, v0  }
0x451: {  	v0 =	vld [tilespmem:s0+$0xC7A8]  }
.Ltmp45:
0x452: {  	_ = 	snop;
	(pc) =	sbr.rel .LBB2_64-.Ltmp45, $2  }
0x453: {  	_ =	sdelay $0x2  }
0x454: {  	[tilespmem:s8+$0xC7A8] =	vst.add.f32.msk $0xffff, v0  }
.LBB2_60:
0x455: {  	p1 =	slt.u32 s0, $0x24BEF1  }
.Ltmp46:
0x456: {  	_ = 	snop;
	(pc) =	sbr.rel @p1 .LBB2_62-.Ltmp46, $1  }
0x457: {  	_ =	sdelay $0x3  }
.Ltmp47:
0x458: {  	(pc) =	sbr.rel .LBB2_63-.Ltmp47, $2  }
0x459: {  	_ =	sdelay $0x1  }
0x45a: {  	s0 =	smul.u32 $0x600, s7;
	_ =	sdelay $0x1  }
.LBB2_65:
0x45b: {  	p1 =	slt.s32 s2, $0x1  }
.Ltmp48:
0x45c: {  	_ = 	snop;
	(pc) =	sbr.rel @p1 .LBB2_69-.Ltmp48, $3  }
0x45d: {  	_ =	sdelay $0x1  }
0x45e: {  	s0 =	simm.s32 $0x8  }
0x45f: {  	[sflag:s0] =	ssyncpa.u1 $0x1;
	s0 =	simm.s32 $0x0  }
0x460: {  	s3 =	simm.s32 $0xC618  }
0x461: {  	v0 =	vld.msk [tilespmem:s3+$0x0], $0x1;
	_ =	sdelay $0x4  }
0x462: {  	(v2sf) =	vpush v0, $0x0;
	_ =	sdelay $0xe  }
0x463: {  	s4 =	spop (v2sf)  }
0x464: {  	s2 =	sadd.s32 $0xFFFFFFFF, s2;
	p1 =	sgt.u32 s4, $0x24BEF0  }
0x465: {  	s3 =	simm.s32 $0xC638;
	p2 =	sne.s32 s2, $0x0;
	s5 =	sand.u32 @!p1 $0x3FFFF8, s4  }
0x466: {  	s6 =	sadd.s32 @!p1 $0x80, s4;
	s7 =	sadd.s32 @!p1 $0x100, s4;
	s4 =	sand.u32 @!p1 $0x7, s4  }
0x467: {  	s5 =	sadd.s32 @!p1 s1, s5;
	s6 =	sand.u32 @!p1 $0x7FFFF8, s6;
	s7 =	sand.u32 @!p1 $0x7FFFF8, s7  }
0x468: {  	[hbm4b:s5+s4] =	stream.linear.scatter @!p1 [tilespmem:s3], [sflag:$0x7], $0x80, $0x38;
	[tilespmem:$0x1B788] =	vst v63  }
.Ltmp49:
0x469: {  	s5 =	simm.s32 @!p1 $0xC6B8;
	s6 =	sadd.s32 @!p1 s1, s6;
	(pc) =	sbr.rel @!p2 .LBB2_68-.Ltmp49, $4  }
0x46a: {  	[hbm4b:s6+s4] =	stream.linear.scatter @!p1 [tilespmem:s5], [sflag:$0x7], $0x80, $0x38;
	[tilespmem:$0x1B788] =	vst v63  }
0x46b: {  	s5 =	simm.s32 @!p1 $0xC738;
	s6 =	sadd.s32 @!p1 s1, s7  }
0x46c: {  	[hbm4b:s6+s4] =	stream.linear.scatter @!p1 [tilespmem:s5], [sflag:$0x7], $0x80, $0x38;
	[tilespmem:$0x1B788] =	vst v63  }
0x46d: {  	s4 =	simm.s32 $0x0;
	s5 =	simm.s32 $0xC619  }
.LBB2_67:
0x46e: {  	s6 =	simm.s32 $0x0  }
0x46f: {  	v0 =	vld.msk [tilespmem:s5+$0x0], $0x1;
	s2 =	sadd.s32 $0xFFFFFFFF, s2;
	s6 =	simm.s32 @!p1 $0x600  }
0x470: {  	p2 =	sne.s32 s2, $0x0;
	s0 =	sadd.s32 s0, s6;
	_ =	sdelay $0x3  }
0x471: {  	(v2sf) =	vpush v0, $0x0;
	_ =	sdelay $0xe  }
0x472: {  	s6 =	spop (v2sf)  }
0x473: {  	s3 =	sadd.s32 $0x180, s3;
	p1 =	sgt.u32 s6, $0x24BEF0  }
0x474: {  	s7 =	sand.u32 @!p1 $0x3FFFF8, s6;
	s8 =	sadd.s32 @!p1 $0x80, s6;
	s9 =	sadd.s32 @!p1 $0x100, s6  }
0x475: {  	s6 =	sand.u32 @!p1 $0x7, s6;
	s7 =	sadd.s32 @!p1 s1, s7;
	s8 =	sand.u32 @!p1 $0x7FFFF8, s8  }
0x476: {  	[hbm4b:s7+s6] =	stream.linear.scatter @!p1 [tilespmem:s3], [sflag:$0x7], $0x80, $0x38;
	[tilespmem:$0x1B788] =	vst v63  }
.Ltmp50:
0x477: {  	_ = 	snop;
	(pc) =	sbr.rel @p2 .LBB2_67-.Ltmp50, $4  }
0x478: {  	s9 =	sand.u32 @!p1 $0x7FFFF8, s9;
	s7 =	sadd.s32 @!p1 $0x80, s3;
	s8 =	sadd.s32 @!p1 s1, s8  }
0x479: {  	[hbm4b:s8+s6] =	stream.linear.scatter @!p1 [tilespmem:s7], [sflag:$0x7], $0x80, $0x38;
	[tilespmem:$0x1B788] =	vst v63  }
0x47a: {  	s5 =	sadd.s32 $0x1, s5;
	s7 =	sadd.s32 @!p1 $0x100, s3;
	s8 =	sadd.s32 @!p1 s1, s9  }
0x47b: {  	[hbm4b:s8+s6] =	stream.linear.scatter @!p1 [tilespmem:s7], [sflag:$0x7], $0x80, $0x38;
	[tilespmem:$0x1B788] =	vst v63  }
.LBB2_68:
0x47c: {  	s4 =	simm.s32 @!p1 $0x600  }
0x47d: {  	s0 =	sadd.s32 s0, s4  }
0x47e: {  	s0 =	sshrl.u32 s0, $0x2  }
.LBB2_69:
0x47f: {  	s1 =	simm.s32 $0x7  }
0x480: {  	_ =	swait.ge [sflag:s1], s0  }
0x481: {  	s31 =	ssub.s32 $0x0, s0;
	[sflag:s1] =	ssyncset.done $0x0  }
0x482: {  	[sflag:s1] =	ssyncadd.s32 s31  }
0x483: {  	[sflag:s1] =	ssyncpa.u1 $0x1  }
.LBB2_70:
0x484: {  	_ =	sfence;
	s0 =	simm.s32 $0x1  }
0x485: {  	[sflag:s0] =	ssyncpa.u1 $0x1  }
0x486: {  	_ =	strace $0x9000004D  }
0x487: {  	[bflag:$0x2] =	sbarrier.arrive $0xFFFF  }
0x488: {  	s0 =	rddreg [dreg:$0x4]  }
0x489: {  	s0 =	sadd.s32 @!p0 $0x100000, s0  }
0x48a: {  	[sflag:s0] =	ssyncadd.tile.s32 @!p0 $0x1;
	_ =	shalt  }
.Lfunc_end2:
_tile_overlayer_lowered:
.L_overlay_start_2:
0x48b: {  	(tag) =	ssettag $0x2  }
0x48c: {  	s0 =	rddreg [dreg:$0x0];
	s2 =	stileid.u32  }
0x48d: {  	s1 =	rddreg [dreg:$0x1];
	p0 =	sne.s32 s2, $0x0  }
0x48e: {  	s3 =	rddreg [dreg:$0x2];
	[bflag:$0x3] =	sbarrier.arrive $0xFFFF;
	s2 =	simm.s32 @!p0 $0x1C01  }
0x48f: {  	[timem:s3], [sflag:s2] =	dma.local @!p0 [hbm:s0], s1  }
0x490: {  	s0 =	simm.s32 @!p0 $0x1  }
0x491: {  	_ =	swait.ge @!p0 [sflag:s0], s1  }
0x492: {  	s1 =	ssub.s32 @!p0 $0x0, s1;
	[sflag:s0] =	ssyncset.done @!p0 $0x0  }
0x493: {  	[sflag:s0] =	ssyncadd.s32 @!p0 s1  }
0x494: {  	[bflag:$0x3] =	sbarrier.arrive $0xFFFF  }
0x495: {  	_ =	shalt  }

</sc_bundles>
